<compile_context>
chip_gen: v7x
topology: tpu7x:2x2x1
jax: 0.10.2.dev20260603
libtpu: 0.0.44.dev20260713+nightly
codegen_flags: <defaults>
</compile_context>

<pallas_src>
import dataclasses
import functools

import jax
import jax.numpy as jnp
from jax import lax
from jax.experimental import pallas as pl
from jax.experimental.pallas import tpu as pltpu
from jax.experimental.pallas import tpu_sc as plsc

N = 10000
E = 320000
F_IN = 128
H = 128
C = 40

NC = 2
NS = 16
NW = NC * NS
LANES = 16

E_PER_TILE = E // NW
EPT = 10240
E_PAD = EPT * NW
N_PAD = 10112
N_PER_TILE = N_PAD // NS
ZR = 8
KD = 128
DNF = EPT // KD
DRING = 5
KS = 80
SNF = EPT // KS
CR = 4
NR = SNF // CR

_mesh = plsc.VectorSubcoreMesh(core_axis_name="c", subcore_axis_name="s")
_CP = pltpu.CompilerParams()
if "needs_layout_passes" in pltpu.CompilerParams.__dataclass_fields__:
    _CP = dataclasses.replace(_CP, needs_layout_passes=False)


def _sc_degree(dst):

    @functools.partial(
        pl.kernel,
        out_type=jax.ShapeDtypeStruct((NW, N_PAD), jnp.float32),
        mesh=_mesh,
        compiler_params=_CP,
        scratch_types=[
            pltpu.VMEM((N_PAD,), jnp.float32),
            pltpu.VMEM((EPT,), jnp.int32),
        ],
    )
    def k(dst_h, out_h, hist, dstb):
        c = lax.axis_index("c")
        s = lax.axis_index("s")
        wid = c * NS + s

        @pl.loop(0, N_PAD // LANES)
        def _(i):
            hist[pl.ds(i * LANES, LANES)] = jnp.zeros((LANES,), jnp.float32)

        pltpu.sync_copy(dst_h.at[pl.ds(wid * EPT, EPT)], dstb)
        one = jnp.full((LANES,), 1.0, jnp.float32)

        @pl.loop(0, EPT // LANES)
        def _(i):
            iv = dstb[pl.ds(i * LANES, LANES)]
            plsc.addupdate_scatter(hist, [iv], one)

        pltpu.sync_copy(hist, out_h.at[wid])

    return k(dst)


def _sc_scatter(table, eidx, d):

    @functools.partial(
        pl.kernel,
        out_type=jax.ShapeDtypeStruct((NC, N_PAD, d), jnp.float32),
        mesh=_mesh,
        scratch_types=(
            [pltpu.VMEM((2, KS), jnp.int32)] * 8
            + [pltpu.VMEM((KS, d), jnp.float32)] * 4
            + [
                pltpu.VMEM((ZR, d), jnp.float32),
                pltpu.VMEM_SHARED((N_PAD, d), jnp.float32),
            ]
            + [pltpu.SemaphoreType.DMA] * 2
            + [pltpu.SemaphoreType.DMA] * 2
            + [pltpu.SemaphoreType.DMA]
        ),
    )
    def k(table_h, eidx_h, out_h, *refs):
        idxb = refs[0:8]
        rows = refs[8:12]
        zbuf = refs[12]
        acc = refs[13]
        gsem = refs[14:16]
        asem = refs[16:18]
        isem = refs[18]
        c = lax.axis_index("c")
        s = lax.axis_index("s")
        wid = c * NS + s

        @pl.loop(0, ZR)
        def _(i):
            @pl.loop(0, d, step=LANES)
            def _(j):
                zbuf[i, pl.ds(j, LANES)] = jnp.zeros((LANES,), jnp.float32)

        base_row = s * N_PER_TILE

        @pl.loop(0, N_PER_TILE // ZR)
        def _(r):
            pltpu.sync_copy(zbuf, acc.at[pl.ds(base_row + r * ZR, ZR)])

        plsc.subcore_barrier()

        cbase = wid * SNF

        for j in range(2):
            pltpu.sync_copy(eidx_h.at[cbase + j], idxb[j])
            pltpu.async_copy(table_h.at[idxb[j].at[0]], rows[j], gsem[j])
        pltpu.async_copy(eidx_h.at[cbase + 2], idxb[2], isem)

        NIT = SNF // 8

        @pl.loop(0, NIT)
        def _(it):
            cn0 = it * 8
            for j in range(8):
                r4 = j % 4
                sg = j % 2
                pltpu.make_async_copy(
                    table_h.at[idxb[j].at[0]], rows[r4], gsem[sg]
                ).wait()

                def wait_add():
                    pltpu.make_async_copy(
                        rows[(j - 2) % 4],
                        acc.at[idxb[(j - 2) % 8].at[1]],
                        asem[sg],
                    ).wait()

                if j < 2:

                    @pl.when(it > 0)
                    def _():
                        wait_add()

                else:
                    wait_add()
                pltpu.async_copy(
                    rows[r4], acc.at[idxb[j].at[1]], asem[sg], add=True
                )

                def prefetch(fire_gather, fire_idx):
                    if fire_gather:
                        pltpu.make_async_copy(
                            eidx_h.at[cbase + cn0 + j + 2], idxb[(j + 2) % 8],
                            isem,
                        ).wait()
                        pltpu.async_copy(
                            table_h.at[idxb[(j + 2) % 8].at[0]],
                            rows[(j + 2) % 4],
                            gsem[sg],
                        )
                    if fire_idx:
                        pltpu.async_copy(
                            eidx_h.at[cbase + cn0 + j + 3], idxb[(j + 3) % 8],
                            isem,
                        )

                if j < 5:
                    prefetch(True, True)
                elif j < 6:

                    @pl.when(it + 1 < NIT)
                    def _():
                        prefetch(False, True)

                    prefetch(True, False)
                else:

                    @pl.when(it + 1 < NIT)
                    def _():
                        prefetch(True, True)

        for j in range(2):
            pltpu.make_async_copy(
                rows[2 + j], acc.at[idxb[6 + j].at[1]], asem[j]
            ).wait()

        plsc.subcore_barrier()
        pltpu.sync_copy(
            acc.at[pl.ds(base_row, N_PER_TILE)],
            out_h.at[c, pl.ds(base_row, N_PER_TILE)],
        )

    return k(table, eidx)


RB = 632


def _dinv_of(degp_ref):
    deg = jnp.sum(degp_ref[0], axis=0) + 1.0
    return lax.rsqrt(deg).reshape(RB, 1)


def _stage1_body(x_ref, w1_ref, degp_ref, hs1_ref):
    dinv = _dinv_of(degp_ref)
    h = jnp.dot(x_ref[...], w1_ref[...], preferred_element_type=jnp.float32)
    hs1_ref[...] = h * dinv


def _stage2_body(s1p_ref, hs1_ref, degp_ref, b1_ref, h1_ref, g_ref):
    dinv = _dinv_of(degp_ref)
    s1 = s1p_ref[0] + s1p_ref[1] + hs1_ref[...]
    h1 = s1 * dinv + b1_ref[...]
    h1_ref[...] = h1
    g_ref[...] = jnp.maximum(h1, 0.0) * dinv


def _stage3_body(
    s2p_ref, g_ref, degp_ref, h1_ref, w2_ref, wa_ref, wb_ref, b2_ref, blin_ref,
    out_ref,
):
    dinv = _dinv_of(degp_ref)
    t = (s2p_ref[0] + s2p_ref[1] + g_ref[...]) * dinv
    h2 = jnp.dot(t, w2_ref[...], preferred_element_type=jnp.float32) + b2_ref[...]
    final = (
        jnp.dot(h1_ref[...], wa_ref[...], preferred_element_type=jnp.float32)
        + jnp.dot(h2, wb_ref[...], preferred_element_type=jnp.float32)
        + blin_ref[...]
    )
    m = jnp.max(final, axis=1, keepdims=True)
    e = jnp.exp(final - m)
    lse = jnp.log(jnp.sum(e, axis=1, keepdims=True))
    out_ref[...] = final - m - lse


def _row_spec(d):
    return pl.BlockSpec((RB, d), lambda i: (i, 0))


def _part_spec(d):
    return pl.BlockSpec((2, RB, d), lambda i: (0, i, 0))


_deg_spec = pl.BlockSpec((1, NW, RB), lambda i: (i, 0, 0))


def _full_spec(r, c_):
    return pl.BlockSpec((r, c_), lambda i: (0, 0))


def kernel(x, edge_index, W1, b1, W2, b2, Wlin, blin):
    pad_ids = N + jnp.arange(EPT - E_PER_TILE, dtype=jnp.int32) % (N_PAD - N)
    pad_blk = jnp.broadcast_to(pad_ids, (2, NW, EPT - E_PER_TILE))
    eip = jnp.concatenate(
        [edge_index.reshape(2, NW, E_PER_TILE), pad_blk], axis=2
    ).reshape(2, E_PAD)
    src = eip[0]
    dst = eip[1]
    eic = eip.reshape(2, NW, SNF, KS).transpose(1, 2, 0, 3).reshape(NW * SNF, 2, KS)
    xp = jnp.pad(x, ((0, N_PAD - N), (0, 0)))

    degp = _sc_degree(dst).reshape(NW, NS, N_PER_TILE).transpose(1, 0, 2)

    hs1 = pl.pallas_call(
        _stage1_body,
        grid=(N_PAD // RB,),
        in_specs=[_row_spec(F_IN), _full_spec(F_IN, H), _deg_spec],
        out_specs=_row_spec(H),
        out_shape=jax.ShapeDtypeStruct((N_PAD, H), jnp.float32),
    )(xp, W1, degp)

    s1p = _sc_scatter(hs1, eic, H)

    b1r = b1.reshape(1, H)
    h1, g = pl.pallas_call(
        _stage2_body,
        grid=(N_PAD // RB,),
        in_specs=[
            _part_spec(H),
            _row_spec(H),
            _deg_spec,
            _full_spec(1, H),
        ],
        out_specs=[_row_spec(H), _row_spec(H)],
        out_shape=[
            jax.ShapeDtypeStruct((N_PAD, H), jnp.float32),
            jax.ShapeDtypeStruct((N_PAD, H), jnp.float32),
        ],
    )(s1p, hs1, degp, b1r)

    s2p = _sc_scatter(g, eic, H)

    Wa = Wlin[:H]
    Wb = Wlin[H:]
    b2r = b2.reshape(1, C)
    blinr = blin.reshape(1, C)
    out = pl.pallas_call(
        _stage3_body,
        grid=(N_PAD // RB,),
        in_specs=[
            _part_spec(H),
            _row_spec(H),
            _deg_spec,
            _row_spec(H),
            _full_spec(H, C),
            _full_spec(H, C),
            _full_spec(C, C),
            _full_spec(1, C),
            _full_spec(1, C),
        ],
        out_specs=_row_spec(C),
        out_shape=jax.ShapeDtypeStruct((N_PAD, C), jnp.float32),
    )(s2p, g, degp, h1, W2, Wa, Wb, b2r, blinr)
    return out[:N]

# --- scband reference (transcript-rebuilt; emitter-appended) ---
"""Pipeline reference for scband-gcn0001-20469814133398 (READ-ONLY COPY).

The authoritative reference and input builder live on the scoring server;
editing this copy changes nothing except your own understanding.
"""

import jax, jax.numpy as jnp
import numpy as np

N = 10000
E = 320000
F_IN = 128
H = 128
C = 40

def setup_inputs(seed: int = 0) -> dict:
    key = jax.random.key(seed)
    ks = jax.random.split(key, 8)
    x = jax.random.normal(ks[0], (N, F_IN), dtype=jnp.float32)
    edge_index = jax.random.randint(ks[1], (2, E), 0, N, dtype=jnp.int32)
    W1 = jax.random.normal(ks[2], (F_IN, H), dtype=jnp.float32) * 0.05
    b1 = jnp.zeros((H,), dtype=jnp.float32)
    W2 = jax.random.normal(ks[3], (H, C), dtype=jnp.float32) * 0.05
    b2 = jnp.zeros((C,), dtype=jnp.float32)
    Wlin = jax.random.normal(ks[4], (H + C, C), dtype=jnp.float32) * 0.05
    blin = jnp.zeros((C,), dtype=jnp.float32)
    return {"x": x, "edge_index": edge_index, "W1": W1, "b1": b1, "W2": W2, "b2": b2, "Wlin": Wlin, "blin": blin}

def gcn_conv(x, edge_index, W, b):
    src = edge_index[0]
    dst = edge_index[1]
    loop = jnp.arange(N, dtype=src.dtype)
    src = jnp.concatenate([src, loop])
    dst = jnp.concatenate([dst, loop])
    h = x @ W
    deg = jnp.zeros((N,), dtype=h.dtype).at[dst].add(1.0)
    dinv = jnp.where(deg > 0, jax.lax.rsqrt(jnp.maximum(deg, 1e-12)), 0.0)
    norm = dinv[src] * dinv[dst]
    msg = h[src] * norm[:, None]
    out = jax.ops.segment_sum(msg, dst, num_segments=N)
    return out + b

def reference(x, edge_index, W1, b1, W2, b2, Wlin, blin):
    # eval mode: dropout is identity
    h1 = gcn_conv(x, edge_index, W1, b1)
    r1 = h1
    h1a = jax.nn.relu(h1)
    h2 = gcn_conv(h1a, edge_index, W2, b2)
    r2 = jnp.concatenate([r1, h2], axis=1)
    final = r2 @ Wlin + blin
    return jax.nn.log_softmax(final, axis=1)

if __name__ == "__main__":
    import jax
    _d = setup_inputs()
    print(jax.jit(kernel)(*tuple(_d.values())))

</pallas_src>

<mosaic_0001>
#map = affine_map<(d0, d1) -> (0, 0)>
#map1 = affine_map<(d0, d1) -> (0, 0, 0)>
module attributes {stable_mosaic.version = 14 : i64} {
  func.func @k(%arg0: i32, %arg1: i32, %arg2: memref<10112x128xf32, #tpu.memory_space<hbm>>, %arg3: memref<4096x2x80xi32, #tpu.memory_space<hbm>>, %arg4: memref<2x10112x128xf32, #tpu.memory_space<hbm>>, %arg5: memref<2x80xi32, #tpu.memory_space<vmem>>, %arg6: memref<2x80xi32, #tpu.memory_space<vmem>>, %arg7: memref<2x80xi32, #tpu.memory_space<vmem>>, %arg8: memref<2x80xi32, #tpu.memory_space<vmem>>, %arg9: memref<2x80xi32, #tpu.memory_space<vmem>>, %arg10: memref<2x80xi32, #tpu.memory_space<vmem>>, %arg11: memref<2x80xi32, #tpu.memory_space<vmem>>, %arg12: memref<2x80xi32, #tpu.memory_space<vmem>>, %arg13: memref<80x128xf32, #tpu.memory_space<vmem>>, %arg14: memref<80x128xf32, #tpu.memory_space<vmem>>, %arg15: memref<80x128xf32, #tpu.memory_space<vmem>>, %arg16: memref<80x128xf32, #tpu.memory_space<vmem>>, %arg17: memref<8x128xf32, #tpu.memory_space<vmem>>, %arg18: memref<10112x128xf32, #tpu.memory_space<vmem_shared>>, %arg19: memref<!tpu.dma_semaphore, #tpu.memory_space<semaphore_mem>>, %arg20: memref<!tpu.dma_semaphore, #tpu.memory_space<semaphore_mem>>, %arg21: memref<!tpu.dma_semaphore, #tpu.memory_space<semaphore_mem>>, %arg22: memref<!tpu.dma_semaphore, #tpu.memory_space<semaphore_mem>>, %arg23: memref<!tpu.dma_semaphore, #tpu.memory_space<semaphore_mem>>) attributes {dimension_semantics = [#tpu.dimension_semantics<core_parallel>, #tpu.dimension_semantics<subcore_parallel>], iteration_bounds = array<i64: 2, 16>, scalar_prefetch = 0 : i64, scratch_operands = 19 : i64, tpu.core_type = #tpu.core_type<sc_vector_subcore>, window_params = [{transform_indices = #map}, {transform_indices = #map1}, {transform_indices = #map1}]} {
    %mul3A = arith.constant 16 : i32
    %mul3A_0 = arith.muli %arg0, %mul3A : i32
    %add3A = arith.addi %mul3A_0, %arg1 : i32
    %scan3A = arith.constant 0 : i32
    %scan3A_1 = arith.constant 8 : i32
    %scan3A_2 = arith.addi %scan3A, %scan3A_1 : i32
    %scan3A_3 = arith.constant 1 : i32
    scf.for %scan3A_60 = %scan3A to %scan3A_2 step %scan3A_3  : i32 {
      %mul3A_61 = arith.constant 1 : i32
      %mul3A_62 = arith.muli %scan3A_60, %mul3A_61 : i32
      %add3A_63 = arith.constant 0 : i32
      %add3A_64 = arith.addi %add3A_63, %mul3A_62 : i32
      %scan3A_65 = arith.constant 0 : i32
      %scan3A_66 = arith.constant 8 : i32
      %scan3A_67 = arith.addi %scan3A_65, %scan3A_66 : i32
      %scan3A_68 = arith.constant 1 : i32
      scf.for %scan3A_70 = %scan3A_65 to %scan3A_67 step %scan3A_68  : i32 {
        %mul3A_71 = arith.constant 16 : i32
        %mul3A_72 = arith.muli %scan3A_70, %mul3A_71 : i32
        %add3A_73 = arith.constant 0 : i32
        %add3A_74 = arith.addi %add3A_73, %mul3A_72 : i32
        %broadcast_in_dim3A = arith.constant 0.000000e+00 : f32
        %broadcast_in_dim3A_75 = vector.broadcast %broadcast_in_dim3A : f32 to vector<16xf32>
        %swap3A = arith.index_cast %add3A_64 : i32 to index
        %swap3A_76 = arith.index_cast %add3A_74 : i32 to index
        %swap3A_77 = tpu.vector_load %arg17[%swap3A, %swap3A_76] {strides = array<i32>} : memref<8x128xf32, #tpu.memory_space<vmem>>, vector<1x16xf32>,
        %swap3A_78 = vector.shape_cast %swap3A_77 : vector<1x16xf32> to vector<16xf32>
        %swap3A_79 = vector.shape_cast %broadcast_in_dim3A_75 : vector<16xf32> to vector<1x16xf32>
        tpu.vector_store %arg17[%swap3A, %swap3A_76], %swap3A_79 {strides = array<i32>} : memref<8x128xf32, #tpu.memory_space<vmem>>, vector<1x16xf32>,
      }
      %scan3A_69 = arith.constant 8 : i32
    }
    %scan3A_4 = arith.constant 8 : i32
    %mul3A_5 = arith.constant 632 : i32
    %mul3A_6 = arith.muli %arg1, %mul3A_5 : i32
    %scan3A_7 = arith.constant 0 : i32
    %scan3A_8 = arith.constant 79 : i32
    %scan3A_9 = arith.addi %scan3A_7, %scan3A_8 : i32
    %scan3A_10 = arith.constant 1 : i32
    scf.for %scan3A_60 = %scan3A_7 to %scan3A_9 step %scan3A_10  : i32 {
      %mul3A_61 = arith.constant 1 : i32
      %mul3A_62 = arith.muli %scan3A_60, %mul3A_61 : i32
      %add3A_63 = arith.constant 0 : i32
      %add3A_64 = arith.addi %add3A_63, %mul3A_62 : i32
      %mul3A_65 = arith.constant 8 : i32
      %mul3A_66 = arith.muli %add3A_64, %mul3A_65 : i32
      %add3A_67 = arith.addi %mul3A_6, %mul3A_66 : i32
      "tpu.region"() ({
        %run_scoped3A = tpu.sem_alloc : memref<!tpu.dma_semaphore, #tpu.memory_space<semaphore_mem>>
        %dma_start3A_68 = arith.constant 0 : i32
        %dma_start3A_69 = tpu.memref_slice %arg18[%add3A_67, %dma_start3A_68] : memref<10112x128xf32, #tpu.memory_space<vmem_shared>> -> memref<8x128xf32, #tpu.memory_space<vmem_shared>>
        %dma_start3A_70 = arith.constant 0 : i32
        %dma_start3A_71 = tpu.memref_slice %arg18[%add3A_67, %dma_start3A_70] : memref<10112x128xf32, #tpu.memory_space<vmem_shared>> -> memref<8x128xf32, #tpu.memory_space<vmem_shared>>
        tpu.enqueue_dma source(%arg17 : memref<8x128xf32, #tpu.memory_space<vmem>>) target(%dma_start3A_71 : memref<8x128xf32, #tpu.memory_space<vmem_shared>>) target_semaphore(%run_scoped3A : memref<!tpu.dma_semaphore, #tpu.memory_space<semaphore_mem>>)
        %dma_wait3A_72 = arith.constant 0 : i32
        %dma_wait3A_73 = tpu.memref_slice %arg18[%add3A_67, %dma_wait3A_72] : memref<10112x128xf32, #tpu.memory_space<vmem_shared>> -> memref<8x128xf32, #tpu.memory_space<vmem_shared>>
        %dma_wait3A_74 = arith.constant 0 : i32
        %dma_wait3A_75 = tpu.memref_slice %arg18[%add3A_67, %dma_wait3A_74] : memref<10112x128xf32, #tpu.memory_space<vmem_shared>> -> memref<8x128xf32, #tpu.memory_space<vmem_shared>>
        tpu.wait_dma2 semaphore(%run_scoped3A : memref<!tpu.dma_semaphore, #tpu.memory_space<semaphore_mem>>) src(%arg17 : memref<8x128xf32, #tpu.memory_space<vmem>>) dst(%dma_wait3A_75 : memref<8x128xf32, #tpu.memory_space<vmem_shared>>)
        tpu.yield
      }) : () -> ()
    }
    %scan3A_11 = arith.constant 79 : i32
    %barrier3A = arith.constant 0 : index
    tpu.barrier barrier_id(%barrier3A)
    %mul3A_12 = arith.constant 128 : i32
    %mul3A_13 = arith.muli %add3A, %mul3A_12 : i32
    %add3A_14 = arith.constant 0 : i32
    %add3A_15 = arith.addi %mul3A_13, %add3A_14 : i32
    "tpu.region"() ({
      %run_scoped3A = tpu.sem_alloc : memref<!tpu.dma_semaphore, #tpu.memory_space<semaphore_mem>>
      %dma_start3A_60 = arith.constant 0 : i32
      %dma_start3A_61 = arith.constant 0 : i32
      %dma_start3A_62 = tpu.memref_slice %arg3[%add3A_15, %dma_start3A_60, %dma_start3A_61] : memref<4096x2x80xi32, #tpu.memory_space<hbm>> -> memref<1x2x80xi32, #tpu.memory_space<hbm>>
      %dma_start3A_63 = tpu.memref_squeeze %dma_start3A_62 : memref<1x2x80xi32, #tpu.memory_space<hbm>> -> memref<2x80xi32, #tpu.memory_space<hbm>>
      %dma_start3A_64 = arith.constant 0 : i32
      %dma_start3A_65 = arith.constant 0 : i32
      %dma_start3A_66 = tpu.memref_slice %arg3[%add3A_15, %dma_start3A_64, %dma_start3A_65] : memref<4096x2x80xi32, #tpu.memory_space<hbm>> -> memref<1x2x80xi32, #tpu.memory_space<hbm>>
      %dma_start3A_67 = tpu.memref_squeeze %dma_start3A_66 : memref<1x2x80xi32, #tpu.memory_space<hbm>> -> memref<2x80xi32, #tpu.memory_space<hbm>>
      tpu.enqueue_dma source(%dma_start3A_67 : memref<2x80xi32, #tpu.memory_space<hbm>>) target(%arg5 : memref<2x80xi32, #tpu.memory_space<vmem>>) target_semaphore(%run_scoped3A : memref<!tpu.dma_semaphore, #tpu.memory_space<semaphore_mem>>)
      %dma_wait3A_68 = arith.constant 0 : i32
      %dma_wait3A_69 = arith.constant 0 : i32
      %dma_wait3A_70 = tpu.memref_slice %arg3[%add3A_15, %dma_wait3A_68, %dma_wait3A_69] : memref<4096x2x80xi32, #tpu.memory_space<hbm>> -> memref<1x2x80xi32, #tpu.memory_space<hbm>>
      %dma_wait3A_71 = tpu.memref_squeeze %dma_wait3A_70 : memref<1x2x80xi32, #tpu.memory_space<hbm>> -> memref<2x80xi32, #tpu.memory_space<hbm>>
      %dma_wait3A_72 = arith.constant 0 : i32
      %dma_wait3A_73 = arith.constant 0 : i32
      %dma_wait3A_74 = tpu.memref_slice %arg3[%add3A_15, %dma_wait3A_72, %dma_wait3A_73] : memref<4096x2x80xi32, #tpu.memory_space<hbm>> -> memref<1x2x80xi32, #tpu.memory_space<hbm>>
      %dma_wait3A_75 = tpu.memref_squeeze %dma_wait3A_74 : memref<1x2x80xi32, #tpu.memory_space<hbm>> -> memref<2x80xi32, #tpu.memory_space<hbm>>
      tpu.wait_dma2 semaphore(%run_scoped3A : memref<!tpu.dma_semaphore, #tpu.memory_space<semaphore_mem>>) src(%dma_wait3A_75 : memref<2x80xi32, #tpu.memory_space<hbm>>) dst(%arg5 : memref<2x80xi32, #tpu.memory_space<vmem>>)
      tpu.yield
    }) : () -> ()
    %dma_start3A = arith.constant 0 : i32
    %dma_start3A_16 = arith.constant 0 : i32
    %dma_start3A_17 = tpu.memref_slice %arg5[%dma_start3A, %dma_start3A_16] : memref<2x80xi32, #tpu.memory_space<vmem>> -> memref<1x80xi32, #tpu.memory_space<vmem>>
    %dma_start3A_18 = tpu.memref_squeeze %dma_start3A_17 : memref<1x80xi32, #tpu.memory_space<vmem>> -> memref<80xi32, #tpu.memory_space<vmem>>
    %dma_start3A_19 = arith.constant 0 : i32
    %dma_start3A_20 = arith.constant 0 : i32
    %dma_start3A_21 = tpu.memref_slice %arg2[%dma_start3A_19, %dma_start3A_20] : memref<10112x128xf32, #tpu.memory_space<hbm>> -> memref<10112x128xf32, #tpu.memory_space<hbm>>
    tpu.enqueue_indirect_dma source(%dma_start3A_21 : memref<10112x128xf32, #tpu.memory_space<hbm>>) target(%arg13 : memref<80x128xf32, #tpu.memory_space<vmem>>) offsets(%dma_start3A_18 : memref<80xi32, #tpu.memory_space<vmem>>) semaphore(%arg19 : memref<!tpu.dma_semaphore, #tpu.memory_space<semaphore_mem>>)
    %add3A_22 = arith.constant 1 : i32
    %add3A_23 = arith.addi %mul3A_13, %add3A_22 : i32
    "tpu.region"() ({
      %run_scoped3A = tpu.sem_alloc : memref<!tpu.dma_semaphore, #tpu.memory_space<semaphore_mem>>
      %dma_start3A_60 = arith.constant 0 : i32
      %dma_start3A_61 = arith.constant 0 : i32
      %dma_start3A_62 = tpu.memref_slice %arg3[%add3A_23, %dma_start3A_60, %dma_start3A_61] : memref<4096x2x80xi32, #tpu.memory_space<hbm>> -> memref<1x2x80xi32, #tpu.memory_space<hbm>>
      %dma_start3A_63 = tpu.memref_squeeze %dma_start3A_62 : memref<1x2x80xi32, #tpu.memory_space<hbm>> -> memref<2x80xi32, #tpu.memory_space<hbm>>
      %dma_start3A_64 = arith.constant 0 : i32
      %dma_start3A_65 = arith.constant 0 : i32
      %dma_start3A_66 = tpu.memref_slice %arg3[%add3A_23, %dma_start3A_64, %dma_start3A_65] : memref<4096x2x80xi32, #tpu.memory_space<hbm>> -> memref<1x2x80xi32, #tpu.memory_space<hbm>>
      %dma_start3A_67 = tpu.memref_squeeze %dma_start3A_66 : memref<1x2x80xi32, #tpu.memory_space<hbm>> -> memref<2x80xi32, #tpu.memory_space<hbm>>
      tpu.enqueue_dma source(%dma_start3A_67 : memref<2x80xi32, #tpu.memory_space<hbm>>) target(%arg6 : memref<2x80xi32, #tpu.memory_space<vmem>>) target_semaphore(%run_scoped3A : memref<!tpu.dma_semaphore, #tpu.memory_space<semaphore_mem>>)
      %dma_wait3A_68 = arith.constant 0 : i32
      %dma_wait3A_69 = arith.constant 0 : i32
      %dma_wait3A_70 = tpu.memref_slice %arg3[%add3A_23, %dma_wait3A_68, %dma_wait3A_69] : memref<4096x2x80xi32, #tpu.memory_space<hbm>> -> memref<1x2x80xi32, #tpu.memory_space<hbm>>
      %dma_wait3A_71 = tpu.memref_squeeze %dma_wait3A_70 : memref<1x2x80xi32, #tpu.memory_space<hbm>> -> memref<2x80xi32, #tpu.memory_space<hbm>>
      %dma_wait3A_72 = arith.constant 0 : i32
      %dma_wait3A_73 = arith.constant 0 : i32
      %dma_wait3A_74 = tpu.memref_slice %arg3[%add3A_23, %dma_wait3A_72, %dma_wait3A_73] : memref<4096x2x80xi32, #tpu.memory_space<hbm>> -> memref<1x2x80xi32, #tpu.memory_space<hbm>>
      %dma_wait3A_75 = tpu.memref_squeeze %dma_wait3A_74 : memref<1x2x80xi32, #tpu.memory_space<hbm>> -> memref<2x80xi32, #tpu.memory_space<hbm>>
      tpu.wait_dma2 semaphore(%run_scoped3A : memref<!tpu.dma_semaphore, #tpu.memory_space<semaphore_mem>>) src(%dma_wait3A_75 : memref<2x80xi32, #tpu.memory_space<hbm>>) dst(%arg6 : memref<2x80xi32, #tpu.memory_space<vmem>>)
      tpu.yield
    }) : () -> ()
    %dma_start3A_24 = arith.constant 0 : i32
    %dma_start3A_25 = arith.constant 0 : i32
    %dma_start3A_26 = tpu.memref_slice %arg6[%dma_start3A_24, %dma_start3A_25] : memref<2x80xi32, #tpu.memory_space<vmem>> -> memref<1x80xi32, #tpu.memory_space<vmem>>
    %dma_start3A_27 = tpu.memref_squeeze %dma_start3A_26 : memref<1x80xi32, #tpu.memory_space<vmem>> -> memref<80xi32, #tpu.memory_space<vmem>>
    %dma_start3A_28 = arith.constant 0 : i32
    %dma_start3A_29 = arith.constant 0 : i32
    %dma_start3A_30 = tpu.memref_slice %arg2[%dma_start3A_28, %dma_start3A_29] : memref<10112x128xf32, #tpu.memory_space<hbm>> -> memref<10112x128xf32, #tpu.memory_space<hbm>>
    tpu.enqueue_indirect_dma source(%dma_start3A_30 : memref<10112x128xf32, #tpu.memory_space<hbm>>) target(%arg14 : memref<80x128xf32, #tpu.memory_space<vmem>>) offsets(%dma_start3A_27 : memref<80xi32, #tpu.memory_space<vmem>>) semaphore(%arg20 : memref<!tpu.dma_semaphore, #tpu.memory_space<semaphore_mem>>)
    %add3A_31 = arith.constant 2 : i32
    %add3A_32 = arith.addi %mul3A_13, %add3A_31 : i32
    %dma_start3A_33 = arith.constant 0 : i32
    %dma_start3A_34 = arith.constant 0 : i32
    %dma_start3A_35 = tpu.memref_slice %arg3[%add3A_32, %dma_start3A_33, %dma_start3A_34] : memref<4096x2x80xi32, #tpu.memory_space<hbm>> -> memref<1x2x80xi32, #tpu.memory_space<hbm>>
    %dma_start3A_36 = tpu.memref_squeeze %dma_start3A_35 : memref<1x2x80xi32, #tpu.memory_space<hbm>> -> memref<2x80xi32, #tpu.memory_space<hbm>>
    %dma_start3A_37 = arith.constant 0 : i32
    %dma_start3A_38 = arith.constant 0 : i32
    %dma_start3A_39 = tpu.memref_slice %arg3[%add3A_32, %dma_start3A_37, %dma_start3A_38] : memref<4096x2x80xi32, #tpu.memory_space<hbm>> -> memref<1x2x80xi32, #tpu.memory_space<hbm>>
    %dma_start3A_40 = tpu.memref_squeeze %dma_start3A_39 : memref<1x2x80xi32, #tpu.memory_space<hbm>> -> memref<2x80xi32, #tpu.memory_space<hbm>>
    tpu.enqueue_dma source(%dma_start3A_40 : memref<2x80xi32, #tpu.memory_space<hbm>>) target(%arg7 : memref<2x80xi32, #tpu.memory_space<vmem>>) target_semaphore(%arg23 : memref<!tpu.dma_semaphore, #tpu.memory_space<semaphore_mem>>)
    %scan3A_41 = arith.constant 0 : i32
    %scan3A_42 = arith.constant 16 : i32
    %scan3A_43 = arith.addi %scan3A_41, %scan3A_42 : i32
    %scan3A_44 = arith.constant 1 : i32
    scf.for %scan3A_60 = %scan3A_41 to %scan3A_43 step %scan3A_44  : i32 {
      %mul3A_61 = arith.constant 1 : i32
      %mul3A_62 = arith.muli %scan3A_60, %mul3A_61 : i32
      %add3A_63 = arith.constant 0 : i32
      %add3A_64 = arith.addi %add3A_63, %mul3A_62 : i32
      %mul3A_65 = arith.constant 8 : i32
      %mul3A_66 = arith.muli %add3A_64, %mul3A_65 : i32
      %dma_wait3A_67 = arith.constant 0 : i32
      %dma_wait3A_68 = arith.constant 0 : i32
      %dma_wait3A_69 = tpu.memref_slice %arg5[%dma_wait3A_67, %dma_wait3A_68] : memref<2x80xi32, #tpu.memory_space<vmem>> -> memref<1x80xi32, #tpu.memory_space<vmem>>
      %dma_wait3A_70 = tpu.memref_squeeze %dma_wait3A_69 : memref<1x80xi32, #tpu.memory_space<vmem>> -> memref<80xi32, #tpu.memory_space<vmem>>
      %dma_wait3A_71 = arith.constant 0 : i32
      %dma_wait3A_72 = arith.constant 0 : i32
      %dma_wait3A_73 = tpu.memref_slice %arg2[%dma_wait3A_71, %dma_wait3A_72] : memref<10112x128xf32, #tpu.memory_space<hbm>> -> memref<10112x128xf32, #tpu.memory_space<hbm>>
      tpu.wait_indirect_dma semaphore(%arg19 : memref<!tpu.dma_semaphore, #tpu.memory_space<semaphore_mem>>) src(%dma_wait3A_73 : memref<10112x128xf32, #tpu.memory_space<hbm>>) dst(%arg13 : memref<80x128xf32, #tpu.memory_space<vmem>>)
      %gt3A = arith.constant 0 : i32
      %gt3A_74 = arith.cmpi sgt, %add3A_64, %gt3A : i32
      %convert_element_type3A = arith.extui %gt3A_74 : i1 to i32
      %cond3A = arith.constant 0 : i32
      %cond3A_75 = arith.cmpi ne, %convert_element_type3A, %cond3A : i32
      scf.if %cond3A_75 {
        %dma_wait3A_433 = arith.constant 1 : i32
        %dma_wait3A_434 = arith.constant 0 : i32
        %dma_wait3A_435 = tpu.memref_slice %arg11[%dma_wait3A_433, %dma_wait3A_434] : memref<2x80xi32, #tpu.memory_space<vmem>> -> memref<1x80xi32, #tpu.memory_space<vmem>>
        %dma_wait3A_436 = tpu.memref_squeeze %dma_wait3A_435 : memref<1x80xi32, #tpu.memory_space<vmem>> -> memref<80xi32, #tpu.memory_space<vmem>>
        %dma_wait3A_437 = arith.constant 0 : i32
        %dma_wait3A_438 = arith.constant 0 : i32
        %dma_wait3A_439 = tpu.memref_slice %arg18[%dma_wait3A_437, %dma_wait3A_438] : memref<10112x128xf32, #tpu.memory_space<vmem_shared>> -> memref<10112x128xf32, #tpu.memory_space<vmem_shared>>
        tpu.wait_indirect_dma semaphore(%arg21 : memref<!tpu.dma_semaphore, #tpu.memory_space<semaphore_mem>>) src(%arg15 : memref<80x128xf32, #tpu.memory_space<vmem>>) dst(%dma_wait3A_439 : memref<10112x128xf32, #tpu.memory_space<vmem_shared>>)
      } else {
      }
      %dma_start3A_76 = arith.constant 1 : i32
      %dma_start3A_77 = arith.constant 0 : i32
      %dma_start3A_78 = tpu.memref_slice %arg5[%dma_start3A_76, %dma_start3A_77] : memref<2x80xi32, #tpu.memory_space<vmem>> -> memref<1x80xi32, #tpu.memory_space<vmem>>
      %dma_start3A_79 = tpu.memref_squeeze %dma_start3A_78 : memref<1x80xi32, #tpu.memory_space<vmem>> -> memref<80xi32, #tpu.memory_space<vmem>>
      %dma_start3A_80 = arith.constant 0 : i32
      %dma_start3A_81 = arith.constant 0 : i32
      %dma_start3A_82 = tpu.memref_slice %arg18[%dma_start3A_80, %dma_start3A_81] : memref<10112x128xf32, #tpu.memory_space<vmem_shared>> -> memref<10112x128xf32, #tpu.memory_space<vmem_shared>>
      tpu.enqueue_indirect_dma source(%arg13 : memref<80x128xf32, #tpu.memory_space<vmem>>) target(%dma_start3A_82 : memref<10112x128xf32, #tpu.memory_space<vmem_shared>>) offsets(%dma_start3A_79 : memref<80xi32, #tpu.memory_space<vmem>>) semaphore(%arg21 : memref<!tpu.dma_semaphore, #tpu.memory_space<semaphore_mem>>) {add = true}
      %add3A_83 = arith.addi %mul3A_13, %mul3A_66 : i32
      %add3A_84 = arith.constant 0 : i32
      %add3A_85 = arith.addi %add3A_83, %add3A_84 : i32
      %add3A_86 = arith.constant 2 : i32
      %add3A_87 = arith.addi %add3A_85, %add3A_86 : i32
      %dma_wait3A_88 = arith.constant 0 : i32
      %dma_wait3A_89 = arith.constant 0 : i32
      %dma_wait3A_90 = tpu.memref_slice %arg3[%add3A_87, %dma_wait3A_88, %dma_wait3A_89] : memref<4096x2x80xi32, #tpu.memory_space<hbm>> -> memref<1x2x80xi32, #tpu.memory_space<hbm>>
      %dma_wait3A_91 = tpu.memref_squeeze %dma_wait3A_90 : memref<1x2x80xi32, #tpu.memory_space<hbm>> -> memref<2x80xi32, #tpu.memory_space<hbm>>
      %dma_wait3A_92 = arith.constant 0 : i32
      %dma_wait3A_93 = arith.constant 0 : i32
      %dma_wait3A_94 = tpu.memref_slice %arg3[%add3A_87, %dma_wait3A_92, %dma_wait3A_93] : memref<4096x2x80xi32, #tpu.memory_space<hbm>> -> memref<1x2x80xi32, #tpu.memory_space<hbm>>
      %dma_wait3A_95 = tpu.memref_squeeze %dma_wait3A_94 : memref<1x2x80xi32, #tpu.memory_space<hbm>> -> memref<2x80xi32, #tpu.memory_space<hbm>>
      tpu.wait_dma2 semaphore(%arg23 : memref<!tpu.dma_semaphore, #tpu.memory_space<semaphore_mem>>) src(%dma_wait3A_95 : memref<2x80xi32, #tpu.memory_space<hbm>>) dst(%arg7 : memref<2x80xi32, #tpu.memory_space<vmem>>)
      %dma_start3A_96 = arith.constant 0 : i32
      %dma_start3A_97 = arith.constant 0 : i32
      %dma_start3A_98 = tpu.memref_slice %arg7[%dma_start3A_96, %dma_start3A_97] : memref<2x80xi32, #tpu.memory_space<vmem>> -> memref<1x80xi32, #tpu.memory_space<vmem>>
      %dma_start3A_99 = tpu.memref_squeeze %dma_start3A_98 : memref<1x80xi32, #tpu.memory_space<vmem>> -> memref<80xi32, #tpu.memory_space<vmem>>
      %dma_start3A_100 = arith.constant 0 : i32
      %dma_start3A_101 = arith.constant 0 : i32
      %dma_start3A_102 = tpu.memref_slice %arg2[%dma_start3A_100, %dma_start3A_101] : memref<10112x128xf32, #tpu.memory_space<hbm>> -> memref<10112x128xf32, #tpu.memory_space<hbm>>
      tpu.enqueue_indirect_dma source(%dma_start3A_102 : memref<10112x128xf32, #tpu.memory_space<hbm>>) target(%arg15 : memref<80x128xf32, #tpu.memory_space<vmem>>) offsets(%dma_start3A_99 : memref<80xi32, #tpu.memory_space<vmem>>) semaphore(%arg19 : memref<!tpu.dma_semaphore, #tpu.memory_space<semaphore_mem>>)
      %add3A_103 = arith.addi %mul3A_13, %mul3A_66 : i32
      %add3A_104 = arith.constant 0 : i32
      %add3A_105 = arith.addi %add3A_103, %add3A_104 : i32
      %add3A_106 = arith.constant 3 : i32
      %add3A_107 = arith.addi %add3A_105, %add3A_106 : i32
      %dma_start3A_108 = arith.constant 0 : i32
      %dma_start3A_109 = arith.constant 0 : i32
      %dma_start3A_110 = tpu.memref_slice %arg3[%add3A_107, %dma_start3A_108, %dma_start3A_109] : memref<4096x2x80xi32, #tpu.memory_space<hbm>> -> memref<1x2x80xi32, #tpu.memory_space<hbm>>
      %dma_start3A_111 = tpu.memref_squeeze %dma_start3A_110 : memref<1x2x80xi32, #tpu.memory_space<hbm>> -> memref<2x80xi32, #tpu.memory_space<hbm>>
      %dma_start3A_112 = arith.constant 0 : i32
      %dma_start3A_113 = arith.constant 0 : i32
      %dma_start3A_114 = tpu.memref_slice %arg3[%add3A_107, %dma_start3A_112, %dma_start3A_113] : memref<4096x2x80xi32, #tpu.memory_space<hbm>> -> memref<1x2x80xi32, #tpu.memory_space<hbm>>
      %dma_start3A_115 = tpu.memref_squeeze %dma_start3A_114 : memref<1x2x80xi32, #tpu.memory_space<hbm>> -> memref<2x80xi32, #tpu.memory_space<hbm>>
      tpu.enqueue_dma source(%dma_start3A_115 : memref<2x80xi32, #tpu.memory_space<hbm>>) target(%arg8 : memref<2x80xi32, #tpu.memory_space<vmem>>) target_semaphore(%arg23 : memref<!tpu.dma_semaphore, #tpu.memory_space<semaphore_mem>>)
      %dma_wait3A_116 = arith.constant 0 : i32
      %dma_wait3A_117 = arith.constant 0 : i32
      %dma_wait3A_118 = tpu.memref_slice %arg6[%dma_wait3A_116, %dma_wait3A_117] : memref<2x80xi32, #tpu.memory_space<vmem>> -> memref<1x80xi32, #tpu.memory_space<vmem>>
      %dma_wait3A_119 = tpu.memref_squeeze %dma_wait3A_118 : memref<1x80xi32, #tpu.memory_space<vmem>> -> memref<80xi32, #tpu.memory_space<vmem>>
      %dma_wait3A_120 = arith.constant 0 : i32
      %dma_wait3A_121 = arith.constant 0 : i32
      %dma_wait3A_122 = tpu.memref_slice %arg2[%dma_wait3A_120, %dma_wait3A_121] : memref<10112x128xf32, #tpu.memory_space<hbm>> -> memref<10112x128xf32, #tpu.memory_space<hbm>>
      tpu.wait_indirect_dma semaphore(%arg20 : memref<!tpu.dma_semaphore, #tpu.memory_space<semaphore_mem>>) src(%dma_wait3A_122 : memref<10112x128xf32, #tpu.memory_space<hbm>>) dst(%arg14 : memref<80x128xf32, #tpu.memory_space<vmem>>)
      %gt3A_123 = arith.constant 0 : i32
      %gt3A_124 = arith.cmpi sgt, %add3A_64, %gt3A_123 : i32
      %convert_element_type3A_125 = arith.extui %gt3A_124 : i1 to i32
      %cond3A_126 = arith.constant 0 : i32
      %cond3A_127 = arith.cmpi ne, %convert_element_type3A_125, %cond3A_126 : i32
      scf.if %cond3A_127 {
        %dma_wait3A_433 = arith.constant 1 : i32
        %dma_wait3A_434 = arith.constant 0 : i32
        %dma_wait3A_435 = tpu.memref_slice %arg12[%dma_wait3A_433, %dma_wait3A_434] : memref<2x80xi32, #tpu.memory_space<vmem>> -> memref<1x80xi32, #tpu.memory_space<vmem>>
        %dma_wait3A_436 = tpu.memref_squeeze %dma_wait3A_435 : memref<1x80xi32, #tpu.memory_space<vmem>> -> memref<80xi32, #tpu.memory_space<vmem>>
        %dma_wait3A_437 = arith.constant 0 : i32
        %dma_wait3A_438 = arith.constant 0 : i32
        %dma_wait3A_439 = tpu.memref_slice %arg18[%dma_wait3A_437, %dma_wait3A_438] : memref<10112x128xf32, #tpu.memory_space<vmem_shared>> -> memref<10112x128xf32, #tpu.memory_space<vmem_shared>>
        tpu.wait_indirect_dma semaphore(%arg22 : memref<!tpu.dma_semaphore, #tpu.memory_space<semaphore_mem>>) src(%arg16 : memref<80x128xf32, #tpu.memory_space<vmem>>) dst(%dma_wait3A_439 : memref<10112x128xf32, #tpu.memory_space<vmem_shared>>)
      } else {
      }
      %dma_start3A_128 = arith.constant 1 : i32
      %dma_start3A_129 = arith.constant 0 : i32
      %dma_start3A_130 = tpu.memref_slice %arg6[%dma_start3A_128, %dma_start3A_129] : memref<2x80xi32, #tpu.memory_space<vmem>> -> memref<1x80xi32, #tpu.memory_space<vmem>>
      %dma_start3A_131 = tpu.memref_squeeze %dma_start3A_130 : memref<1x80xi32, #tpu.memory_space<vmem>> -> memref<80xi32, #tpu.memory_space<vmem>>
      %dma_start3A_132 = arith.constant 0 : i32
      %dma_start3A_133 = arith.constant 0 : i32
      %dma_start3A_134 = tpu.memref_slice %arg18[%dma_start3A_132, %dma_start3A_133] : memref<10112x128xf32, #tpu.memory_space<vmem_shared>> -> memref<10112x128xf32, #tpu.memory_space<vmem_shared>>
      tpu.enqueue_indirect_dma source(%arg14 : memref<80x128xf32, #tpu.memory_space<vmem>>) target(%dma_start3A_134 : memref<10112x128xf32, #tpu.memory_space<vmem_shared>>) offsets(%dma_start3A_131 : memref<80xi32, #tpu.memory_space<vmem>>) semaphore(%arg22 : memref<!tpu.dma_semaphore, #tpu.memory_space<semaphore_mem>>) {add = true}
      %add3A_135 = arith.addi %mul3A_13, %mul3A_66 : i32
      %add3A_136 = arith.constant 1 : i32
      %add3A_137 = arith.addi %add3A_135, %add3A_136 : i32
      %add3A_138 = arith.constant 2 : i32
      %add3A_139 = arith.addi %add3A_137, %add3A_138 : i32
      %dma_wait3A_140 = arith.constant 0 : i32
      %dma_wait3A_141 = arith.constant 0 : i32
      %dma_wait3A_142 = tpu.memref_slice %arg3[%add3A_139, %dma_wait3A_140, %dma_wait3A_141] : memref<4096x2x80xi32, #tpu.memory_space<hbm>> -> memref<1x2x80xi32, #tpu.memory_space<hbm>>
      %dma_wait3A_143 = tpu.memref_squeeze %dma_wait3A_142 : memref<1x2x80xi32, #tpu.memory_space<hbm>> -> memref<2x80xi32, #tpu.memory_space<hbm>>
      %dma_wait3A_144 = arith.constant 0 : i32
      %dma_wait3A_145 = arith.constant 0 : i32
      %dma_wait3A_146 = tpu.memref_slice %arg3[%add3A_139, %dma_wait3A_144, %dma_wait3A_145] : memref<4096x2x80xi32, #tpu.memory_space<hbm>> -> memref<1x2x80xi32, #tpu.memory_space<hbm>>
      %dma_wait3A_147 = tpu.memref_squeeze %dma_wait3A_146 : memref<1x2x80xi32, #tpu.memory_space<hbm>> -> memref<2x80xi32, #tpu.memory_space<hbm>>
      tpu.wait_dma2 semaphore(%arg23 : memref<!tpu.dma_semaphore, #tpu.memory_space<semaphore_mem>>) src(%dma_wait3A_147 : memref<2x80xi32, #tpu.memory_space<hbm>>) dst(%arg8 : memref<2x80xi32, #tpu.memory_space<vmem>>)
      %dma_start3A_148 = arith.constant 0 : i32
      %dma_start3A_149 = arith.constant 0 : i32
      %dma_start3A_150 = tpu.memref_slice %arg8[%dma_start3A_148, %dma_start3A_149] : memref<2x80xi32, #tpu.memory_space<vmem>> -> memref<1x80xi32, #tpu.memory_space<vmem>>
      %dma_start3A_151 = tpu.memref_squeeze %dma_start3A_150 : memref<1x80xi32, #tpu.memory_space<vmem>> -> memref<80xi32, #tpu.memory_space<vmem>>
      %dma_start3A_152 = arith.constant 0 : i32
      %dma_start3A_153 = arith.constant 0 : i32
      %dma_start3A_154 = tpu.memref_slice %arg2[%dma_start3A_152, %dma_start3A_153] : memref<10112x128xf32, #tpu.memory_space<hbm>> -> memref<10112x128xf32, #tpu.memory_space<hbm>>
      tpu.enqueue_indirect_dma source(%dma_start3A_154 : memref<10112x128xf32, #tpu.memory_space<hbm>>) target(%arg16 : memref<80x128xf32, #tpu.memory_space<vmem>>) offsets(%dma_start3A_151 : memref<80xi32, #tpu.memory_space<vmem>>) semaphore(%arg20 : memref<!tpu.dma_semaphore, #tpu.memory_space<semaphore_mem>>)
      %add3A_155 = arith.addi %mul3A_13, %mul3A_66 : i32
      %add3A_156 = arith.constant 1 : i32
      %add3A_157 = arith.addi %add3A_155, %add3A_156 : i32
      %add3A_158 = arith.constant 3 : i32
      %add3A_159 = arith.addi %add3A_157, %add3A_158 : i32
      %dma_start3A_160 = arith.constant 0 : i32
      %dma_start3A_161 = arith.constant 0 : i32
      %dma_start3A_162 = tpu.memref_slice %arg3[%add3A_159, %dma_start3A_160, %dma_start3A_161] : memref<4096x2x80xi32, #tpu.memory_space<hbm>> -> memref<1x2x80xi32, #tpu.memory_space<hbm>>
      %dma_start3A_163 = tpu.memref_squeeze %dma_start3A_162 : memref<1x2x80xi32, #tpu.memory_space<hbm>> -> memref<2x80xi32, #tpu.memory_space<hbm>>
      %dma_start3A_164 = arith.constant 0 : i32
      %dma_start3A_165 = arith.constant 0 : i32
      %dma_start3A_166 = tpu.memref_slice %arg3[%add3A_159, %dma_start3A_164, %dma_start3A_165] : memref<4096x2x80xi32, #tpu.memory_space<hbm>> -> memref<1x2x80xi32, #tpu.memory_space<hbm>>
      %dma_start3A_167 = tpu.memref_squeeze %dma_start3A_166 : memref<1x2x80xi32, #tpu.memory_space<hbm>> -> memref<2x80xi32, #tpu.memory_space<hbm>>
      tpu.enqueue_dma source(%dma_start3A_167 : memref<2x80xi32, #tpu.memory_space<hbm>>) target(%arg9 : memref<2x80xi32, #tpu.memory_space<vmem>>) target_semaphore(%arg23 : memref<!tpu.dma_semaphore, #tpu.memory_space<semaphore_mem>>)
      %dma_wait3A_168 = arith.constant 0 : i32
      %dma_wait3A_169 = arith.constant 0 : i32
      %dma_wait3A_170 = tpu.memref_slice %arg7[%dma_wait3A_168, %dma_wait3A_169] : memref<2x80xi32, #tpu.memory_space<vmem>> -> memref<1x80xi32, #tpu.memory_space<vmem>>
      %dma_wait3A_171 = tpu.memref_squeeze %dma_wait3A_170 : memref<1x80xi32, #tpu.memory_space<vmem>> -> memref<80xi32, #tpu.memory_space<vmem>>
      %dma_wait3A_172 = arith.constant 0 : i32
      %dma_wait3A_173 = arith.constant 0 : i32
      %dma_wait3A_174 = tpu.memref_slice %arg2[%dma_wait3A_172, %dma_wait3A_173] : memref<10112x128xf32, #tpu.memory_space<hbm>> -> memref<10112x128xf32, #tpu.memory_space<hbm>>
      tpu.wait_indirect_dma semaphore(%arg19 : memref<!tpu.dma_semaphore, #tpu.memory_space<semaphore_mem>>) src(%dma_wait3A_174 : memref<10112x128xf32, #tpu.memory_space<hbm>>) dst(%arg15 : memref<80x128xf32, #tpu.memory_space<vmem>>)
      %dma_wait3A_175 = arith.constant 1 : i32
      %dma_wait3A_176 = arith.constant 0 : i32
      %dma_wait3A_177 = tpu.memref_slice %arg5[%dma_wait3A_175, %dma_wait3A_176] : memref<2x80xi32, #tpu.memory_space<vmem>> -> memref<1x80xi32, #tpu.memory_space<vmem>>
      %dma_wait3A_178 = tpu.memref_squeeze %dma_wait3A_177 : memref<1x80xi32, #tpu.memory_space<vmem>> -> memref<80xi32, #tpu.memory_space<vmem>>
      %dma_wait3A_179 = arith.constant 0 : i32
      %dma_wait3A_180 = arith.constant 0 : i32
      %dma_wait3A_181 = tpu.memref_slice %arg18[%dma_wait3A_179, %dma_wait3A_180] : memref<10112x128xf32, #tpu.memory_space<vmem_shared>> -> memref<10112x128xf32, #tpu.memory_space<vmem_shared>>
      tpu.wait_indirect_dma semaphore(%arg21 : memref<!tpu.dma_semaphore, #tpu.memory_space<semaphore_mem>>) src(%arg13 : memref<80x128xf32, #tpu.memory_space<vmem>>) dst(%dma_wait3A_181 : memref<10112x128xf32, #tpu.memory_space<vmem_shared>>)
      %dma_start3A_182 = arith.constant 1 : i32
      %dma_start3A_183 = arith.constant 0 : i32
      %dma_start3A_184 = tpu.memref_slice %arg7[%dma_start3A_182, %dma_start3A_183] : memref<2x80xi32, #tpu.memory_space<vmem>> -> memref<1x80xi32, #tpu.memory_space<vmem>>
      %dma_start3A_185 = tpu.memref_squeeze %dma_start3A_184 : memref<1x80xi32, #tpu.memory_space<vmem>> -> memref<80xi32, #tpu.memory_space<vmem>>
      %dma_start3A_186 = arith.constant 0 : i32
      %dma_start3A_187 = arith.constant 0 : i32
      %dma_start3A_188 = tpu.memref_slice %arg18[%dma_start3A_186, %dma_start3A_187] : memref<10112x128xf32, #tpu.memory_space<vmem_shared>> -> memref<10112x128xf32, #tpu.memory_space<vmem_shared>>
      tpu.enqueue_indirect_dma source(%arg15 : memref<80x128xf32, #tpu.memory_space<vmem>>) target(%dma_start3A_188 : memref<10112x128xf32, #tpu.memory_space<vmem_shared>>) offsets(%dma_start3A_185 : memref<80xi32, #tpu.memory_space<vmem>>) semaphore(%arg21 : memref<!tpu.dma_semaphore, #tpu.memory_space<semaphore_mem>>) {add = true}
      %add3A_189 = arith.addi %mul3A_13, %mul3A_66 : i32
      %add3A_190 = arith.constant 2 : i32
      %add3A_191 = arith.addi %add3A_189, %add3A_190 : i32
      %add3A_192 = arith.constant 2 : i32
      %add3A_193 = arith.addi %add3A_191, %add3A_192 : i32
      %dma_wait3A_194 = arith.constant 0 : i32
      %dma_wait3A_195 = arith.constant 0 : i32
      %dma_wait3A_196 = tpu.memref_slice %arg3[%add3A_193, %dma_wait3A_194, %dma_wait3A_195] : memref<4096x2x80xi32, #tpu.memory_space<hbm>> -> memref<1x2x80xi32, #tpu.memory_space<hbm>>
      %dma_wait3A_197 = tpu.memref_squeeze %dma_wait3A_196 : memref<1x2x80xi32, #tpu.memory_space<hbm>> -> memref<2x80xi32, #tpu.memory_space<hbm>>
      %dma_wait3A_198 = arith.constant 0 : i32
      %dma_wait3A_199 = arith.constant 0 : i32
      %dma_wait3A_200 = tpu.memref_slice %arg3[%add3A_193, %dma_wait3A_198, %dma_wait3A_199] : memref<4096x2x80xi32, #tpu.memory_space<hbm>> -> memref<1x2x80xi32, #tpu.memory_space<hbm>>
      %dma_wait3A_201 = tpu.memref_squeeze %dma_wait3A_200 : memref<1x2x80xi32, #tpu.memory_space<hbm>> -> memref<2x80xi32, #tpu.memory_space<hbm>>
      tpu.wait_dma2 semaphore(%arg23 : memref<!tpu.dma_semaphore, #tpu.memory_space<semaphore_mem>>) src(%dma_wait3A_201 : memref<2x80xi32, #tpu.memory_space<hbm>>) dst(%arg9 : memref<2x80xi32, #tpu.memory_space<vmem>>)
      %dma_start3A_202 = arith.constant 0 : i32
      %dma_start3A_203 = arith.constant 0 : i32
      %dma_start3A_204 = tpu.memref_slice %arg9[%dma_start3A_202, %dma_start3A_203] : memref<2x80xi32, #tpu.memory_space<vmem>> -> memref<1x80xi32, #tpu.memory_space<vmem>>
      %dma_start3A_205 = tpu.memref_squeeze %dma_start3A_204 : memref<1x80xi32, #tpu.memory_space<vmem>> -> memref<80xi32, #tpu.memory_space<vmem>>
      %dma_start3A_206 = arith.constant 0 : i32
      %dma_start3A_207 = arith.constant 0 : i32
      %dma_start3A_208 = tpu.memref_slice %arg2[%dma_start3A_206, %dma_start3A_207] : memref<10112x128xf32, #tpu.memory_space<hbm>> -> memref<10112x128xf32, #tpu.memory_space<hbm>>
      tpu.enqueue_indirect_dma source(%dma_start3A_208 : memref<10112x128xf32, #tpu.memory_space<hbm>>) target(%arg13 : memref<80x128xf32, #tpu.memory_space<vmem>>) offsets(%dma_start3A_205 : memref<80xi32, #tpu.memory_space<vmem>>) semaphore(%arg19 : memref<!tpu.dma_semaphore, #tpu.memory_space<semaphore_mem>>)
      %add3A_209 = arith.addi %mul3A_13, %mul3A_66 : i32
      %add3A_210 = arith.constant 2 : i32
      %add3A_211 = arith.addi %add3A_209, %add3A_210 : i32
      %add3A_212 = arith.constant 3 : i32
      %add3A_213 = arith.addi %add3A_211, %add3A_212 : i32
      %dma_start3A_214 = arith.constant 0 : i32
      %dma_start3A_215 = arith.constant 0 : i32
      %dma_start3A_216 = tpu.memref_slice %arg3[%add3A_213, %dma_start3A_214, %dma_start3A_215] : memref<4096x2x80xi32, #tpu.memory_space<hbm>> -> memref<1x2x80xi32, #tpu.memory_space<hbm>>
      %dma_start3A_217 = tpu.memref_squeeze %dma_start3A_216 : memref<1x2x80xi32, #tpu.memory_space<hbm>> -> memref<2x80xi32, #tpu.memory_space<hbm>>
      %dma_start3A_218 = arith.constant 0 : i32
      %dma_start3A_219 = arith.constant 0 : i32
      %dma_start3A_220 = tpu.memref_slice %arg3[%add3A_213, %dma_start3A_218, %dma_start3A_219] : memref<4096x2x80xi32, #tpu.memory_space<hbm>> -> memref<1x2x80xi32, #tpu.memory_space<hbm>>
      %dma_start3A_221 = tpu.memref_squeeze %dma_start3A_220 : memref<1x2x80xi32, #tpu.memory_space<hbm>> -> memref<2x80xi32, #tpu.memory_space<hbm>>
      tpu.enqueue_dma source(%dma_start3A_221 : memref<2x80xi32, #tpu.memory_space<hbm>>) target(%arg10 : memref<2x80xi32, #tpu.memory_space<vmem>>) target_semaphore(%arg23 : memref<!tpu.dma_semaphore, #tpu.memory_space<semaphore_mem>>)
      %dma_wait3A_222 = arith.constant 0 : i32
      %dma_wait3A_223 = arith.constant 0 : i32
      %dma_wait3A_224 = tpu.memref_slice %arg8[%dma_wait3A_222, %dma_wait3A_223] : memref<2x80xi32, #tpu.memory_space<vmem>> -> memref<1x80xi32, #tpu.memory_space<vmem>>
      %dma_wait3A_225 = tpu.memref_squeeze %dma_wait3A_224 : memref<1x80xi32, #tpu.memory_space<vmem>> -> memref<80xi32, #tpu.memory_space<vmem>>
      %dma_wait3A_226 = arith.constant 0 : i32
      %dma_wait3A_227 = arith.constant 0 : i32
      %dma_wait3A_228 = tpu.memref_slice %arg2[%dma_wait3A_226, %dma_wait3A_227] : memref<10112x128xf32, #tpu.memory_space<hbm>> -> memref<10112x128xf32, #tpu.memory_space<hbm>>
      tpu.wait_indirect_dma semaphore(%arg20 : memref<!tpu.dma_semaphore, #tpu.memory_space<semaphore_mem>>) src(%dma_wait3A_228 : memref<10112x128xf32, #tpu.memory_space<hbm>>) dst(%arg16 : memref<80x128xf32, #tpu.memory_space<vmem>>)
      %dma_wait3A_229 = arith.constant 1 : i32
      %dma_wait3A_230 = arith.constant 0 : i32
      %dma_wait3A_231 = tpu.memref_slice %arg6[%dma_wait3A_229, %dma_wait3A_230] : memref<2x80xi32, #tpu.memory_space<vmem>> -> memref<1x80xi32, #tpu.memory_space<vmem>>
      %dma_wait3A_232 = tpu.memref_squeeze %dma_wait3A_231 : memref<1x80xi32, #tpu.memory_space<vmem>> -> memref<80xi32, #tpu.memory_space<vmem>>
      %dma_wait3A_233 = arith.constant 0 : i32
      %dma_wait3A_234 = arith.constant 0 : i32
      %dma_wait3A_235 = tpu.memref_slice %arg18[%dma_wait3A_233, %dma_wait3A_234] : memref<10112x128xf32, #tpu.memory_space<vmem_shared>> -> memref<10112x128xf32, #tpu.memory_space<vmem_shared>>
      tpu.wait_indirect_dma semaphore(%arg22 : memref<!tpu.dma_semaphore, #tpu.memory_space<semaphore_mem>>) src(%arg14 : memref<80x128xf32, #tpu.memory_space<vmem>>) dst(%dma_wait3A_235 : memref<10112x128xf32, #tpu.memory_space<vmem_shared>>)
      %dma_start3A_236 = arith.constant 1 : i32
      %dma_start3A_237 = arith.constant 0 : i32
      %dma_start3A_238 = tpu.memref_slice %arg8[%dma_start3A_236, %dma_start3A_237] : memref<2x80xi32, #tpu.memory_space<vmem>> -> memref<1x80xi32, #tpu.memory_space<vmem>>
      %dma_start3A_239 = tpu.memref_squeeze %dma_start3A_238 : memref<1x80xi32, #tpu.memory_space<vmem>> -> memref<80xi32, #tpu.memory_space<vmem>>
      %dma_start3A_240 = arith.constant 0 : i32
      %dma_start3A_241 = arith.constant 0 : i32
      %dma_start3A_242 = tpu.memref_slice %arg18[%dma_start3A_240, %dma_start3A_241] : memref<10112x128xf32, #tpu.memory_space<vmem_shared>> -> memref<10112x128xf32, #tpu.memory_space<vmem_shared>>
      tpu.enqueue_indirect_dma source(%arg16 : memref<80x128xf32, #tpu.memory_space<vmem>>) target(%dma_start3A_242 : memref<10112x128xf32, #tpu.memory_space<vmem_shared>>) offsets(%dma_start3A_239 : memref<80xi32, #tpu.memory_space<vmem>>) semaphore(%arg22 : memref<!tpu.dma_semaphore, #tpu.memory_space<semaphore_mem>>) {add = true}
      %add3A_243 = arith.addi %mul3A_13, %mul3A_66 : i32
      %add3A_244 = arith.constant 3 : i32
      %add3A_245 = arith.addi %add3A_243, %add3A_244 : i32
      %add3A_246 = arith.constant 2 : i32
      %add3A_247 = arith.addi %add3A_245, %add3A_246 : i32
      %dma_wait3A_248 = arith.constant 0 : i32
      %dma_wait3A_249 = arith.constant 0 : i32
      %dma_wait3A_250 = tpu.memref_slice %arg3[%add3A_247, %dma_wait3A_248, %dma_wait3A_249] : memref<4096x2x80xi32, #tpu.memory_space<hbm>> -> memref<1x2x80xi32, #tpu.memory_space<hbm>>
      %dma_wait3A_251 = tpu.memref_squeeze %dma_wait3A_250 : memref<1x2x80xi32, #tpu.memory_space<hbm>> -> memref<2x80xi32, #tpu.memory_space<hbm>>
      %dma_wait3A_252 = arith.constant 0 : i32
      %dma_wait3A_253 = arith.constant 0 : i32
      %dma_wait3A_254 = tpu.memref_slice %arg3[%add3A_247, %dma_wait3A_252, %dma_wait3A_253] : memref<4096x2x80xi32, #tpu.memory_space<hbm>> -> memref<1x2x80xi32, #tpu.memory_space<hbm>>
      %dma_wait3A_255 = tpu.memref_squeeze %dma_wait3A_254 : memref<1x2x80xi32, #tpu.memory_space<hbm>> -> memref<2x80xi32, #tpu.memory_space<hbm>>
      tpu.wait_dma2 semaphore(%arg23 : memref<!tpu.dma_semaphore, #tpu.memory_space<semaphore_mem>>) src(%dma_wait3A_255 : memref<2x80xi32, #tpu.memory_space<hbm>>) dst(%arg10 : memref<2x80xi32, #tpu.memory_space<vmem>>)
      %dma_start3A_256 = arith.constant 0 : i32
      %dma_start3A_257 = arith.constant 0 : i32
      %dma_start3A_258 = tpu.memref_slice %arg10[%dma_start3A_256, %dma_start3A_257] : memref<2x80xi32, #tpu.memory_space<vmem>> -> memref<1x80xi32, #tpu.memory_space<vmem>>
      %dma_start3A_259 = tpu.memref_squeeze %dma_start3A_258 : memref<1x80xi32, #tpu.memory_space<vmem>> -> memref<80xi32, #tpu.memory_space<vmem>>
      %dma_start3A_260 = arith.constant 0 : i32
      %dma_start3A_261 = arith.constant 0 : i32
      %dma_start3A_262 = tpu.memref_slice %arg2[%dma_start3A_260, %dma_start3A_261] : memref<10112x128xf32, #tpu.memory_space<hbm>> -> memref<10112x128xf32, #tpu.memory_space<hbm>>
      tpu.enqueue_indirect_dma source(%dma_start3A_262 : memref<10112x128xf32, #tpu.memory_space<hbm>>) target(%arg14 : memref<80x128xf32, #tpu.memory_space<vmem>>) offsets(%dma_start3A_259 : memref<80xi32, #tpu.memory_space<vmem>>) semaphore(%arg20 : memref<!tpu.dma_semaphore, #tpu.memory_space<semaphore_mem>>)
      %add3A_263 = arith.addi %mul3A_13, %mul3A_66 : i32
      %add3A_264 = arith.constant 3 : i32
      %add3A_265 = arith.addi %add3A_263, %add3A_264 : i32
      %add3A_266 = arith.constant 3 : i32
      %add3A_267 = arith.addi %add3A_265, %add3A_266 : i32
      %dma_start3A_268 = arith.constant 0 : i32
      %dma_start3A_269 = arith.constant 0 : i32
      %dma_start3A_270 = tpu.memref_slice %arg3[%add3A_267, %dma_start3A_268, %dma_start3A_269] : memref<4096x2x80xi32, #tpu.memory_space<hbm>> -> memref<1x2x80xi32, #tpu.memory_space<hbm>>
      %dma_start3A_271 = tpu.memref_squeeze %dma_start3A_270 : memref<1x2x80xi32, #tpu.memory_space<hbm>> -> memref<2x80xi32, #tpu.memory_space<hbm>>
      %dma_start3A_272 = arith.constant 0 : i32
      %dma_start3A_273 = arith.constant 0 : i32
      %dma_start3A_274 = tpu.memref_slice %arg3[%add3A_267, %dma_start3A_272, %dma_start3A_273] : memref<4096x2x80xi32, #tpu.memory_space<hbm>> -> memref<1x2x80xi32, #tpu.memory_space<hbm>>
      %dma_start3A_275 = tpu.memref_squeeze %dma_start3A_274 : memref<1x2x80xi32, #tpu.memory_space<hbm>> -> memref<2x80xi32, #tpu.memory_space<hbm>>
      tpu.enqueue_dma source(%dma_start3A_275 : memref<2x80xi32, #tpu.memory_space<hbm>>) target(%arg11 : memref<2x80xi32, #tpu.memory_space<vmem>>) target_semaphore(%arg23 : memref<!tpu.dma_semaphore, #tpu.memory_space<semaphore_mem>>)
      %dma_wait3A_276 = arith.constant 0 : i32
      %dma_wait3A_277 = arith.constant 0 : i32
      %dma_wait3A_278 = tpu.memref_slice %arg9[%dma_wait3A_276, %dma_wait3A_277] : memref<2x80xi32, #tpu.memory_space<vmem>> -> memref<1x80xi32, #tpu.memory_space<vmem>>
      %dma_wait3A_279 = tpu.memref_squeeze %dma_wait3A_278 : memref<1x80xi32, #tpu.memory_space<vmem>> -> memref<80xi32, #tpu.memory_space<vmem>>
      %dma_wait3A_280 = arith.constant 0 : i32
      %dma_wait3A_281 = arith.constant 0 : i32
      %dma_wait3A_282 = tpu.memref_slice %arg2[%dma_wait3A_280, %dma_wait3A_281] : memref<10112x128xf32, #tpu.memory_space<hbm>> -> memref<10112x128xf32, #tpu.memory_space<hbm>>
      tpu.wait_indirect_dma semaphore(%arg19 : memref<!tpu.dma_semaphore, #tpu.memory_space<semaphore_mem>>) src(%dma_wait3A_282 : memref<10112x128xf32, #tpu.memory_space<hbm>>) dst(%arg13 : memref<80x128xf32, #tpu.memory_space<vmem>>)
      %dma_wait3A_283 = arith.constant 1 : i32
      %dma_wait3A_284 = arith.constant 0 : i32
      %dma_wait3A_285 = tpu.memref_slice %arg7[%dma_wait3A_283, %dma_wait3A_284] : memref<2x80xi32, #tpu.memory_space<vmem>> -> memref<1x80xi32, #tpu.memory_space<vmem>>
      %dma_wait3A_286 = tpu.memref_squeeze %dma_wait3A_285 : memref<1x80xi32, #tpu.memory_space<vmem>> -> memref<80xi32, #tpu.memory_space<vmem>>
      %dma_wait3A_287 = arith.constant 0 : i32
      %dma_wait3A_288 = arith.constant 0 : i32
      %dma_wait3A_289 = tpu.memref_slice %arg18[%dma_wait3A_287, %dma_wait3A_288] : memref<10112x128xf32, #tpu.memory_space<vmem_shared>> -> memref<10112x128xf32, #tpu.memory_space<vmem_shared>>
      tpu.wait_indirect_dma semaphore(%arg21 : memref<!tpu.dma_semaphore, #tpu.memory_space<semaphore_mem>>) src(%arg15 : memref<80x128xf32, #tpu.memory_space<vmem>>) dst(%dma_wait3A_289 : memref<10112x128xf32, #tpu.memory_space<vmem_shared>>)
      %dma_start3A_290 = arith.constant 1 : i32
      %dma_start3A_291 = arith.constant 0 : i32
      %dma_start3A_292 = tpu.memref_slice %arg9[%dma_start3A_290, %dma_start3A_291] : memref<2x80xi32, #tpu.memory_space<vmem>> -> memref<1x80xi32, #tpu.memory_space<vmem>>
      %dma_start3A_293 = tpu.memref_squeeze %dma_start3A_292 : memref<1x80xi32, #tpu.memory_space<vmem>> -> memref<80xi32, #tpu.memory_space<vmem>>
      %dma_start3A_294 = arith.constant 0 : i32
      %dma_start3A_295 = arith.constant 0 : i32
      %dma_start3A_296 = tpu.memref_slice %arg18[%dma_start3A_294, %dma_start3A_295] : memref<10112x128xf32, #tpu.memory_space<vmem_shared>> -> memref<10112x128xf32, #tpu.memory_space<vmem_shared>>
      tpu.enqueue_indirect_dma source(%arg13 : memref<80x128xf32, #tpu.memory_space<vmem>>) target(%dma_start3A_296 : memref<10112x128xf32, #tpu.memory_space<vmem_shared>>) offsets(%dma_start3A_293 : memref<80xi32, #tpu.memory_space<vmem>>) semaphore(%arg21 : memref<!tpu.dma_semaphore, #tpu.memory_space<semaphore_mem>>) {add = true}
      %add3A_297 = arith.addi %mul3A_13, %mul3A_66 : i32
      %add3A_298 = arith.constant 4 : i32
      %add3A_299 = arith.addi %add3A_297, %add3A_298 : i32
      %add3A_300 = arith.constant 2 : i32
      %add3A_301 = arith.addi %add3A_299, %add3A_300 : i32
      %dma_wait3A_302 = arith.constant 0 : i32
      %dma_wait3A_303 = arith.constant 0 : i32
      %dma_wait3A_304 = tpu.memref_slice %arg3[%add3A_301, %dma_wait3A_302, %dma_wait3A_303] : memref<4096x2x80xi32, #tpu.memory_space<hbm>> -> memref<1x2x80xi32, #tpu.memory_space<hbm>>
      %dma_wait3A_305 = tpu.memref_squeeze %dma_wait3A_304 : memref<1x2x80xi32, #tpu.memory_space<hbm>> -> memref<2x80xi32, #tpu.memory_space<hbm>>
      %dma_wait3A_306 = arith.constant 0 : i32
      %dma_wait3A_307 = arith.constant 0 : i32
      %dma_wait3A_308 = tpu.memref_slice %arg3[%add3A_301, %dma_wait3A_306, %dma_wait3A_307] : memref<4096x2x80xi32, #tpu.memory_space<hbm>> -> memref<1x2x80xi32, #tpu.memory_space<hbm>>
      %dma_wait3A_309 = tpu.memref_squeeze %dma_wait3A_308 : memref<1x2x80xi32, #tpu.memory_space<hbm>> -> memref<2x80xi32, #tpu.memory_space<hbm>>
      tpu.wait_dma2 semaphore(%arg23 : memref<!tpu.dma_semaphore, #tpu.memory_space<semaphore_mem>>) src(%dma_wait3A_309 : memref<2x80xi32, #tpu.memory_space<hbm>>) dst(%arg11 : memref<2x80xi32, #tpu.memory_space<vmem>>)
      %dma_start3A_310 = arith.constant 0 : i32
      %dma_start3A_311 = arith.constant 0 : i32
      %dma_start3A_312 = tpu.memref_slice %arg11[%dma_start3A_310, %dma_start3A_311] : memref<2x80xi32, #tpu.memory_space<vmem>> -> memref<1x80xi32, #tpu.memory_space<vmem>>
      %dma_start3A_313 = tpu.memref_squeeze %dma_start3A_312 : memref<1x80xi32, #tpu.memory_space<vmem>> -> memref<80xi32, #tpu.memory_space<vmem>>
      %dma_start3A_314 = arith.constant 0 : i32
      %dma_start3A_315 = arith.constant 0 : i32
      %dma_start3A_316 = tpu.memref_slice %arg2[%dma_start3A_314, %dma_start3A_315] : memref<10112x128xf32, #tpu.memory_space<hbm>> -> memref<10112x128xf32, #tpu.memory_space<hbm>>
      tpu.enqueue_indirect_dma source(%dma_start3A_316 : memref<10112x128xf32, #tpu.memory_space<hbm>>) target(%arg15 : memref<80x128xf32, #tpu.memory_space<vmem>>) offsets(%dma_start3A_313 : memref<80xi32, #tpu.memory_space<vmem>>) semaphore(%arg19 : memref<!tpu.dma_semaphore, #tpu.memory_space<semaphore_mem>>)
      %add3A_317 = arith.addi %mul3A_13, %mul3A_66 : i32
      %add3A_318 = arith.constant 4 : i32
      %add3A_319 = arith.addi %add3A_317, %add3A_318 : i32
      %add3A_320 = arith.constant 3 : i32
      %add3A_321 = arith.addi %add3A_319, %add3A_320 : i32
      %dma_start3A_322 = arith.constant 0 : i32
      %dma_start3A_323 = arith.constant 0 : i32
      %dma_start3A_324 = tpu.memref_slice %arg3[%add3A_321, %dma_start3A_322, %dma_start3A_323] : memref<4096x2x80xi32, #tpu.memory_space<hbm>> -> memref<1x2x80xi32, #tpu.memory_space<hbm>>
      %dma_start3A_325 = tpu.memref_squeeze %dma_start3A_324 : memref<1x2x80xi32, #tpu.memory_space<hbm>> -> memref<2x80xi32, #tpu.memory_space<hbm>>
      %dma_start3A_326 = arith.constant 0 : i32
      %dma_start3A_327 = arith.constant 0 : i32
      %dma_start3A_328 = tpu.memref_slice %arg3[%add3A_321, %dma_start3A_326, %dma_start3A_327] : memref<4096x2x80xi32, #tpu.memory_space<hbm>> -> memref<1x2x80xi32, #tpu.memory_space<hbm>>
      %dma_start3A_329 = tpu.memref_squeeze %dma_start3A_328 : memref<1x2x80xi32, #tpu.memory_space<hbm>> -> memref<2x80xi32, #tpu.memory_space<hbm>>
      tpu.enqueue_dma source(%dma_start3A_329 : memref<2x80xi32, #tpu.memory_space<hbm>>) target(%arg12 : memref<2x80xi32, #tpu.memory_space<vmem>>) target_semaphore(%arg23 : memref<!tpu.dma_semaphore, #tpu.memory_space<semaphore_mem>>)
      %dma_wait3A_330 = arith.constant 0 : i32
      %dma_wait3A_331 = arith.constant 0 : i32
      %dma_wait3A_332 = tpu.memref_slice %arg10[%dma_wait3A_330, %dma_wait3A_331] : memref<2x80xi32, #tpu.memory_space<vmem>> -> memref<1x80xi32, #tpu.memory_space<vmem>>
      %dma_wait3A_333 = tpu.memref_squeeze %dma_wait3A_332 : memref<1x80xi32, #tpu.memory_space<vmem>> -> memref<80xi32, #tpu.memory_space<vmem>>
      %dma_wait3A_334 = arith.constant 0 : i32
      %dma_wait3A_335 = arith.constant 0 : i32
      %dma_wait3A_336 = tpu.memref_slice %arg2[%dma_wait3A_334, %dma_wait3A_335] : memref<10112x128xf32, #tpu.memory_space<hbm>> -> memref<10112x128xf32, #tpu.memory_space<hbm>>
      tpu.wait_indirect_dma semaphore(%arg20 : memref<!tpu.dma_semaphore, #tpu.memory_space<semaphore_mem>>) src(%dma_wait3A_336 : memref<10112x128xf32, #tpu.memory_space<hbm>>) dst(%arg14 : memref<80x128xf32, #tpu.memory_space<vmem>>)
      %dma_wait3A_337 = arith.constant 1 : i32
      %dma_wait3A_338 = arith.constant 0 : i32
      %dma_wait3A_339 = tpu.memref_slice %arg8[%dma_wait3A_337, %dma_wait3A_338] : memref<2x80xi32, #tpu.memory_space<vmem>> -> memref<1x80xi32, #tpu.memory_space<vmem>>
      %dma_wait3A_340 = tpu.memref_squeeze %dma_wait3A_339 : memref<1x80xi32, #tpu.memory_space<vmem>> -> memref<80xi32, #tpu.memory_space<vmem>>
      %dma_wait3A_341 = arith.constant 0 : i32
      %dma_wait3A_342 = arith.constant 0 : i32
      %dma_wait3A_343 = tpu.memref_slice %arg18[%dma_wait3A_341, %dma_wait3A_342] : memref<10112x128xf32, #tpu.memory_space<vmem_shared>> -> memref<10112x128xf32, #tpu.memory_space<vmem_shared>>
      tpu.wait_indirect_dma semaphore(%arg22 : memref<!tpu.dma_semaphore, #tpu.memory_space<semaphore_mem>>) src(%arg16 : memref<80x128xf32, #tpu.memory_space<vmem>>) dst(%dma_wait3A_343 : memref<10112x128xf32, #tpu.memory_space<vmem_shared>>)
      %dma_start3A_344 = arith.constant 1 : i32
      %dma_start3A_345 = arith.constant 0 : i32
      %dma_start3A_346 = tpu.memref_slice %arg10[%dma_start3A_344, %dma_start3A_345] : memref<2x80xi32, #tpu.memory_space<vmem>> -> memref<1x80xi32, #tpu.memory_space<vmem>>
      %dma_start3A_347 = tpu.memref_squeeze %dma_start3A_346 : memref<1x80xi32, #tpu.memory_space<vmem>> -> memref<80xi32, #tpu.memory_space<vmem>>
      %dma_start3A_348 = arith.constant 0 : i32
      %dma_start3A_349 = arith.constant 0 : i32
      %dma_start3A_350 = tpu.memref_slice %arg18[%dma_start3A_348, %dma_start3A_349] : memref<10112x128xf32, #tpu.memory_space<vmem_shared>> -> memref<10112x128xf32, #tpu.memory_space<vmem_shared>>
      tpu.enqueue_indirect_dma source(%arg14 : memref<80x128xf32, #tpu.memory_space<vmem>>) target(%dma_start3A_350 : memref<10112x128xf32, #tpu.memory_space<vmem_shared>>) offsets(%dma_start3A_347 : memref<80xi32, #tpu.memory_space<vmem>>) semaphore(%arg22 : memref<!tpu.dma_semaphore, #tpu.memory_space<semaphore_mem>>) {add = true}
      %add3A_351 = arith.constant 1 : i32
      %add3A_352 = arith.addi %add3A_64, %add3A_351 : i32
      %lt3A = arith.constant 16 : i32
      %lt3A_353 = arith.cmpi slt, %add3A_352, %lt3A : i32
      %convert_element_type3A_354 = arith.extui %lt3A_353 : i1 to i32
      %cond3A_355 = arith.constant 0 : i32
      %cond3A_356 = arith.cmpi ne, %convert_element_type3A_354, %cond3A_355 : i32
      scf.if %cond3A_356 {
        %add3A_433 = arith.addi %mul3A_13, %mul3A_66 : i32
        %add3A_434 = arith.constant 5 : i32
        %add3A_435 = arith.addi %add3A_433, %add3A_434 : i32
        %add3A_436 = arith.constant 3 : i32
        %add3A_437 = arith.addi %add3A_435, %add3A_436 : i32
        %dma_start3A_438 = arith.constant 0 : i32
        %dma_start3A_439 = arith.constant 0 : i32
        %dma_start3A_440 = tpu.memref_slice %arg3[%add3A_437, %dma_start3A_438, %dma_start3A_439] : memref<4096x2x80xi32, #tpu.memory_space<hbm>> -> memref<1x2x80xi32, #tpu.memory_space<hbm>>
        %dma_start3A_441 = tpu.memref_squeeze %dma_start3A_440 : memref<1x2x80xi32, #tpu.memory_space<hbm>> -> memref<2x80xi32, #tpu.memory_space<hbm>>
        %dma_start3A_442 = arith.constant 0 : i32
        %dma_start3A_443 = arith.constant 0 : i32
        %dma_start3A_444 = tpu.memref_slice %arg3[%add3A_437, %dma_start3A_442, %dma_start3A_443] : memref<4096x2x80xi32, #tpu.memory_space<hbm>> -> memref<1x2x80xi32, #tpu.memory_space<hbm>>
        %dma_start3A_445 = tpu.memref_squeeze %dma_start3A_444 : memref<1x2x80xi32, #tpu.memory_space<hbm>> -> memref<2x80xi32, #tpu.memory_space<hbm>>
        tpu.enqueue_dma source(%dma_start3A_445 : memref<2x80xi32, #tpu.memory_space<hbm>>) target(%arg5 : memref<2x80xi32, #tpu.memory_space<vmem>>) target_semaphore(%arg23 : memref<!tpu.dma_semaphore, #tpu.memory_space<semaphore_mem>>)
      } else {
      }
      %add3A_357 = arith.addi %mul3A_13, %mul3A_66 : i32
      %add3A_358 = arith.constant 5 : i32
      %add3A_359 = arith.addi %add3A_357, %add3A_358 : i32
      %add3A_360 = arith.constant 2 : i32
      %add3A_361 = arith.addi %add3A_359, %add3A_360 : i32
      %dma_wait3A_362 = arith.constant 0 : i32
      %dma_wait3A_363 = arith.constant 0 : i32
      %dma_wait3A_364 = tpu.memref_slice %arg3[%add3A_361, %dma_wait3A_362, %dma_wait3A_363] : memref<4096x2x80xi32, #tpu.memory_space<hbm>> -> memref<1x2x80xi32, #tpu.memory_space<hbm>>
      %dma_wait3A_365 = tpu.memref_squeeze %dma_wait3A_364 : memref<1x2x80xi32, #tpu.memory_space<hbm>> -> memref<2x80xi32, #tpu.memory_space<hbm>>
      %dma_wait3A_366 = arith.constant 0 : i32
      %dma_wait3A_367 = arith.constant 0 : i32
      %dma_wait3A_368 = tpu.memref_slice %arg3[%add3A_361, %dma_wait3A_366, %dma_wait3A_367] : memref<4096x2x80xi32, #tpu.memory_space<hbm>> -> memref<1x2x80xi32, #tpu.memory_space<hbm>>
      %dma_wait3A_369 = tpu.memref_squeeze %dma_wait3A_368 : memref<1x2x80xi32, #tpu.memory_space<hbm>> -> memref<2x80xi32, #tpu.memory_space<hbm>>
      tpu.wait_dma2 semaphore(%arg23 : memref<!tpu.dma_semaphore, #tpu.memory_space<semaphore_mem>>) src(%dma_wait3A_369 : memref<2x80xi32, #tpu.memory_space<hbm>>) dst(%arg12 : memref<2x80xi32, #tpu.memory_space<vmem>>)
      %dma_start3A_370 = arith.constant 0 : i32
      %dma_start3A_371 = arith.constant 0 : i32
      %dma_start3A_372 = tpu.memref_slice %arg12[%dma_start3A_370, %dma_start3A_371] : memref<2x80xi32, #tpu.memory_space<vmem>> -> memref<1x80xi32, #tpu.memory_space<vmem>>
      %dma_start3A_373 = tpu.memref_squeeze %dma_start3A_372 : memref<1x80xi32, #tpu.memory_space<vmem>> -> memref<80xi32, #tpu.memory_space<vmem>>
      %dma_start3A_374 = arith.constant 0 : i32
      %dma_start3A_375 = arith.constant 0 : i32
      %dma_start3A_376 = tpu.memref_slice %arg2[%dma_start3A_374, %dma_start3A_375] : memref<10112x128xf32, #tpu.memory_space<hbm>> -> memref<10112x128xf32, #tpu.memory_space<hbm>>
      tpu.enqueue_indirect_dma source(%dma_start3A_376 : memref<10112x128xf32, #tpu.memory_space<hbm>>) target(%arg16 : memref<80x128xf32, #tpu.memory_space<vmem>>) offsets(%dma_start3A_373 : memref<80xi32, #tpu.memory_space<vmem>>) semaphore(%arg20 : memref<!tpu.dma_semaphore, #tpu.memory_space<semaphore_mem>>)
      %dma_wait3A_377 = arith.constant 0 : i32
      %dma_wait3A_378 = arith.constant 0 : i32
      %dma_wait3A_379 = tpu.memref_slice %arg11[%dma_wait3A_377, %dma_wait3A_378] : memref<2x80xi32, #tpu.memory_space<vmem>> -> memref<1x80xi32, #tpu.memory_space<vmem>>
      %dma_wait3A_380 = tpu.memref_squeeze %dma_wait3A_379 : memref<1x80xi32, #tpu.memory_space<vmem>> -> memref<80xi32, #tpu.memory_space<vmem>>
      %dma_wait3A_381 = arith.constant 0 : i32
      %dma_wait3A_382 = arith.constant 0 : i32
      %dma_wait3A_383 = tpu.memref_slice %arg2[%dma_wait3A_381, %dma_wait3A_382] : memref<10112x128xf32, #tpu.memory_space<hbm>> -> memref<10112x128xf32, #tpu.memory_space<hbm>>
      tpu.wait_indirect_dma semaphore(%arg19 : memref<!tpu.dma_semaphore, #tpu.memory_space<semaphore_mem>>) src(%dma_wait3A_383 : memref<10112x128xf32, #tpu.memory_space<hbm>>) dst(%arg15 : memref<80x128xf32, #tpu.memory_space<vmem>>)
      %dma_wait3A_384 = arith.constant 1 : i32
      %dma_wait3A_385 = arith.constant 0 : i32
      %dma_wait3A_386 = tpu.memref_slice %arg9[%dma_wait3A_384, %dma_wait3A_385] : memref<2x80xi32, #tpu.memory_space<vmem>> -> memref<1x80xi32, #tpu.memory_space<vmem>>
      %dma_wait3A_387 = tpu.memref_squeeze %dma_wait3A_386 : memref<1x80xi32, #tpu.memory_space<vmem>> -> memref<80xi32, #tpu.memory_space<vmem>>
      %dma_wait3A_388 = arith.constant 0 : i32
      %dma_wait3A_389 = arith.constant 0 : i32
      %dma_wait3A_390 = tpu.memref_slice %arg18[%dma_wait3A_388, %dma_wait3A_389] : memref<10112x128xf32, #tpu.memory_space<vmem_shared>> -> memref<10112x128xf32, #tpu.memory_space<vmem_shared>>
      tpu.wait_indirect_dma semaphore(%arg21 : memref<!tpu.dma_semaphore, #tpu.memory_space<semaphore_mem>>) src(%arg13 : memref<80x128xf32, #tpu.memory_space<vmem>>) dst(%dma_wait3A_390 : memref<10112x128xf32, #tpu.memory_space<vmem_shared>>)
      %dma_start3A_391 = arith.constant 1 : i32
      %dma_start3A_392 = arith.constant 0 : i32
      %dma_start3A_393 = tpu.memref_slice %arg11[%dma_start3A_391, %dma_start3A_392] : memref<2x80xi32, #tpu.memory_space<vmem>> -> memref<1x80xi32, #tpu.memory_space<vmem>>
      %dma_start3A_394 = tpu.memref_squeeze %dma_start3A_393 : memref<1x80xi32, #tpu.memory_space<vmem>> -> memref<80xi32, #tpu.memory_space<vmem>>
      %dma_start3A_395 = arith.constant 0 : i32
      %dma_start3A_396 = arith.constant 0 : i32
      %dma_start3A_397 = tpu.memref_slice %arg18[%dma_start3A_395, %dma_start3A_396] : memref<10112x128xf32, #tpu.memory_space<vmem_shared>> -> memref<10112x128xf32, #tpu.memory_space<vmem_shared>>
      tpu.enqueue_indirect_dma source(%arg15 : memref<80x128xf32, #tpu.memory_space<vmem>>) target(%dma_start3A_397 : memref<10112x128xf32, #tpu.memory_space<vmem_shared>>) offsets(%dma_start3A_394 : memref<80xi32, #tpu.memory_space<vmem>>) semaphore(%arg21 : memref<!tpu.dma_semaphore, #tpu.memory_space<semaphore_mem>>) {add = true}
      %add3A_398 = arith.constant 1 : i32
      %add3A_399 = arith.addi %add3A_64, %add3A_398 : i32
      %lt3A_400 = arith.constant 16 : i32
      %lt3A_401 = arith.cmpi slt, %add3A_399, %lt3A_400 : i32
      %convert_element_type3A_402 = arith.extui %lt3A_401 : i1 to i32
      %cond3A_403 = arith.constant 0 : i32
      %cond3A_404 = arith.cmpi ne, %convert_element_type3A_402, %cond3A_403 : i32
      scf.if %cond3A_404 {
        %add3A_433 = arith.addi %mul3A_13, %mul3A_66 : i32
        %add3A_434 = arith.constant 6 : i32
        %add3A_435 = arith.addi %add3A_433, %add3A_434 : i32
        %add3A_436 = arith.constant 2 : i32
        %add3A_437 = arith.addi %add3A_435, %add3A_436 : i32
        %dma_wait3A_438 = arith.constant 0 : i32
        %dma_wait3A_439 = arith.constant 0 : i32
        %dma_wait3A_440 = tpu.memref_slice %arg3[%add3A_437, %dma_wait3A_438, %dma_wait3A_439] : memref<4096x2x80xi32, #tpu.memory_space<hbm>> -> memref<1x2x80xi32, #tpu.memory_space<hbm>>
        %dma_wait3A_441 = tpu.memref_squeeze %dma_wait3A_440 : memref<1x2x80xi32, #tpu.memory_space<hbm>> -> memref<2x80xi32, #tpu.memory_space<hbm>>
        %dma_wait3A_442 = arith.constant 0 : i32
        %dma_wait3A_443 = arith.constant 0 : i32
        %dma_wait3A_444 = tpu.memref_slice %arg3[%add3A_437, %dma_wait3A_442, %dma_wait3A_443] : memref<4096x2x80xi32, #tpu.memory_space<hbm>> -> memref<1x2x80xi32, #tpu.memory_space<hbm>>
        %dma_wait3A_445 = tpu.memref_squeeze %dma_wait3A_444 : memref<1x2x80xi32, #tpu.memory_space<hbm>> -> memref<2x80xi32, #tpu.memory_space<hbm>>
        tpu.wait_dma2 semaphore(%arg23 : memref<!tpu.dma_semaphore, #tpu.memory_space<semaphore_mem>>) src(%dma_wait3A_445 : memref<2x80xi32, #tpu.memory_space<hbm>>) dst(%arg5 : memref<2x80xi32, #tpu.memory_space<vmem>>)
        %dma_start3A_446 = arith.constant 0 : i32
        %dma_start3A_447 = arith.constant 0 : i32
        %dma_start3A_448 = tpu.memref_slice %arg5[%dma_start3A_446, %dma_start3A_447] : memref<2x80xi32, #tpu.memory_space<vmem>> -> memref<1x80xi32, #tpu.memory_space<vmem>>
        %dma_start3A_449 = tpu.memref_squeeze %dma_start3A_448 : memref<1x80xi32, #tpu.memory_space<vmem>> -> memref<80xi32, #tpu.memory_space<vmem>>
        %dma_start3A_450 = arith.constant 0 : i32
        %dma_start3A_451 = arith.constant 0 : i32
        %dma_start3A_452 = tpu.memref_slice %arg2[%dma_start3A_450, %dma_start3A_451] : memref<10112x128xf32, #tpu.memory_space<hbm>> -> memref<10112x128xf32, #tpu.memory_space<hbm>>
        tpu.enqueue_indirect_dma source(%dma_start3A_452 : memref<10112x128xf32, #tpu.memory_space<hbm>>) target(%arg13 : memref<80x128xf32, #tpu.memory_space<vmem>>) offsets(%dma_start3A_449 : memref<80xi32, #tpu.memory_space<vmem>>) semaphore(%arg19 : memref<!tpu.dma_semaphore, #tpu.memory_space<semaphore_mem>>)
        %add3A_453 = arith.addi %mul3A_13, %mul3A_66 : i32
        %add3A_454 = arith.constant 6 : i32
        %add3A_455 = arith.addi %add3A_453, %add3A_454 : i32
        %add3A_456 = arith.constant 3 : i32
        %add3A_457 = arith.addi %add3A_455, %add3A_456 : i32
        %dma_start3A_458 = arith.constant 0 : i32
        %dma_start3A_459 = arith.constant 0 : i32
        %dma_start3A_460 = tpu.memref_slice %arg3[%add3A_457, %dma_start3A_458, %dma_start3A_459] : memref<4096x2x80xi32, #tpu.memory_space<hbm>> -> memref<1x2x80xi32, #tpu.memory_space<hbm>>
        %dma_start3A_461 = tpu.memref_squeeze %dma_start3A_460 : memref<1x2x80xi32, #tpu.memory_space<hbm>> -> memref<2x80xi32, #tpu.memory_space<hbm>>
        %dma_start3A_462 = arith.constant 0 : i32
        %dma_start3A_463 = arith.constant 0 : i32
        %dma_start3A_464 = tpu.memref_slice %arg3[%add3A_457, %dma_start3A_462, %dma_start3A_463] : memref<4096x2x80xi32, #tpu.memory_space<hbm>> -> memref<1x2x80xi32, #tpu.memory_space<hbm>>
        %dma_start3A_465 = tpu.memref_squeeze %dma_start3A_464 : memref<1x2x80xi32, #tpu.memory_space<hbm>> -> memref<2x80xi32, #tpu.memory_space<hbm>>
        tpu.enqueue_dma source(%dma_start3A_465 : memref<2x80xi32, #tpu.memory_space<hbm>>) target(%arg6 : memref<2x80xi32, #tpu.memory_space<vmem>>) target_semaphore(%arg23 : memref<!tpu.dma_semaphore, #tpu.memory_space<semaphore_mem>>)
      } else {
      }
      %dma_wait3A_405 = arith.constant 0 : i32
      %dma_wait3A_406 = arith.constant 0 : i32
      %dma_wait3A_407 = tpu.memref_slice %arg12[%dma_wait3A_405, %dma_wait3A_406] : memref<2x80xi32, #tpu.memory_space<vmem>> -> memref<1x80xi32, #tpu.memory_space<vmem>>
      %dma_wait3A_408 = tpu.memref_squeeze %dma_wait3A_407 : memref<1x80xi32, #tpu.memory_space<vmem>> -> memref<80xi32, #tpu.memory_space<vmem>>
      %dma_wait3A_409 = arith.constant 0 : i32
      %dma_wait3A_410 = arith.constant 0 : i32
      %dma_wait3A_411 = tpu.memref_slice %arg2[%dma_wait3A_409, %dma_wait3A_410] : memref<10112x128xf32, #tpu.memory_space<hbm>> -> memref<10112x128xf32, #tpu.memory_space<hbm>>
      tpu.wait_indirect_dma semaphore(%arg20 : memref<!tpu.dma_semaphore, #tpu.memory_space<semaphore_mem>>) src(%dma_wait3A_411 : memref<10112x128xf32, #tpu.memory_space<hbm>>) dst(%arg16 : memref<80x128xf32, #tpu.memory_space<vmem>>)
      %dma_wait3A_412 = arith.constant 1 : i32
      %dma_wait3A_413 = arith.constant 0 : i32
      %dma_wait3A_414 = tpu.memref_slice %arg10[%dma_wait3A_412, %dma_wait3A_413] : memref<2x80xi32, #tpu.memory_space<vmem>> -> memref<1x80xi32, #tpu.memory_space<vmem>>
      %dma_wait3A_415 = tpu.memref_squeeze %dma_wait3A_414 : memref<1x80xi32, #tpu.memory_space<vmem>> -> memref<80xi32, #tpu.memory_space<vmem>>
      %dma_wait3A_416 = arith.constant 0 : i32
      %dma_wait3A_417 = arith.constant 0 : i32
      %dma_wait3A_418 = tpu.memref_slice %arg18[%dma_wait3A_416, %dma_wait3A_417] : memref<10112x128xf32, #tpu.memory_space<vmem_shared>> -> memref<10112x128xf32, #tpu.memory_space<vmem_shared>>
      tpu.wait_indirect_dma semaphore(%arg22 : memref<!tpu.dma_semaphore, #tpu.memory_space<semaphore_mem>>) src(%arg14 : memref<80x128xf32, #tpu.memory_space<vmem>>) dst(%dma_wait3A_418 : memref<10112x128xf32, #tpu.memory_space<vmem_shared>>)
      %dma_start3A_419 = arith.constant 1 : i32
      %dma_start3A_420 = arith.constant 0 : i32
      %dma_start3A_421 = tpu.memref_slice %arg12[%dma_start3A_419, %dma_start3A_420] : memref<2x80xi32, #tpu.memory_space<vmem>> -> memref<1x80xi32, #tpu.memory_space<vmem>>
      %dma_start3A_422 = tpu.memref_squeeze %dma_start3A_421 : memref<1x80xi32, #tpu.memory_space<vmem>> -> memref<80xi32, #tpu.memory_space<vmem>>
      %dma_start3A_423 = arith.constant 0 : i32
      %dma_start3A_424 = arith.constant 0 : i32
      %dma_start3A_425 = tpu.memref_slice %arg18[%dma_start3A_423, %dma_start3A_424] : memref<10112x128xf32, #tpu.memory_space<vmem_shared>> -> memref<10112x128xf32, #tpu.memory_space<vmem_shared>>
      tpu.enqueue_indirect_dma source(%arg16 : memref<80x128xf32, #tpu.memory_space<vmem>>) target(%dma_start3A_425 : memref<10112x128xf32, #tpu.memory_space<vmem_shared>>) offsets(%dma_start3A_422 : memref<80xi32, #tpu.memory_space<vmem>>) semaphore(%arg22 : memref<!tpu.dma_semaphore, #tpu.memory_space<semaphore_mem>>) {add = true}
      %add3A_426 = arith.constant 1 : i32
      %add3A_427 = arith.addi %add3A_64, %add3A_426 : i32
      %lt3A_428 = arith.constant 16 : i32
      %lt3A_429 = arith.cmpi slt, %add3A_427, %lt3A_428 : i32
      %convert_element_type3A_430 = arith.extui %lt3A_429 : i1 to i32
      %cond3A_431 = arith.constant 0 : i32
      %cond3A_432 = arith.cmpi ne, %convert_element_type3A_430, %cond3A_431 : i32
      scf.if %cond3A_432 {
        %add3A_433 = arith.addi %mul3A_13, %mul3A_66 : i32
        %add3A_434 = arith.constant 7 : i32
        %add3A_435 = arith.addi %add3A_433, %add3A_434 : i32
        %add3A_436 = arith.constant 2 : i32
        %add3A_437 = arith.addi %add3A_435, %add3A_436 : i32
        %dma_wait3A_438 = arith.constant 0 : i32
        %dma_wait3A_439 = arith.constant 0 : i32
        %dma_wait3A_440 = tpu.memref_slice %arg3[%add3A_437, %dma_wait3A_438, %dma_wait3A_439] : memref<4096x2x80xi32, #tpu.memory_space<hbm>> -> memref<1x2x80xi32, #tpu.memory_space<hbm>>
        %dma_wait3A_441 = tpu.memref_squeeze %dma_wait3A_440 : memref<1x2x80xi32, #tpu.memory_space<hbm>> -> memref<2x80xi32, #tpu.memory_space<hbm>>
        %dma_wait3A_442 = arith.constant 0 : i32
        %dma_wait3A_443 = arith.constant 0 : i32
        %dma_wait3A_444 = tpu.memref_slice %arg3[%add3A_437, %dma_wait3A_442, %dma_wait3A_443] : memref<4096x2x80xi32, #tpu.memory_space<hbm>> -> memref<1x2x80xi32, #tpu.memory_space<hbm>>
        %dma_wait3A_445 = tpu.memref_squeeze %dma_wait3A_444 : memref<1x2x80xi32, #tpu.memory_space<hbm>> -> memref<2x80xi32, #tpu.memory_space<hbm>>
        tpu.wait_dma2 semaphore(%arg23 : memref<!tpu.dma_semaphore, #tpu.memory_space<semaphore_mem>>) src(%dma_wait3A_445 : memref<2x80xi32, #tpu.memory_space<hbm>>) dst(%arg6 : memref<2x80xi32, #tpu.memory_space<vmem>>)
        %dma_start3A_446 = arith.constant 0 : i32
        %dma_start3A_447 = arith.constant 0 : i32
        %dma_start3A_448 = tpu.memref_slice %arg6[%dma_start3A_446, %dma_start3A_447] : memref<2x80xi32, #tpu.memory_space<vmem>> -> memref<1x80xi32, #tpu.memory_space<vmem>>
        %dma_start3A_449 = tpu.memref_squeeze %dma_start3A_448 : memref<1x80xi32, #tpu.memory_space<vmem>> -> memref<80xi32, #tpu.memory_space<vmem>>
        %dma_start3A_450 = arith.constant 0 : i32
        %dma_start3A_451 = arith.constant 0 : i32
        %dma_start3A_452 = tpu.memref_slice %arg2[%dma_start3A_450, %dma_start3A_451] : memref<10112x128xf32, #tpu.memory_space<hbm>> -> memref<10112x128xf32, #tpu.memory_space<hbm>>
        tpu.enqueue_indirect_dma source(%dma_start3A_452 : memref<10112x128xf32, #tpu.memory_space<hbm>>) target(%arg14 : memref<80x128xf32, #tpu.memory_space<vmem>>) offsets(%dma_start3A_449 : memref<80xi32, #tpu.memory_space<vmem>>) semaphore(%arg20 : memref<!tpu.dma_semaphore, #tpu.memory_space<semaphore_mem>>)
        %add3A_453 = arith.addi %mul3A_13, %mul3A_66 : i32
        %add3A_454 = arith.constant 7 : i32
        %add3A_455 = arith.addi %add3A_453, %add3A_454 : i32
        %add3A_456 = arith.constant 3 : i32
        %add3A_457 = arith.addi %add3A_455, %add3A_456 : i32
        %dma_start3A_458 = arith.constant 0 : i32
        %dma_start3A_459 = arith.constant 0 : i32
        %dma_start3A_460 = tpu.memref_slice %arg3[%add3A_457, %dma_start3A_458, %dma_start3A_459] : memref<4096x2x80xi32, #tpu.memory_space<hbm>> -> memref<1x2x80xi32, #tpu.memory_space<hbm>>
        %dma_start3A_461 = tpu.memref_squeeze %dma_start3A_460 : memref<1x2x80xi32, #tpu.memory_space<hbm>> -> memref<2x80xi32, #tpu.memory_space<hbm>>
        %dma_start3A_462 = arith.constant 0 : i32
        %dma_start3A_463 = arith.constant 0 : i32
        %dma_start3A_464 = tpu.memref_slice %arg3[%add3A_457, %dma_start3A_462, %dma_start3A_463] : memref<4096x2x80xi32, #tpu.memory_space<hbm>> -> memref<1x2x80xi32, #tpu.memory_space<hbm>>
        %dma_start3A_465 = tpu.memref_squeeze %dma_start3A_464 : memref<1x2x80xi32, #tpu.memory_space<hbm>> -> memref<2x80xi32, #tpu.memory_space<hbm>>
        tpu.enqueue_dma source(%dma_start3A_465 : memref<2x80xi32, #tpu.memory_space<hbm>>) target(%arg7 : memref<2x80xi32, #tpu.memory_space<vmem>>) target_semaphore(%arg23 : memref<!tpu.dma_semaphore, #tpu.memory_space<semaphore_mem>>)
      } else {
      }
    }
    %scan3A_45 = arith.constant 16 : i32
    %dma_wait3A = arith.constant 1 : i32
    %dma_wait3A_46 = arith.constant 0 : i32
    %dma_wait3A_47 = tpu.memref_slice %arg11[%dma_wait3A, %dma_wait3A_46] : memref<2x80xi32, #tpu.memory_space<vmem>> -> memref<1x80xi32, #tpu.memory_space<vmem>>
    %dma_wait3A_48 = tpu.memref_squeeze %dma_wait3A_47 : memref<1x80xi32, #tpu.memory_space<vmem>> -> memref<80xi32, #tpu.memory_space<vmem>>
    %dma_wait3A_49 = arith.constant 0 : i32
    %dma_wait3A_50 = arith.constant 0 : i32
    %dma_wait3A_51 = tpu.memref_slice %arg18[%dma_wait3A_49, %dma_wait3A_50] : memref<10112x128xf32, #tpu.memory_space<vmem_shared>> -> memref<10112x128xf32, #tpu.memory_space<vmem_shared>>
    tpu.wait_indirect_dma semaphore(%arg21 : memref<!tpu.dma_semaphore, #tpu.memory_space<semaphore_mem>>) src(%arg15 : memref<80x128xf32, #tpu.memory_space<vmem>>) dst(%dma_wait3A_51 : memref<10112x128xf32, #tpu.memory_space<vmem_shared>>)
    %dma_wait3A_52 = arith.constant 1 : i32
    %dma_wait3A_53 = arith.constant 0 : i32
    %dma_wait3A_54 = tpu.memref_slice %arg12[%dma_wait3A_52, %dma_wait3A_53] : memref<2x80xi32, #tpu.memory_space<vmem>> -> memref<1x80xi32, #tpu.memory_space<vmem>>
    %dma_wait3A_55 = tpu.memref_squeeze %dma_wait3A_54 : memref<1x80xi32, #tpu.memory_space<vmem>> -> memref<80xi32, #tpu.memory_space<vmem>>
    %dma_wait3A_56 = arith.constant 0 : i32
    %dma_wait3A_57 = arith.constant 0 : i32
    %dma_wait3A_58 = tpu.memref_slice %arg18[%dma_wait3A_56, %dma_wait3A_57] : memref<10112x128xf32, #tpu.memory_space<vmem_shared>> -> memref<10112x128xf32, #tpu.memory_space<vmem_shared>>
    tpu.wait_indirect_dma semaphore(%arg22 : memref<!tpu.dma_semaphore, #tpu.memory_space<semaphore_mem>>) src(%arg16 : memref<80x128xf32, #tpu.memory_space<vmem>>) dst(%dma_wait3A_58 : memref<10112x128xf32, #tpu.memory_space<vmem_shared>>)
    %barrier3A_59 = arith.constant 0 : index
    tpu.barrier barrier_id(%barrier3A_59)
    "tpu.region"() ({
      %run_scoped3A = tpu.sem_alloc : memref<!tpu.dma_semaphore, #tpu.memory_space<semaphore_mem>>
      %dma_start3A_60 = arith.constant 0 : i32
      %dma_start3A_61 = tpu.memref_slice %arg4[%arg0, %mul3A_6, %dma_start3A_60] : memref<2x10112x128xf32, #tpu.memory_space<hbm>> -> memref<1x632x128xf32, #tpu.memory_space<hbm>>
      %dma_start3A_62 = tpu.memref_squeeze %dma_start3A_61 : memref<1x632x128xf32, #tpu.memory_space<hbm>> -> memref<632x128xf32, #tpu.memory_space<hbm>>
      %dma_start3A_63 = arith.constant 0 : i32
      %dma_start3A_64 = tpu.memref_slice %arg18[%mul3A_6, %dma_start3A_63] : memref<10112x128xf32, #tpu.memory_space<vmem_shared>> -> memref<632x128xf32, #tpu.memory_space<vmem_shared>>
      tpu.enqueue_dma source(%dma_start3A_64 : memref<632x128xf32, #tpu.memory_space<vmem_shared>>) target(%dma_start3A_62 : memref<632x128xf32, #tpu.memory_space<hbm>>) target_semaphore(%run_scoped3A : memref<!tpu.dma_semaphore, #tpu.memory_space<semaphore_mem>>)
      %dma_wait3A_65 = arith.constant 0 : i32
      %dma_wait3A_66 = tpu.memref_slice %arg4[%arg0, %mul3A_6, %dma_wait3A_65] : memref<2x10112x128xf32, #tpu.memory_space<hbm>> -> memref<1x632x128xf32, #tpu.memory_space<hbm>>
      %dma_wait3A_67 = tpu.memref_squeeze %dma_wait3A_66 : memref<1x632x128xf32, #tpu.memory_space<hbm>> -> memref<632x128xf32, #tpu.memory_space<hbm>>
      %dma_wait3A_68 = arith.constant 0 : i32
      %dma_wait3A_69 = tpu.memref_slice %arg18[%mul3A_6, %dma_wait3A_68] : memref<10112x128xf32, #tpu.memory_space<vmem_shared>> -> memref<632x128xf32, #tpu.memory_space<vmem_shared>>
      tpu.wait_dma2 semaphore(%run_scoped3A : memref<!tpu.dma_semaphore, #tpu.memory_space<semaphore_mem>>) src(%dma_wait3A_69 : memref<632x128xf32, #tpu.memory_space<vmem_shared>>) dst(%dma_wait3A_67 : memref<632x128xf32, #tpu.memory_space<hbm>>)
      tpu.yield
    }) : () -> ()
    return
  }
}

#map = affine_map<(d0, d1) -> (0, 0)>
#map1 = affine_map<(d0, d1) -> (0, 0, 0)>
module attributes {stable_mosaic.version = 14 : i64} {
  func.func @k(%arg0: i32, %arg1: i32, %arg2: memref<10112x128xf32, #tpu.memory_space<hbm>>, %arg3: memref<4096x2x80xi32, #tpu.memory_space<hbm>>, %arg4: memref<2x10112x128xf32, #tpu.memory_space<hbm>>, %arg5: memref<2x80xi32, #tpu.memory_space<vmem>>, %arg6: memref<2x80xi32, #tpu.memory_space<vmem>>, %arg7: memref<2x80xi32, #tpu.memory_space<vmem>>, %arg8: memref<2x80xi32, #tpu.memory_space<vmem>>, %arg9: memref<2x80xi32, #tpu.memory_space<vmem>>, %arg10: memref<2x80xi32, #tpu.memory_space<vmem>>, %arg11: memref<2x80xi32, #tpu.memory_space<vmem>>, %arg12: memref<2x80xi32, #tpu.memory_space<vmem>>, %arg13: memref<80x128xf32, #tpu.memory_space<vmem>>, %arg14: memref<80x128xf32, #tpu.memory_space<vmem>>, %arg15: memref<80x128xf32, #tpu.memory_space<vmem>>, %arg16: memref<80x128xf32, #tpu.memory_space<vmem>>, %arg17: memref<8x128xf32, #tpu.memory_space<vmem>>, %arg18: memref<10112x128xf32, #tpu.memory_space<vmem_shared>>, %arg19: memref<!tpu.dma_semaphore, #tpu.memory_space<semaphore_mem>>, %arg20: memref<!tpu.dma_semaphore, #tpu.memory_space<semaphore_mem>>, %arg21: memref<!tpu.dma_semaphore, #tpu.memory_space<semaphore_mem>>, %arg22: memref<!tpu.dma_semaphore, #tpu.memory_space<semaphore_mem>>, %arg23: memref<!tpu.dma_semaphore, #tpu.memory_space<semaphore_mem>>) attributes {dimension_semantics = [#tpu.dimension_semantics<core_parallel>, #tpu.dimension_semantics<subcore_parallel>], iteration_bounds = array<i64: 2, 16>, scalar_prefetch = 0 : i64, scratch_operands = 19 : i64, tpu.core_type = #tpu.core_type<sc_vector_subcore>, window_params = [{transform_indices = #map}, {transform_indices = #map1}, {transform_indices = #map1}]} {
    %mul3A = arith.constant 16 : i32
    %mul3A_0 = arith.muli %arg0, %mul3A : i32
    %add3A = arith.addi %mul3A_0, %arg1 : i32
    %scan3A = arith.constant 0 : i32
    %scan3A_1 = arith.constant 8 : i32
    %scan3A_2 = arith.addi %scan3A, %scan3A_1 : i32
    %scan3A_3 = arith.constant 1 : i32
    scf.for %scan3A_60 = %scan3A to %scan3A_2 step %scan3A_3  : i32 {
      %mul3A_61 = arith.constant 1 : i32
      %mul3A_62 = arith.muli %scan3A_60, %mul3A_61 : i32
      %add3A_63 = arith.constant 0 : i32
      %add3A_64 = arith.addi %add3A_63, %mul3A_62 : i32
      %scan3A_65 = arith.constant 0 : i32
      %scan3A_66 = arith.constant 8 : i32
      %scan3A_67 = arith.addi %scan3A_65, %scan3A_66 : i32
      %scan3A_68 = arith.constant 1 : i32
      scf.for %scan3A_70 = %scan3A_65 to %scan3A_67 step %scan3A_68  : i32 {
        %mul3A_71 = arith.constant 16 : i32
        %mul3A_72 = arith.muli %scan3A_70, %mul3A_71 : i32
        %add3A_73 = arith.constant 0 : i32
        %add3A_74 = arith.addi %add3A_73, %mul3A_72 : i32
        %broadcast_in_dim3A = arith.constant 0.000000e+00 : f32
        %broadcast_in_dim3A_75 = vector.broadcast %broadcast_in_dim3A : f32 to vector<16xf32>
        %swap3A = arith.index_cast %add3A_64 : i32 to index
        %swap3A_76 = arith.index_cast %add3A_74 : i32 to index
        %swap3A_77 = tpu.vector_load %arg17[%swap3A, %swap3A_76] {strides = array<i32>} : memref<8x128xf32, #tpu.memory_space<vmem>>, vector<1x16xf32>,
        %swap3A_78 = vector.shape_cast %swap3A_77 : vector<1x16xf32> to vector<16xf32>
        %swap3A_79 = vector.shape_cast %broadcast_in_dim3A_75 : vector<16xf32> to vector<1x16xf32>
        tpu.vector_store %arg17[%swap3A, %swap3A_76], %swap3A_79 {strides = array<i32>} : memref<8x128xf32, #tpu.memory_space<vmem>>, vector<1x16xf32>,
      }
      %scan3A_69 = arith.constant 8 : i32
    }
    %scan3A_4 = arith.constant 8 : i32
    %mul3A_5 = arith.constant 632 : i32
    %mul3A_6 = arith.muli %arg1, %mul3A_5 : i32
    %scan3A_7 = arith.constant 0 : i32
    %scan3A_8 = arith.constant 79 : i32
    %scan3A_9 = arith.addi %scan3A_7, %scan3A_8 : i32
    %scan3A_10 = arith.constant 1 : i32
    scf.for %scan3A_60 = %scan3A_7 to %scan3A_9 step %scan3A_10  : i32 {
      %mul3A_61 = arith.constant 1 : i32
      %mul3A_62 = arith.muli %scan3A_60, %mul3A_61 : i32
      %add3A_63 = arith.constant 0 : i32
      %add3A_64 = arith.addi %add3A_63, %mul3A_62 : i32
      %mul3A_65 = arith.constant 8 : i32
      %mul3A_66 = arith.muli %add3A_64, %mul3A_65 : i32
      %add3A_67 = arith.addi %mul3A_6, %mul3A_66 : i32
      "tpu.region"() ({
        %run_scoped3A = tpu.sem_alloc : memref<!tpu.dma_semaphore, #tpu.memory_space<semaphore_mem>>
        %dma_start3A_68 = arith.constant 0 : i32
        %dma_start3A_69 = tpu.memref_slice %arg18[%add3A_67, %dma_start3A_68] : memref<10112x128xf32, #tpu.memory_space<vmem_shared>> -> memref<8x128xf32, #tpu.memory_space<vmem_shared>>
        %dma_start3A_70 = arith.constant 0 : i32
        %dma_start3A_71 = tpu.memref_slice %arg18[%add3A_67, %dma_start3A_70] : memref<10112x128xf32, #tpu.memory_space<vmem_shared>> -> memref<8x128xf32, #tpu.memory_space<vmem_shared>>
        tpu.enqueue_dma source(%arg17 : memref<8x128xf32, #tpu.memory_space<vmem>>) target(%dma_start3A_71 : memref<8x128xf32, #tpu.memory_space<vmem_shared>>) target_semaphore(%run_scoped3A : memref<!tpu.dma_semaphore, #tpu.memory_space<semaphore_mem>>)
        %dma_wait3A_72 = arith.constant 0 : i32
        %dma_wait3A_73 = tpu.memref_slice %arg18[%add3A_67, %dma_wait3A_72] : memref<10112x128xf32, #tpu.memory_space<vmem_shared>> -> memref<8x128xf32, #tpu.memory_space<vmem_shared>>
        %dma_wait3A_74 = arith.constant 0 : i32
        %dma_wait3A_75 = tpu.memref_slice %arg18[%add3A_67, %dma_wait3A_74] : memref<10112x128xf32, #tpu.memory_space<vmem_shared>> -> memref<8x128xf32, #tpu.memory_space<vmem_shared>>
        tpu.wait_dma2 semaphore(%run_scoped3A : memref<!tpu.dma_semaphore, #tpu.memory_space<semaphore_mem>>) src(%arg17 : memref<8x128xf32, #tpu.memory_space<vmem>>) dst(%dma_wait3A_75 : memref<8x128xf32, #tpu.memory_space<vmem_shared>>)
        tpu.yield
      }) : () -> ()
    }
    %scan3A_11 = arith.constant 79 : i32
    %barrier3A = arith.constant 0 : index
    tpu.barrier barrier_id(%barrier3A)
    %mul3A_12 = arith.constant 128 : i32
    %mul3A_13 = arith.muli %add3A, %mul3A_12 : i32
    %add3A_14 = arith.constant 0 : i32
    %add3A_15 = arith.addi %mul3A_13, %add3A_14 : i32
    "tpu.region"() ({
      %run_scoped3A = tpu.sem_alloc : memref<!tpu.dma_semaphore, #tpu.memory_space<semaphore_mem>>
      %dma_start3A_60 = arith.constant 0 : i32
      %dma_start3A_61 = arith.constant 0 : i32
      %dma_start3A_62 = tpu.memref_slice %arg3[%add3A_15, %dma_start3A_60, %dma_start3A_61] : memref<4096x2x80xi32, #tpu.memory_space<hbm>> -> memref<1x2x80xi32, #tpu.memory_space<hbm>>
      %dma_start3A_63 = tpu.memref_squeeze %dma_start3A_62 : memref<1x2x80xi32, #tpu.memory_space<hbm>> -> memref<2x80xi32, #tpu.memory_space<hbm>>
      %dma_start3A_64 = arith.constant 0 : i32
      %dma_start3A_65 = arith.constant 0 : i32
      %dma_start3A_66 = tpu.memref_slice %arg3[%add3A_15, %dma_start3A_64, %dma_start3A_65] : memref<4096x2x80xi32, #tpu.memory_space<hbm>> -> memref<1x2x80xi32, #tpu.memory_space<hbm>>
      %dma_start3A_67 = tpu.memref_squeeze %dma_start3A_66 : memref<1x2x80xi32, #tpu.memory_space<hbm>> -> memref<2x80xi32, #tpu.memory_space<hbm>>
      tpu.enqueue_dma source(%dma_start3A_67 : memref<2x80xi32, #tpu.memory_space<hbm>>) target(%arg5 : memref<2x80xi32, #tpu.memory_space<vmem>>) target_semaphore(%run_scoped3A : memref<!tpu.dma_semaphore, #tpu.memory_space<semaphore_mem>>)
      %dma_wait3A_68 = arith.constant 0 : i32
      %dma_wait3A_69 = arith.constant 0 : i32
      %dma_wait3A_70 = tpu.memref_slice %arg3[%add3A_15, %dma_wait3A_68, %dma_wait3A_69] : memref<4096x2x80xi32, #tpu.memory_space<hbm>> -> memref<1x2x80xi32, #tpu.memory_space<hbm>>
      %dma_wait3A_71 = tpu.memref_squeeze %dma_wait3A_70 : memref<1x2x80xi32, #tpu.memory_space<hbm>> -> memref<2x80xi32, #tpu.memory_space<hbm>>
      %dma_wait3A_72 = arith.constant 0 : i32
      %dma_wait3A_73 = arith.constant 0 : i32
      %dma_wait3A_74 = tpu.memref_slice %arg3[%add3A_15, %dma_wait3A_72, %dma_wait3A_73] : memref<4096x2x80xi32, #tpu.memory_space<hbm>> -> memref<1x2x80xi32, #tpu.memory_space<hbm>>
      %dma_wait3A_75 = tpu.memref_squeeze %dma_wait3A_74 : memref<1x2x80xi32, #tpu.memory_space<hbm>> -> memref<2x80xi32, #tpu.memory_space<hbm>>
      tpu.wait_dma2 semaphore(%run_scoped3A : memref<!tpu.dma_semaphore, #tpu.memory_space<semaphore_mem>>) src(%dma_wait3A_75 : memref<2x80xi32, #tpu.memory_space<hbm>>) dst(%arg5 : memref<2x80xi32, #tpu.memory_space<vmem>>)
      tpu.yield
    }) : () -> ()
    %dma_start3A = arith.constant 0 : i32
    %dma_start3A_16 = arith.constant 0 : i32
    %dma_start3A_17 = tpu.memref_slice %arg5[%dma_start3A, %dma_start3A_16] : memref<2x80xi32, #tpu.memory_space<vmem>> -> memref<1x80xi32, #tpu.memory_space<vmem>>
    %dma_start3A_18 = tpu.memref_squeeze %dma_start3A_17 : memref<1x80xi32, #tpu.memory_space<vmem>> -> memref<80xi32, #tpu.memory_space<vmem>>
    %dma_start3A_19 = arith.constant 0 : i32
    %dma_start3A_20 = arith.constant 0 : i32
    %dma_start3A_21 = tpu.memref_slice %arg2[%dma_start3A_19, %dma_start3A_20] : memref<10112x128xf32, #tpu.memory_space<hbm>> -> memref<10112x128xf32, #tpu.memory_space<hbm>>
    tpu.enqueue_indirect_dma source(%dma_start3A_21 : memref<10112x128xf32, #tpu.memory_space<hbm>>) target(%arg13 : memref<80x128xf32, #tpu.memory_space<vmem>>) offsets(%dma_start3A_18 : memref<80xi32, #tpu.memory_space<vmem>>) semaphore(%arg19 : memref<!tpu.dma_semaphore, #tpu.memory_space<semaphore_mem>>)
    %add3A_22 = arith.constant 1 : i32
    %add3A_23 = arith.addi %mul3A_13, %add3A_22 : i32
    "tpu.region"() ({
      %run_scoped3A = tpu.sem_alloc : memref<!tpu.dma_semaphore, #tpu.memory_space<semaphore_mem>>
      %dma_start3A_60 = arith.constant 0 : i32
      %dma_start3A_61 = arith.constant 0 : i32
      %dma_start3A_62 = tpu.memref_slice %arg3[%add3A_23, %dma_start3A_60, %dma_start3A_61] : memref<4096x2x80xi32, #tpu.memory_space<hbm>> -> memref<1x2x80xi32, #tpu.memory_space<hbm>>
      %dma_start3A_63 = tpu.memref_squeeze %dma_start3A_62 : memref<1x2x80xi32, #tpu.memory_space<hbm>> -> memref<2x80xi32, #tpu.memory_space<hbm>>
      %dma_start3A_64 = arith.constant 0 : i32
      %dma_start3A_65 = arith.constant 0 : i32
      %dma_start3A_66 = tpu.memref_slice %arg3[%add3A_23, %dma_start3A_64, %dma_start3A_65] : memref<4096x2x80xi32, #tpu.memory_space<hbm>> -> memref<1x2x80xi32, #tpu.memory_space<hbm>>
      %dma_start3A_67 = tpu.memref_squeeze %dma_start3A_66 : memref<1x2x80xi32, #tpu.memory_space<hbm>> -> memref<2x80xi32, #tpu.memory_space<hbm>>
      tpu.enqueue_dma source(%dma_start3A_67 : memref<2x80xi32, #tpu.memory_space<hbm>>) target(%arg6 : memref<2x80xi32, #tpu.memory_space<vmem>>) target_semaphore(%run_scoped3A : memref<!tpu.dma_semaphore, #tpu.memory_space<semaphore_mem>>)
      %dma_wait3A_68 = arith.constant 0 : i32
      %dma_wait3A_69 = arith.constant 0 : i32
      %dma_wait3A_70 = tpu.memref_slice %arg3[%add3A_23, %dma_wait3A_68, %dma_wait3A_69] : memref<4096x2x80xi32, #tpu.memory_space<hbm>> -> memref<1x2x80xi32, #tpu.memory_space<hbm>>
      %dma_wait3A_71 = tpu.memref_squeeze %dma_wait3A_70 : memref<1x2x80xi32, #tpu.memory_space<hbm>> -> memref<2x80xi32, #tpu.memory_space<hbm>>
      %dma_wait3A_72 = arith.constant 0 : i32
      %dma_wait3A_73 = arith.constant 0 : i32
      %dma_wait3A_74 = tpu.memref_slice %arg3[%add3A_23, %dma_wait3A_72, %dma_wait3A_73] : memref<4096x2x80xi32, #tpu.memory_space<hbm>> -> memref<1x2x80xi32, #tpu.memory_space<hbm>>
      %dma_wait3A_75 = tpu.memref_squeeze %dma_wait3A_74 : memref<1x2x80xi32, #tpu.memory_space<hbm>> -> memref<2x80xi32, #tpu.memory_space<hbm>>
      tpu.wait_dma2 semaphore(%run_scoped3A : memref<!tpu.dma_semaphore, #tpu.memory_space<semaphore_mem>>) src(%dma_wait3A_75 : memref<2x80xi32, #tpu.memory_space<hbm>>) dst(%arg6 : memref<2x80xi32, #tpu.memory_space<vmem>>)
      tpu.yield
    }) : () -> ()
    %dma_start3A_24 = arith.constant 0 : i32
    %dma_start3A_25 = arith.constant 0 : i32
    %dma_start3A_26 = tpu.memref_slice %arg6[%dma_start3A_24, %dma_start3A_25] : memref<2x80xi32, #tpu.memory_space<vmem>> -> memref<1x80xi32, #tpu.memory_space<vmem>>
    %dma_start3A_27 = tpu.memref_squeeze %dma_start3A_26 : memref<1x80xi32, #tpu.memory_space<vmem>> -> memref<80xi32, #tpu.memory_space<vmem>>
    %dma_start3A_28 = arith.constant 0 : i32
    %dma_start3A_29 = arith.constant 0 : i32
    %dma_start3A_30 = tpu.memref_slice %arg2[%dma_start3A_28, %dma_start3A_29] : memref<10112x128xf32, #tpu.memory_space<hbm>> -> memref<10112x128xf32, #tpu.memory_space<hbm>>
    tpu.enqueue_indirect_dma source(%dma_start3A_30 : memref<10112x128xf32, #tpu.memory_space<hbm>>) target(%arg14 : memref<80x128xf32, #tpu.memory_space<vmem>>) offsets(%dma_start3A_27 : memref<80xi32, #tpu.memory_space<vmem>>) semaphore(%arg20 : memref<!tpu.dma_semaphore, #tpu.memory_space<semaphore_mem>>)
    %add3A_31 = arith.constant 2 : i32
    %add3A_32 = arith.addi %mul3A_13, %add3A_31 : i32
    %dma_start3A_33 = arith.constant 0 : i32
    %dma_start3A_34 = arith.constant 0 : i32
    %dma_start3A_35 = tpu.memref_slice %arg3[%add3A_32, %dma_start3A_33, %dma_start3A_34] : memref<4096x2x80xi32, #tpu.memory_space<hbm>> -> memref<1x2x80xi32, #tpu.memory_space<hbm>>
    %dma_start3A_36 = tpu.memref_squeeze %dma_start3A_35 : memref<1x2x80xi32, #tpu.memory_space<hbm>> -> memref<2x80xi32, #tpu.memory_space<hbm>>
    %dma_start3A_37 = arith.constant 0 : i32
    %dma_start3A_38 = arith.constant 0 : i32
    %dma_start3A_39 = tpu.memref_slice %arg3[%add3A_32, %dma_start3A_37, %dma_start3A_38] : memref<4096x2x80xi32, #tpu.memory_space<hbm>> -> memref<1x2x80xi32, #tpu.memory_space<hbm>>
    %dma_start3A_40 = tpu.memref_squeeze %dma_start3A_39 : memref<1x2x80xi32, #tpu.memory_space<hbm>> -> memref<2x80xi32, #tpu.memory_space<hbm>>
    tpu.enqueue_dma source(%dma_start3A_40 : memref<2x80xi32, #tpu.memory_space<hbm>>) target(%arg7 : memref<2x80xi32, #tpu.memory_space<vmem>>) target_semaphore(%arg23 : memref<!tpu.dma_semaphore, #tpu.memory_space<semaphore_mem>>)
    %scan3A_41 = arith.constant 0 : i32
    %scan3A_42 = arith.constant 16 : i32
    %scan3A_43 = arith.addi %scan3A_41, %scan3A_42 : i32
    %scan3A_44 = arith.constant 1 : i32
    scf.for %scan3A_60 = %scan3A_41 to %scan3A_43 step %scan3A_44  : i32 {
      %mul3A_61 = arith.constant 1 : i32
      %mul3A_62 = arith.muli %scan3A_60, %mul3A_61 : i32
      %add3A_63 = arith.constant 0 : i32
      %add3A_64 = arith.addi %add3A_63, %mul3A_62 : i32
      %mul3A_65 = arith.constant 8 : i32
      %mul3A_66 = arith.muli %add3A_64, %mul3A_65 : i32
      %dma_wait3A_67 = arith.constant 0 : i32
      %dma_wait3A_68 = arith.constant 0 : i32
      %dma_wait3A_69 = tpu.memref_slice %arg5[%dma_wait3A_67, %dma_wait3A_68] : memref<2x80xi32, #tpu.memory_space<vmem>> -> memref<1x80xi32, #tpu.memory_space<vmem>>
      %dma_wait3A_70 = tpu.memref_squeeze %dma_wait3A_69 : memref<1x80xi32, #tpu.memory_space<vmem>> -> memref<80xi32, #tpu.memory_space<vmem>>
      %dma_wait3A_71 = arith.constant 0 : i32
      %dma_wait3A_72 = arith.constant 0 : i32
      %dma_wait3A_73 = tpu.memref_slice %arg2[%dma_wait3A_71, %dma_wait3A_72] : memref<10112x128xf32, #tpu.memory_space<hbm>> -> memref<10112x128xf32, #tpu.memory_space<hbm>>
      tpu.wait_indirect_dma semaphore(%arg19 : memref<!tpu.dma_semaphore, #tpu.memory_space<semaphore_mem>>) src(%dma_wait3A_73 : memref<10112x128xf32, #tpu.memory_space<hbm>>) dst(%arg13 : memref<80x128xf32, #tpu.memory_space<vmem>>)
      %gt3A = arith.constant 0 : i32
      %gt3A_74 = arith.cmpi sgt, %add3A_64, %gt3A : i32
      %convert_element_type3A = arith.extui %gt3A_74 : i1 to i32
      %cond3A = arith.constant 0 : i32
      %cond3A_75 = arith.cmpi ne, %convert_element_type3A, %cond3A : i32
      scf.if %cond3A_75 {
        %dma_wait3A_433 = arith.constant 1 : i32
        %dma_wait3A_434 = arith.constant 0 : i32
        %dma_wait3A_435 = tpu.memref_slice %arg11[%dma_wait3A_433, %dma_wait3A_434] : memref<2x80xi32, #tpu.memory_space<vmem>> -> memref<1x80xi32, #tpu.memory_space<vmem>>
        %dma_wait3A_436 = tpu.memref_squeeze %dma_wait3A_435 : memref<1x80xi32, #tpu.memory_space<vmem>> -> memref<80xi32, #tpu.memory_space<vmem>>
        %dma_wait3A_437 = arith.constant 0 : i32
        %dma_wait3A_438 = arith.constant 0 : i32
        %dma_wait3A_439 = tpu.memref_slice %arg18[%dma_wait3A_437, %dma_wait3A_438] : memref<10112x128xf32, #tpu.memory_space<vmem_shared>> -> memref<10112x128xf32, #tpu.memory_space<vmem_shared>>
        tpu.wait_indirect_dma semaphore(%arg21 : memref<!tpu.dma_semaphore, #tpu.memory_space<semaphore_mem>>) src(%arg15 : memref<80x128xf32, #tpu.memory_space<vmem>>) dst(%dma_wait3A_439 : memref<10112x128xf32, #tpu.memory_space<vmem_shared>>)
      } else {
      }
      %dma_start3A_76 = arith.constant 1 : i32
      %dma_start3A_77 = arith.constant 0 : i32
      %dma_start3A_78 = tpu.memref_slice %arg5[%dma_start3A_76, %dma_start3A_77] : memref<2x80xi32, #tpu.memory_space<vmem>> -> memref<1x80xi32, #tpu.memory_space<vmem>>
      %dma_start3A_79 = tpu.memref_squeeze %dma_start3A_78 : memref<1x80xi32, #tpu.memory_space<vmem>> -> memref<80xi32, #tpu.memory_space<vmem>>
      %dma_start3A_80 = arith.constant 0 : i32
      %dma_start3A_81 = arith.constant 0 : i32
      %dma_start3A_82 = tpu.memref_slice %arg18[%dma_start3A_80, %dma_start3A_81] : memref<10112x128xf32, #tpu.memory_space<vmem_shared>> -> memref<10112x128xf32, #tpu.memory_space<vmem_shared>>
      tpu.enqueue_indirect_dma source(%arg13 : memref<80x128xf32, #tpu.memory_space<vmem>>) target(%dma_start3A_82 : memref<10112x128xf32, #tpu.memory_space<vmem_shared>>) offsets(%dma_start3A_79 : memref<80xi32, #tpu.memory_space<vmem>>) semaphore(%arg21 : memref<!tpu.dma_semaphore, #tpu.memory_space<semaphore_mem>>) {add = true}
      %add3A_83 = arith.addi %mul3A_13, %mul3A_66 : i32
      %add3A_84 = arith.constant 0 : i32
      %add3A_85 = arith.addi %add3A_83, %add3A_84 : i32
      %add3A_86 = arith.constant 2 : i32
      %add3A_87 = arith.addi %add3A_85, %add3A_86 : i32
      %dma_wait3A_88 = arith.constant 0 : i32
      %dma_wait3A_89 = arith.constant 0 : i32
      %dma_wait3A_90 = tpu.memref_slice %arg3[%add3A_87, %dma_wait3A_88, %dma_wait3A_89] : memref<4096x2x80xi32, #tpu.memory_space<hbm>> -> memref<1x2x80xi32, #tpu.memory_space<hbm>>
      %dma_wait3A_91 = tpu.memref_squeeze %dma_wait3A_90 : memref<1x2x80xi32, #tpu.memory_space<hbm>> -> memref<2x80xi32, #tpu.memory_space<hbm>>
      %dma_wait3A_92 = arith.constant 0 : i32
      %dma_wait3A_93 = arith.constant 0 : i32
      %dma_wait3A_94 = tpu.memref_slice %arg3[%add3A_87, %dma_wait3A_92, %dma_wait3A_93] : memref<4096x2x80xi32, #tpu.memory_space<hbm>> -> memref<1x2x80xi32, #tpu.memory_space<hbm>>
      %dma_wait3A_95 = tpu.memref_squeeze %dma_wait3A_94 : memref<1x2x80xi32, #tpu.memory_space<hbm>> -> memref<2x80xi32, #tpu.memory_space<hbm>>
      tpu.wait_dma2 semaphore(%arg23 : memref<!tpu.dma_semaphore, #tpu.memory_space<semaphore_mem>>) src(%dma_wait3A_95 : memref<2x80xi32, #tpu.memory_space<hbm>>) dst(%arg7 : memref<2x80xi32, #tpu.memory_space<vmem>>)
      %dma_start3A_96 = arith.constant 0 : i32
      %dma_start3A_97 = arith.constant 0 : i32
      %dma_start3A_98 = tpu.memref_slice %arg7[%dma_start3A_96, %dma_start3A_97] : memref<2x80xi32, #tpu.memory_space<vmem>> -> memref<1x80xi32, #tpu.memory_space<vmem>>
      %dma_start3A_99 = tpu.memref_squeeze %dma_start3A_98 : memref<1x80xi32, #tpu.memory_space<vmem>> -> memref<80xi32, #tpu.memory_space<vmem>>
      %dma_start3A_100 = arith.constant 0 : i32
      %dma_start3A_101 = arith.constant 0 : i32
      %dma_start3A_102 = tpu.memref_slice %arg2[%dma_start3A_100, %dma_start3A_101] : memref<10112x128xf32, #tpu.memory_space<hbm>> -> memref<10112x128xf32, #tpu.memory_space<hbm>>
      tpu.enqueue_indirect_dma source(%dma_start3A_102 : memref<10112x128xf32, #tpu.memory_space<hbm>>) target(%arg15 : memref<80x128xf32, #tpu.memory_space<vmem>>) offsets(%dma_start3A_99 : memref<80xi32, #tpu.memory_space<vmem>>) semaphore(%arg19 : memref<!tpu.dma_semaphore, #tpu.memory_space<semaphore_mem>>)
      %add3A_103 = arith.addi %mul3A_13, %mul3A_66 : i32
      %add3A_104 = arith.constant 0 : i32
      %add3A_105 = arith.addi %add3A_103, %add3A_104 : i32
      %add3A_106 = arith.constant 3 : i32
      %add3A_107 = arith.addi %add3A_105, %add3A_106 : i32
      %dma_start3A_108 = arith.constant 0 : i32
      %dma_start3A_109 = arith.constant 0 : i32
      %dma_start3A_110 = tpu.memref_slice %arg3[%add3A_107, %dma_start3A_108, %dma_start3A_109] : memref<4096x2x80xi32, #tpu.memory_space<hbm>> -> memref<1x2x80xi32, #tpu.memory_space<hbm>>
      %dma_start3A_111 = tpu.memref_squeeze %dma_start3A_110 : memref<1x2x80xi32, #tpu.memory_space<hbm>> -> memref<2x80xi32, #tpu.memory_space<hbm>>
      %dma_start3A_112 = arith.constant 0 : i32
      %dma_start3A_113 = arith.constant 0 : i32
      %dma_start3A_114 = tpu.memref_slice %arg3[%add3A_107, %dma_start3A_112, %dma_start3A_113] : memref<4096x2x80xi32, #tpu.memory_space<hbm>> -> memref<1x2x80xi32, #tpu.memory_space<hbm>>
      %dma_start3A_115 = tpu.memref_squeeze %dma_start3A_114 : memref<1x2x80xi32, #tpu.memory_space<hbm>> -> memref<2x80xi32, #tpu.memory_space<hbm>>
      tpu.enqueue_dma source(%dma_start3A_115 : memref<2x80xi32, #tpu.memory_space<hbm>>) target(%arg8 : memref<2x80xi32, #tpu.memory_space<vmem>>) target_semaphore(%arg23 : memref<!tpu.dma_semaphore, #tpu.memory_space<semaphore_mem>>)
      %dma_wait3A_116 = arith.constant 0 : i32
      %dma_wait3A_117 = arith.constant 0 : i32
      %dma_wait3A_118 = tpu.memref_slice %arg6[%dma_wait3A_116, %dma_wait3A_117] : memref<2x80xi32, #tpu.memory_space<vmem>> -> memref<1x80xi32, #tpu.memory_space<vmem>>
      %dma_wait3A_119 = tpu.memref_squeeze %dma_wait3A_118 : memref<1x80xi32, #tpu.memory_space<vmem>> -> memref<80xi32, #tpu.memory_space<vmem>>
      %dma_wait3A_120 = arith.constant 0 : i32
      %dma_wait3A_121 = arith.constant 0 : i32
      %dma_wait3A_122 = tpu.memref_slice %arg2[%dma_wait3A_120, %dma_wait3A_121] : memref<10112x128xf32, #tpu.memory_space<hbm>> -> memref<10112x128xf32, #tpu.memory_space<hbm>>
      tpu.wait_indirect_dma semaphore(%arg20 : memref<!tpu.dma_semaphore, #tpu.memory_space<semaphore_mem>>) src(%dma_wait3A_122 : memref<10112x128xf32, #tpu.memory_space<hbm>>) dst(%arg14 : memref<80x128xf32, #tpu.memory_space<vmem>>)
      %gt3A_123 = arith.constant 0 : i32
      %gt3A_124 = arith.cmpi sgt, %add3A_64, %gt3A_123 : i32
      %convert_element_type3A_125 = arith.extui %gt3A_124 : i1 to i32
      %cond3A_126 = arith.constant 0 : i32
      %cond3A_127 = arith.cmpi ne, %convert_element_type3A_125, %cond3A_126 : i32
      scf.if %cond3A_127 {
        %dma_wait3A_433 = arith.constant 1 : i32
        %dma_wait3A_434 = arith.constant 0 : i32
        %dma_wait3A_435 = tpu.memref_slice %arg12[%dma_wait3A_433, %dma_wait3A_434] : memref<2x80xi32, #tpu.memory_space<vmem>> -> memref<1x80xi32, #tpu.memory_space<vmem>>
        %dma_wait3A_436 = tpu.memref_squeeze %dma_wait3A_435 : memref<1x80xi32, #tpu.memory_space<vmem>> -> memref<80xi32, #tpu.memory_space<vmem>>
        %dma_wait3A_437 = arith.constant 0 : i32
        %dma_wait3A_438 = arith.constant 0 : i32
        %dma_wait3A_439 = tpu.memref_slice %arg18[%dma_wait3A_437, %dma_wait3A_438] : memref<10112x128xf32, #tpu.memory_space<vmem_shared>> -> memref<10112x128xf32, #tpu.memory_space<vmem_shared>>
        tpu.wait_indirect_dma semaphore(%arg22 : memref<!tpu.dma_semaphore, #tpu.memory_space<semaphore_mem>>) src(%arg16 : memref<80x128xf32, #tpu.memory_space<vmem>>) dst(%dma_wait3A_439 : memref<10112x128xf32, #tpu.memory_space<vmem_shared>>)
      } else {
      }
      %dma_start3A_128 = arith.constant 1 : i32
      %dma_start3A_129 = arith.constant 0 : i32
      %dma_start3A_130 = tpu.memref_slice %arg6[%dma_start3A_128, %dma_start3A_129] : memref<2x80xi32, #tpu.memory_space<vmem>> -> memref<1x80xi32, #tpu.memory_space<vmem>>
      %dma_start3A_131 = tpu.memref_squeeze %dma_start3A_130 : memref<1x80xi32, #tpu.memory_space<vmem>> -> memref<80xi32, #tpu.memory_space<vmem>>
      %dma_start3A_132 = arith.constant 0 : i32
      %dma_start3A_133 = arith.constant 0 : i32
      %dma_start3A_134 = tpu.memref_slice %arg18[%dma_start3A_132, %dma_start3A_133] : memref<10112x128xf32, #tpu.memory_space<vmem_shared>> -> memref<10112x128xf32, #tpu.memory_space<vmem_shared>>
      tpu.enqueue_indirect_dma source(%arg14 : memref<80x128xf32, #tpu.memory_space<vmem>>) target(%dma_start3A_134 : memref<10112x128xf32, #tpu.memory_space<vmem_shared>>) offsets(%dma_start3A_131 : memref<80xi32, #tpu.memory_space<vmem>>) semaphore(%arg22 : memref<!tpu.dma_semaphore, #tpu.memory_space<semaphore_mem>>) {add = true}
      %add3A_135 = arith.addi %mul3A_13, %mul3A_66 : i32
      %add3A_136 = arith.constant 1 : i32
      %add3A_137 = arith.addi %add3A_135, %add3A_136 : i32
      %add3A_138 = arith.constant 2 : i32
      %add3A_139 = arith.addi %add3A_137, %add3A_138 : i32
      %dma_wait3A_140 = arith.constant 0 : i32
      %dma_wait3A_141 = arith.constant 0 : i32
      %dma_wait3A_142 = tpu.memref_slice %arg3[%add3A_139, %dma_wait3A_140, %dma_wait3A_141] : memref<4096x2x80xi32, #tpu.memory_space<hbm>> -> memref<1x2x80xi32, #tpu.memory_space<hbm>>
      %dma_wait3A_143 = tpu.memref_squeeze %dma_wait3A_142 : memref<1x2x80xi32, #tpu.memory_space<hbm>> -> memref<2x80xi32, #tpu.memory_space<hbm>>
      %dma_wait3A_144 = arith.constant 0 : i32
      %dma_wait3A_145 = arith.constant 0 : i32
      %dma_wait3A_146 = tpu.memref_slice %arg3[%add3A_139, %dma_wait3A_144, %dma_wait3A_145] : memref<4096x2x80xi32, #tpu.memory_space<hbm>> -> memref<1x2x80xi32, #tpu.memory_space<hbm>>
      %dma_wait3A_147 = tpu.memref_squeeze %dma_wait3A_146 : memref<1x2x80xi32, #tpu.memory_space<hbm>> -> memref<2x80xi32, #tpu.memory_space<hbm>>
      tpu.wait_dma2 semaphore(%arg23 : memref<!tpu.dma_semaphore, #tpu.memory_space<semaphore_mem>>) src(%dma_wait3A_147 : memref<2x80xi32, #tpu.memory_space<hbm>>) dst(%arg8 : memref<2x80xi32, #tpu.memory_space<vmem>>)
      %dma_start3A_148 = arith.constant 0 : i32
      %dma_start3A_149 = arith.constant 0 : i32
      %dma_start3A_150 = tpu.memref_slice %arg8[%dma_start3A_148, %dma_start3A_149] : memref<2x80xi32, #tpu.memory_space<vmem>> -> memref<1x80xi32, #tpu.memory_space<vmem>>
      %dma_start3A_151 = tpu.memref_squeeze %dma_start3A_150 : memref<1x80xi32, #tpu.memory_space<vmem>> -> memref<80xi32, #tpu.memory_space<vmem>>
      %dma_start3A_152 = arith.constant 0 : i32
      %dma_start3A_153 = arith.constant 0 : i32
      %dma_start3A_154 = tpu.memref_slice %arg2[%dma_start3A_152, %dma_start3A_153] : memref<10112x128xf32, #tpu.memory_space<hbm>> -> memref<10112x128xf32, #tpu.memory_space<hbm>>
      tpu.enqueue_indirect_dma source(%dma_start3A_154 : memref<10112x128xf32, #tpu.memory_space<hbm>>) target(%arg16 : memref<80x128xf32, #tpu.memory_space<vmem>>) offsets(%dma_start3A_151 : memref<80xi32, #tpu.memory_space<vmem>>) semaphore(%arg20 : memref<!tpu.dma_semaphore, #tpu.memory_space<semaphore_mem>>)
      %add3A_155 = arith.addi %mul3A_13, %mul3A_66 : i32
      %add3A_156 = arith.constant 1 : i32
      %add3A_157 = arith.addi %add3A_155, %add3A_156 : i32
      %add3A_158 = arith.constant 3 : i32
      %add3A_159 = arith.addi %add3A_157, %add3A_158 : i32
      %dma_start3A_160 = arith.constant 0 : i32
      %dma_start3A_161 = arith.constant 0 : i32
      %dma_start3A_162 = tpu.memref_slice %arg3[%add3A_159, %dma_start3A_160, %dma_start3A_161] : memref<4096x2x80xi32, #tpu.memory_space<hbm>> -> memref<1x2x80xi32, #tpu.memory_space<hbm>>
      %dma_start3A_163 = tpu.memref_squeeze %dma_start3A_162 : memref<1x2x80xi32, #tpu.memory_space<hbm>> -> memref<2x80xi32, #tpu.memory_space<hbm>>
      %dma_start3A_164 = arith.constant 0 : i32
      %dma_start3A_165 = arith.constant 0 : i32
      %dma_start3A_166 = tpu.memref_slice %arg3[%add3A_159, %dma_start3A_164, %dma_start3A_165] : memref<4096x2x80xi32, #tpu.memory_space<hbm>> -> memref<1x2x80xi32, #tpu.memory_space<hbm>>
      %dma_start3A_167 = tpu.memref_squeeze %dma_start3A_166 : memref<1x2x80xi32, #tpu.memory_space<hbm>> -> memref<2x80xi32, #tpu.memory_space<hbm>>
      tpu.enqueue_dma source(%dma_start3A_167 : memref<2x80xi32, #tpu.memory_space<hbm>>) target(%arg9 : memref<2x80xi32, #tpu.memory_space<vmem>>) target_semaphore(%arg23 : memref<!tpu.dma_semaphore, #tpu.memory_space<semaphore_mem>>)
      %dma_wait3A_168 = arith.constant 0 : i32
      %dma_wait3A_169 = arith.constant 0 : i32
      %dma_wait3A_170 = tpu.memref_slice %arg7[%dma_wait3A_168, %dma_wait3A_169] : memref<2x80xi32, #tpu.memory_space<vmem>> -> memref<1x80xi32, #tpu.memory_space<vmem>>
      %dma_wait3A_171 = tpu.memref_squeeze %dma_wait3A_170 : memref<1x80xi32, #tpu.memory_space<vmem>> -> memref<80xi32, #tpu.memory_space<vmem>>
      %dma_wait3A_172 = arith.constant 0 : i32
      %dma_wait3A_173 = arith.constant 0 : i32
      %dma_wait3A_174 = tpu.memref_slice %arg2[%dma_wait3A_172, %dma_wait3A_173] : memref<10112x128xf32, #tpu.memory_space<hbm>> -> memref<10112x128xf32, #tpu.memory_space<hbm>>
      tpu.wait_indirect_dma semaphore(%arg19 : memref<!tpu.dma_semaphore, #tpu.memory_space<semaphore_mem>>) src(%dma_wait3A_174 : memref<10112x128xf32, #tpu.memory_space<hbm>>) dst(%arg15 : memref<80x128xf32, #tpu.memory_space<vmem>>)
      %dma_wait3A_175 = arith.constant 1 : i32
      %dma_wait3A_176 = arith.constant 0 : i32
      %dma_wait3A_177 = tpu.memref_slice %arg5[%dma_wait3A_175, %dma_wait3A_176] : memref<2x80xi32, #tpu.memory_space<vmem>> -> memref<1x80xi32, #tpu.memory_space<vmem>>
      %dma_wait3A_178 = tpu.memref_squeeze %dma_wait3A_177 : memref<1x80xi32, #tpu.memory_space<vmem>> -> memref<80xi32, #tpu.memory_space<vmem>>
      %dma_wait3A_179 = arith.constant 0 : i32
      %dma_wait3A_180 = arith.constant 0 : i32
      %dma_wait3A_181 = tpu.memref_slice %arg18[%dma_wait3A_179, %dma_wait3A_180] : memref<10112x128xf32, #tpu.memory_space<vmem_shared>> -> memref<10112x128xf32, #tpu.memory_space<vmem_shared>>
      tpu.wait_indirect_dma semaphore(%arg21 : memref<!tpu.dma_semaphore, #tpu.memory_space<semaphore_mem>>) src(%arg13 : memref<80x128xf32, #tpu.memory_space<vmem>>) dst(%dma_wait3A_181 : memref<10112x128xf32, #tpu.memory_space<vmem_shared>>)
      %dma_start3A_182 = arith.constant 1 : i32
      %dma_start3A_183 = arith.constant 0 : i32
      %dma_start3A_184 = tpu.memref_slice %arg7[%dma_start3A_182, %dma_start3A_183] : memref<2x80xi32, #tpu.memory_space<vmem>> -> memref<1x80xi32, #tpu.memory_space<vmem>>
      %dma_start3A_185 = tpu.memref_squeeze %dma_start3A_184 : memref<1x80xi32, #tpu.memory_space<vmem>> -> memref<80xi32, #tpu.memory_space<vmem>>
      %dma_start3A_186 = arith.constant 0 : i32
      %dma_start3A_187 = arith.constant 0 : i32
      %dma_start3A_188 = tpu.memref_slice %arg18[%dma_start3A_186, %dma_start3A_187] : memref<10112x128xf32, #tpu.memory_space<vmem_shared>> -> memref<10112x128xf32, #tpu.memory_space<vmem_shared>>
      tpu.enqueue_indirect_dma source(%arg15 : memref<80x128xf32, #tpu.memory_space<vmem>>) target(%dma_start3A_188 : memref<10112x128xf32, #tpu.memory_space<vmem_shared>>) offsets(%dma_start3A_185 : memref<80xi32, #tpu.memory_space<vmem>>) semaphore(%arg21 : memref<!tpu.dma_semaphore, #tpu.memory_space<semaphore_mem>>) {add = true}
      %add3A_189 = arith.addi %mul3A_13, %mul3A_66 : i32
      %add3A_190 = arith.constant 2 : i32
      %add3A_191 = arith.addi %add3A_189, %add3A_190 : i32
      %add3A_192 = arith.constant 2 : i32
      %add3A_193 = arith.addi %add3A_191, %add3A_192 : i32
      %dma_wait3A_194 = arith.constant 0 : i32
      %dma_wait3A_195 = arith.constant 0 : i32
      %dma_wait3A_196 = tpu.memref_slice %arg3[%add3A_193, %dma_wait3A_194, %dma_wait3A_195] : memref<4096x2x80xi32, #tpu.memory_space<hbm>> -> memref<1x2x80xi32, #tpu.memory_space<hbm>>
      %dma_wait3A_197 = tpu.memref_squeeze %dma_wait3A_196 : memref<1x2x80xi32, #tpu.memory_space<hbm>> -> memref<2x80xi32, #tpu.memory_space<hbm>>
      %dma_wait3A_198 = arith.constant 0 : i32
      %dma_wait3A_199 = arith.constant 0 : i32
      %dma_wait3A_200 = tpu.memref_slice %arg3[%add3A_193, %dma_wait3A_198, %dma_wait3A_199] : memref<4096x2x80xi32, #tpu.memory_space<hbm>> -> memref<1x2x80xi32, #tpu.memory_space<hbm>>
      %dma_wait3A_201 = tpu.memref_squeeze %dma_wait3A_200 : memref<1x2x80xi32, #tpu.memory_space<hbm>> -> memref<2x80xi32, #tpu.memory_space<hbm>>
      tpu.wait_dma2 semaphore(%arg23 : memref<!tpu.dma_semaphore, #tpu.memory_space<semaphore_mem>>) src(%dma_wait3A_201 : memref<2x80xi32, #tpu.memory_space<hbm>>) dst(%arg9 : memref<2x80xi32, #tpu.memory_space<vmem>>)
      %dma_start3A_202 = arith.constant 0 : i32
      %dma_start3A_203 = arith.constant 0 : i32
      %dma_start3A_204 = tpu.memref_slice %arg9[%dma_start3A_202, %dma_start3A_203] : memref<2x80xi32, #tpu.memory_space<vmem>> -> memref<1x80xi32, #tpu.memory_space<vmem>>
      %dma_start3A_205 = tpu.memref_squeeze %dma_start3A_204 : memref<1x80xi32, #tpu.memory_space<vmem>> -> memref<80xi32, #tpu.memory_space<vmem>>
      %dma_start3A_206 = arith.constant 0 : i32
      %dma_start3A_207 = arith.constant 0 : i32
      %dma_start3A_208 = tpu.memref_slice %arg2[%dma_start3A_206, %dma_start3A_207] : memref<10112x128xf32, #tpu.memory_space<hbm>> -> memref<10112x128xf32, #tpu.memory_space<hbm>>
      tpu.enqueue_indirect_dma source(%dma_start3A_208 : memref<10112x128xf32, #tpu.memory_space<hbm>>) target(%arg13 : memref<80x128xf32, #tpu.memory_space<vmem>>) offsets(%dma_start3A_205 : memref<80xi32, #tpu.memory_space<vmem>>) semaphore(%arg19 : memref<!tpu.dma_semaphore, #tpu.memory_space<semaphore_mem>>)
      %add3A_209 = arith.addi %mul3A_13, %mul3A_66 : i32
      %add3A_210 = arith.constant 2 : i32
      %add3A_211 = arith.addi %add3A_209, %add3A_210 : i32
      %add3A_212 = arith.constant 3 : i32
      %add3A_213 = arith.addi %add3A_211, %add3A_212 : i32
      %dma_start3A_214 = arith.constant 0 : i32
      %dma_start3A_215 = arith.constant 0 : i32
      %dma_start3A_216 = tpu.memref_slice %arg3[%add3A_213, %dma_start3A_214, %dma_start3A_215] : memref<4096x2x80xi32, #tpu.memory_space<hbm>> -> memref<1x2x80xi32, #tpu.memory_space<hbm>>
      %dma_start3A_217 = tpu.memref_squeeze %dma_start3A_216 : memref<1x2x80xi32, #tpu.memory_space<hbm>> -> memref<2x80xi32, #tpu.memory_space<hbm>>
      %dma_start3A_218 = arith.constant 0 : i32
      %dma_start3A_219 = arith.constant 0 : i32
      %dma_start3A_220 = tpu.memref_slice %arg3[%add3A_213, %dma_start3A_218, %dma_start3A_219] : memref<4096x2x80xi32, #tpu.memory_space<hbm>> -> memref<1x2x80xi32, #tpu.memory_space<hbm>>
      %dma_start3A_221 = tpu.memref_squeeze %dma_start3A_220 : memref<1x2x80xi32, #tpu.memory_space<hbm>> -> memref<2x80xi32, #tpu.memory_space<hbm>>
      tpu.enqueue_dma source(%dma_start3A_221 : memref<2x80xi32, #tpu.memory_space<hbm>>) target(%arg10 : memref<2x80xi32, #tpu.memory_space<vmem>>) target_semaphore(%arg23 : memref<!tpu.dma_semaphore, #tpu.memory_space<semaphore_mem>>)
      %dma_wait3A_222 = arith.constant 0 : i32
      %dma_wait3A_223 = arith.constant 0 : i32
      %dma_wait3A_224 = tpu.memref_slice %arg8[%dma_wait3A_222, %dma_wait3A_223] : memref<2x80xi32, #tpu.memory_space<vmem>> -> memref<1x80xi32, #tpu.memory_space<vmem>>
      %dma_wait3A_225 = tpu.memref_squeeze %dma_wait3A_224 : memref<1x80xi32, #tpu.memory_space<vmem>> -> memref<80xi32, #tpu.memory_space<vmem>>
      %dma_wait3A_226 = arith.constant 0 : i32
      %dma_wait3A_227 = arith.constant 0 : i32
      %dma_wait3A_228 = tpu.memref_slice %arg2[%dma_wait3A_226, %dma_wait3A_227] : memref<10112x128xf32, #tpu.memory_space<hbm>> -> memref<10112x128xf32, #tpu.memory_space<hbm>>
      tpu.wait_indirect_dma semaphore(%arg20 : memref<!tpu.dma_semaphore, #tpu.memory_space<semaphore_mem>>) src(%dma_wait3A_228 : memref<10112x128xf32, #tpu.memory_space<hbm>>) dst(%arg16 : memref<80x128xf32, #tpu.memory_space<vmem>>)
      %dma_wait3A_229 = arith.constant 1 : i32
      %dma_wait3A_230 = arith.constant 0 : i32
      %dma_wait3A_231 = tpu.memref_slice %arg6[%dma_wait3A_229, %dma_wait3A_230] : memref<2x80xi32, #tpu.memory_space<vmem>> -> memref<1x80xi32, #tpu.memory_space<vmem>>
      %dma_wait3A_232 = tpu.memref_squeeze %dma_wait3A_231 : memref<1x80xi32, #tpu.memory_space<vmem>> -> memref<80xi32, #tpu.memory_space<vmem>>
      %dma_wait3A_233 = arith.constant 0 : i32
      %dma_wait3A_234 = arith.constant 0 : i32
      %dma_wait3A_235 = tpu.memref_slice %arg18[%dma_wait3A_233, %dma_wait3A_234] : memref<10112x128xf32, #tpu.memory_space<vmem_shared>> -> memref<10112x128xf32, #tpu.memory_space<vmem_shared>>
      tpu.wait_indirect_dma semaphore(%arg22 : memref<!tpu.dma_semaphore, #tpu.memory_space<semaphore_mem>>) src(%arg14 : memref<80x128xf32, #tpu.memory_space<vmem>>) dst(%dma_wait3A_235 : memref<10112x128xf32, #tpu.memory_space<vmem_shared>>)
      %dma_start3A_236 = arith.constant 1 : i32
      %dma_start3A_237 = arith.constant 0 : i32
      %dma_start3A_238 = tpu.memref_slice %arg8[%dma_start3A_236, %dma_start3A_237] : memref<2x80xi32, #tpu.memory_space<vmem>> -> memref<1x80xi32, #tpu.memory_space<vmem>>
      %dma_start3A_239 = tpu.memref_squeeze %dma_start3A_238 : memref<1x80xi32, #tpu.memory_space<vmem>> -> memref<80xi32, #tpu.memory_space<vmem>>
      %dma_start3A_240 = arith.constant 0 : i32
      %dma_start3A_241 = arith.constant 0 : i32
      %dma_start3A_242 = tpu.memref_slice %arg18[%dma_start3A_240, %dma_start3A_241] : memref<10112x128xf32, #tpu.memory_space<vmem_shared>> -> memref<10112x128xf32, #tpu.memory_space<vmem_shared>>
      tpu.enqueue_indirect_dma source(%arg16 : memref<80x128xf32, #tpu.memory_space<vmem>>) target(%dma_start3A_242 : memref<10112x128xf32, #tpu.memory_space<vmem_shared>>) offsets(%dma_start3A_239 : memref<80xi32, #tpu.memory_space<vmem>>) semaphore(%arg22 : memref<!tpu.dma_semaphore, #tpu.memory_space<semaphore_mem>>) {add = true}
      %add3A_243 = arith.addi %mul3A_13, %mul3A_66 : i32
      %add3A_244 = arith.constant 3 : i32
      %add3A_245 = arith.addi %add3A_243, %add3A_244 : i32
      %add3A_246 = arith.constant 2 : i32
      %add3A_247 = arith.addi %add3A_245, %add3A_246 : i32
      %dma_wait3A_248 = arith.constant 0 : i32
      %dma_wait3A_249 = arith.constant 0 : i32
      %dma_wait3A_250 = tpu.memref_slice %arg3[%add3A_247, %dma_wait3A_248, %dma_wait3A_249] : memref<4096x2x80xi32, #tpu.memory_space<hbm>> -> memref<1x2x80xi32, #tpu.memory_space<hbm>>
      %dma_wait3A_251 = tpu.memref_squeeze %dma_wait3A_250 : memref<1x2x80xi32, #tpu.memory_space<hbm>> -> memref<2x80xi32, #tpu.memory_space<hbm>>
      %dma_wait3A_252 = arith.constant 0 : i32
      %dma_wait3A_253 = arith.constant 0 : i32
      %dma_wait3A_254 = tpu.memref_slice %arg3[%add3A_247, %dma_wait3A_252, %dma_wait3A_253] : memref<4096x2x80xi32, #tpu.memory_space<hbm>> -> memref<1x2x80xi32, #tpu.memory_space<hbm>>
      %dma_wait3A_255 = tpu.memref_squeeze %dma_wait3A_254 : memref<1x2x80xi32, #tpu.memory_space<hbm>> -> memref<2x80xi32, #tpu.memory_space<hbm>>
      tpu.wait_dma2 semaphore(%arg23 : memref<!tpu.dma_semaphore, #tpu.memory_space<semaphore_mem>>) src(%dma_wait3A_255 : memref<2x80xi32, #tpu.memory_space<hbm>>) dst(%arg10 : memref<2x80xi32, #tpu.memory_space<vmem>>)
      %dma_start3A_256 = arith.constant 0 : i32
      %dma_start3A_257 = arith.constant 0 : i32
      %dma_start3A_258 = tpu.memref_slice %arg10[%dma_start3A_256, %dma_start3A_257] : memref<2x80xi32, #tpu.memory_space<vmem>> -> memref<1x80xi32, #tpu.memory_space<vmem>>
      %dma_start3A_259 = tpu.memref_squeeze %dma_start3A_258 : memref<1x80xi32, #tpu.memory_space<vmem>> -> memref<80xi32, #tpu.memory_space<vmem>>
      %dma_start3A_260 = arith.constant 0 : i32
      %dma_start3A_261 = arith.constant 0 : i32
      %dma_start3A_262 = tpu.memref_slice %arg2[%dma_start3A_260, %dma_start3A_261] : memref<10112x128xf32, #tpu.memory_space<hbm>> -> memref<10112x128xf32, #tpu.memory_space<hbm>>
      tpu.enqueue_indirect_dma source(%dma_start3A_262 : memref<10112x128xf32, #tpu.memory_space<hbm>>) target(%arg14 : memref<80x128xf32, #tpu.memory_space<vmem>>) offsets(%dma_start3A_259 : memref<80xi32, #tpu.memory_space<vmem>>) semaphore(%arg20 : memref<!tpu.dma_semaphore, #tpu.memory_space<semaphore_mem>>)
      %add3A_263 = arith.addi %mul3A_13, %mul3A_66 : i32
      %add3A_264 = arith.constant 3 : i32
      %add3A_265 = arith.addi %add3A_263, %add3A_264 : i32
      %add3A_266 = arith.constant 3 : i32
      %add3A_267 = arith.addi %add3A_265, %add3A_266 : i32
      %dma_start3A_268 = arith.constant 0 : i32
      %dma_start3A_269 = arith.constant 0 : i32
      %dma_start3A_270 = tpu.memref_slice %arg3[%add3A_267, %dma_start3A_268, %dma_start3A_269] : memref<4096x2x80xi32, #tpu.memory_space<hbm>> -> memref<1x2x80xi32, #tpu.memory_space<hbm>>
      %dma_start3A_271 = tpu.memref_squeeze %dma_start3A_270 : memref<1x2x80xi32, #tpu.memory_space<hbm>> -> memref<2x80xi32, #tpu.memory_space<hbm>>
      %dma_start3A_272 = arith.constant 0 : i32
      %dma_start3A_273 = arith.constant 0 : i32
      %dma_start3A_274 = tpu.memref_slice %arg3[%add3A_267, %dma_start3A_272, %dma_start3A_273] : memref<4096x2x80xi32, #tpu.memory_space<hbm>> -> memref<1x2x80xi32, #tpu.memory_space<hbm>>
      %dma_start3A_275 = tpu.memref_squeeze %dma_start3A_274 : memref<1x2x80xi32, #tpu.memory_space<hbm>> -> memref<2x80xi32, #tpu.memory_space<hbm>>
      tpu.enqueue_dma source(%dma_start3A_275 : memref<2x80xi32, #tpu.memory_space<hbm>>) target(%arg11 : memref<2x80xi32, #tpu.memory_space<vmem>>) target_semaphore(%arg23 : memref<!tpu.dma_semaphore, #tpu.memory_space<semaphore_mem>>)
      %dma_wait3A_276 = arith.constant 0 : i32
      %dma_wait3A_277 = arith.constant 0 : i32
      %dma_wait3A_278 = tpu.memref_slice %arg9[%dma_wait3A_276, %dma_wait3A_277] : memref<2x80xi32, #tpu.memory_space<vmem>> -> memref<1x80xi32, #tpu.memory_space<vmem>>
      %dma_wait3A_279 = tpu.memref_squeeze %dma_wait3A_278 : memref<1x80xi32, #tpu.memory_space<vmem>> -> memref<80xi32, #tpu.memory_space<vmem>>
      %dma_wait3A_280 = arith.constant 0 : i32
      %dma_wait3A_281 = arith.constant 0 : i32
      %dma_wait3A_282 = tpu.memref_slice %arg2[%dma_wait3A_280, %dma_wait3A_281] : memref<10112x128xf32, #tpu.memory_space<hbm>> -> memref<10112x128xf32, #tpu.memory_space<hbm>>
      tpu.wait_indirect_dma semaphore(%arg19 : memref<!tpu.dma_semaphore, #tpu.memory_space<semaphore_mem>>) src(%dma_wait3A_282 : memref<10112x128xf32, #tpu.memory_space<hbm>>) dst(%arg13 : memref<80x128xf32, #tpu.memory_space<vmem>>)
      %dma_wait3A_283 = arith.constant 1 : i32
      %dma_wait3A_284 = arith.constant 0 : i32
      %dma_wait3A_285 = tpu.memref_slice %arg7[%dma_wait3A_283, %dma_wait3A_284] : memref<2x80xi32, #tpu.memory_space<vmem>> -> memref<1x80xi32, #tpu.memory_space<vmem>>
      %dma_wait3A_286 = tpu.memref_squeeze %dma_wait3A_285 : memref<1x80xi32, #tpu.memory_space<vmem>> -> memref<80xi32, #tpu.memory_space<vmem>>
      %dma_wait3A_287 = arith.constant 0 : i32
      %dma_wait3A_288 = arith.constant 0 : i32
      %dma_wait3A_289 = tpu.memref_slice %arg18[%dma_wait3A_287, %dma_wait3A_288] : memref<10112x128xf32, #tpu.memory_space<vmem_shared>> -> memref<10112x128xf32, #tpu.memory_space<vmem_shared>>
      tpu.wait_indirect_dma semaphore(%arg21 : memref<!tpu.dma_semaphore, #tpu.memory_space<semaphore_mem>>) src(%arg15 : memref<80x128xf32, #tpu.memory_space<vmem>>) dst(%dma_wait3A_289 : memref<10112x128xf32, #tpu.memory_space<vmem_shared>>)
      %dma_start3A_290 = arith.constant 1 : i32
      %dma_start3A_291 = arith.constant 0 : i32
      %dma_start3A_292 = tpu.memref_slice %arg9[%dma_start3A_290, %dma_start3A_291] : memref<2x80xi32, #tpu.memory_space<vmem>> -> memref<1x80xi32, #tpu.memory_space<vmem>>
      %dma_start3A_293 = tpu.memref_squeeze %dma_start3A_292 : memref<1x80xi32, #tpu.memory_space<vmem>> -> memref<80xi32, #tpu.memory_space<vmem>>
      %dma_start3A_294 = arith.constant 0 : i32
      %dma_start3A_295 = arith.constant 0 : i32
      %dma_start3A_296 = tpu.memref_slice %arg18[%dma_start3A_294, %dma_start3A_295] : memref<10112x128xf32, #tpu.memory_space<vmem_shared>> -> memref<10112x128xf32, #tpu.memory_space<vmem_shared>>
      tpu.enqueue_indirect_dma source(%arg13 : memref<80x128xf32, #tpu.memory_space<vmem>>) target(%dma_start3A_296 : memref<10112x128xf32, #tpu.memory_space<vmem_shared>>) offsets(%dma_start3A_293 : memref<80xi32, #tpu.memory_space<vmem>>) semaphore(%arg21 : memref<!tpu.dma_semaphore, #tpu.memory_space<semaphore_mem>>) {add = true}
      %add3A_297 = arith.addi %mul3A_13, %mul3A_66 : i32
      %add3A_298 = arith.constant 4 : i32
      %add3A_299 = arith.addi %add3A_297, %add3A_298 : i32
      %add3A_300 = arith.constant 2 : i32
      %add3A_301 = arith.addi %add3A_299, %add3A_300 : i32
      %dma_wait3A_302 = arith.constant 0 : i32
      %dma_wait3A_303 = arith.constant 0 : i32
      %dma_wait3A_304 = tpu.memref_slice %arg3[%add3A_301, %dma_wait3A_302, %dma_wait3A_303] : memref<4096x2x80xi32, #tpu.memory_space<hbm>> -> memref<1x2x80xi32, #tpu.memory_space<hbm>>
      %dma_wait3A_305 = tpu.memref_squeeze %dma_wait3A_304 : memref<1x2x80xi32, #tpu.memory_space<hbm>> -> memref<2x80xi32, #tpu.memory_space<hbm>>
      %dma_wait3A_306 = arith.constant 0 : i32
      %dma_wait3A_307 = arith.constant 0 : i32
      %dma_wait3A_308 = tpu.memref_slice %arg3[%add3A_301, %dma_wait3A_306, %dma_wait3A_307] : memref<4096x2x80xi32, #tpu.memory_space<hbm>> -> memref<1x2x80xi32, #tpu.memory_space<hbm>>
      %dma_wait3A_309 = tpu.memref_squeeze %dma_wait3A_308 : memref<1x2x80xi32, #tpu.memory_space<hbm>> -> memref<2x80xi32, #tpu.memory_space<hbm>>
      tpu.wait_dma2 semaphore(%arg23 : memref<!tpu.dma_semaphore, #tpu.memory_space<semaphore_mem>>) src(%dma_wait3A_309 : memref<2x80xi32, #tpu.memory_space<hbm>>) dst(%arg11 : memref<2x80xi32, #tpu.memory_space<vmem>>)
      %dma_start3A_310 = arith.constant 0 : i32
      %dma_start3A_311 = arith.constant 0 : i32
      %dma_start3A_312 = tpu.memref_slice %arg11[%dma_start3A_310, %dma_start3A_311] : memref<2x80xi32, #tpu.memory_space<vmem>> -> memref<1x80xi32, #tpu.memory_space<vmem>>
      %dma_start3A_313 = tpu.memref_squeeze %dma_start3A_312 : memref<1x80xi32, #tpu.memory_space<vmem>> -> memref<80xi32, #tpu.memory_space<vmem>>
      %dma_start3A_314 = arith.constant 0 : i32
      %dma_start3A_315 = arith.constant 0 : i32
      %dma_start3A_316 = tpu.memref_slice %arg2[%dma_start3A_314, %dma_start3A_315] : memref<10112x128xf32, #tpu.memory_space<hbm>> -> memref<10112x128xf32, #tpu.memory_space<hbm>>
      tpu.enqueue_indirect_dma source(%dma_start3A_316 : memref<10112x128xf32, #tpu.memory_space<hbm>>) target(%arg15 : memref<80x128xf32, #tpu.memory_space<vmem>>) offsets(%dma_start3A_313 : memref<80xi32, #tpu.memory_space<vmem>>) semaphore(%arg19 : memref<!tpu.dma_semaphore, #tpu.memory_space<semaphore_mem>>)
      %add3A_317 = arith.addi %mul3A_13, %mul3A_66 : i32
      %add3A_318 = arith.constant 4 : i32
      %add3A_319 = arith.addi %add3A_317, %add3A_318 : i32
      %add3A_320 = arith.constant 3 : i32
      %add3A_321 = arith.addi %add3A_319, %add3A_320 : i32
      %dma_start3A_322 = arith.constant 0 : i32
      %dma_start3A_323 = arith.constant 0 : i32
      %dma_start3A_324 = tpu.memref_slice %arg3[%add3A_321, %dma_start3A_322, %dma_start3A_323] : memref<4096x2x80xi32, #tpu.memory_space<hbm>> -> memref<1x2x80xi32, #tpu.memory_space<hbm>>
      %dma_start3A_325 = tpu.memref_squeeze %dma_start3A_324 : memref<1x2x80xi32, #tpu.memory_space<hbm>> -> memref<2x80xi32, #tpu.memory_space<hbm>>
      %dma_start3A_326 = arith.constant 0 : i32
      %dma_start3A_327 = arith.constant 0 : i32
      %dma_start3A_328 = tpu.memref_slice %arg3[%add3A_321, %dma_start3A_326, %dma_start3A_327] : memref<4096x2x80xi32, #tpu.memory_space<hbm>> -> memref<1x2x80xi32, #tpu.memory_space<hbm>>
      %dma_start3A_329 = tpu.memref_squeeze %dma_start3A_328 : memref<1x2x80xi32, #tpu.memory_space<hbm>> -> memref<2x80xi32, #tpu.memory_space<hbm>>
      tpu.enqueue_dma source(%dma_start3A_329 : memref<2x80xi32, #tpu.memory_space<hbm>>) target(%arg12 : memref<2x80xi32, #tpu.memory_space<vmem>>) target_semaphore(%arg23 : memref<!tpu.dma_semaphore, #tpu.memory_space<semaphore_mem>>)
      %dma_wait3A_330 = arith.constant 0 : i32
      %dma_wait3A_331 = arith.constant 0 : i32
      %dma_wait3A_332 = tpu.memref_slice %arg10[%dma_wait3A_330, %dma_wait3A_331] : memref<2x80xi32, #tpu.memory_space<vmem>> -> memref<1x80xi32, #tpu.memory_space<vmem>>
      %dma_wait3A_333 = tpu.memref_squeeze %dma_wait3A_332 : memref<1x80xi32, #tpu.memory_space<vmem>> -> memref<80xi32, #tpu.memory_space<vmem>>
      %dma_wait3A_334 = arith.constant 0 : i32
      %dma_wait3A_335 = arith.constant 0 : i32
      %dma_wait3A_336 = tpu.memref_slice %arg2[%dma_wait3A_334, %dma_wait3A_335] : memref<10112x128xf32, #tpu.memory_space<hbm>> -> memref<10112x128xf32, #tpu.memory_space<hbm>>
      tpu.wait_indirect_dma semaphore(%arg20 : memref<!tpu.dma_semaphore, #tpu.memory_space<semaphore_mem>>) src(%dma_wait3A_336 : memref<10112x128xf32, #tpu.memory_space<hbm>>) dst(%arg14 : memref<80x128xf32, #tpu.memory_space<vmem>>)
      %dma_wait3A_337 = arith.constant 1 : i32
      %dma_wait3A_338 = arith.constant 0 : i32
      %dma_wait3A_339 = tpu.memref_slice %arg8[%dma_wait3A_337, %dma_wait3A_338] : memref<2x80xi32, #tpu.memory_space<vmem>> -> memref<1x80xi32, #tpu.memory_space<vmem>>
      %dma_wait3A_340 = tpu.memref_squeeze %dma_wait3A_339 : memref<1x80xi32, #tpu.memory_space<vmem>> -> memref<80xi32, #tpu.memory_space<vmem>>
      %dma_wait3A_341 = arith.constant 0 : i32
      %dma_wait3A_342 = arith.constant 0 : i32
      %dma_wait3A_343 = tpu.memref_slice %arg18[%dma_wait3A_341, %dma_wait3A_342] : memref<10112x128xf32, #tpu.memory_space<vmem_shared>> -> memref<10112x128xf32, #tpu.memory_space<vmem_shared>>
      tpu.wait_indirect_dma semaphore(%arg22 : memref<!tpu.dma_semaphore, #tpu.memory_space<semaphore_mem>>) src(%arg16 : memref<80x128xf32, #tpu.memory_space<vmem>>) dst(%dma_wait3A_343 : memref<10112x128xf32, #tpu.memory_space<vmem_shared>>)
      %dma_start3A_344 = arith.constant 1 : i32
      %dma_start3A_345 = arith.constant 0 : i32
      %dma_start3A_346 = tpu.memref_slice %arg10[%dma_start3A_344, %dma_start3A_345] : memref<2x80xi32, #tpu.memory_space<vmem>> -> memref<1x80xi32, #tpu.memory_space<vmem>>
      %dma_start3A_347 = tpu.memref_squeeze %dma_start3A_346 : memref<1x80xi32, #tpu.memory_space<vmem>> -> memref<80xi32, #tpu.memory_space<vmem>>
      %dma_start3A_348 = arith.constant 0 : i32
      %dma_start3A_349 = arith.constant 0 : i32
      %dma_start3A_350 = tpu.memref_slice %arg18[%dma_start3A_348, %dma_start3A_349] : memref<10112x128xf32, #tpu.memory_space<vmem_shared>> -> memref<10112x128xf32, #tpu.memory_space<vmem_shared>>
      tpu.enqueue_indirect_dma source(%arg14 : memref<80x128xf32, #tpu.memory_space<vmem>>) target(%dma_start3A_350 : memref<10112x128xf32, #tpu.memory_space<vmem_shared>>) offsets(%dma_start3A_347 : memref<80xi32, #tpu.memory_space<vmem>>) semaphore(%arg22 : memref<!tpu.dma_semaphore, #tpu.memory_space<semaphore_mem>>) {add = true}
      %add3A_351 = arith.constant 1 : i32
      %add3A_352 = arith.addi %add3A_64, %add3A_351 : i32
      %lt3A = arith.constant 16 : i32
      %lt3A_353 = arith.cmpi slt, %add3A_352, %lt3A : i32
      %convert_element_type3A_354 = arith.extui %lt3A_353 : i1 to i32
      %cond3A_355 = arith.constant 0 : i32
      %cond3A_356 = arith.cmpi ne, %convert_element_type3A_354, %cond3A_355 : i32
      scf.if %cond3A_356 {
        %add3A_433 = arith.addi %mul3A_13, %mul3A_66 : i32
        %add3A_434 = arith.constant 5 : i32
        %add3A_435 = arith.addi %add3A_433, %add3A_434 : i32
        %add3A_436 = arith.constant 3 : i32
        %add3A_437 = arith.addi %add3A_435, %add3A_436 : i32
        %dma_start3A_438 = arith.constant 0 : i32
        %dma_start3A_439 = arith.constant 0 : i32
        %dma_start3A_440 = tpu.memref_slice %arg3[%add3A_437, %dma_start3A_438, %dma_start3A_439] : memref<4096x2x80xi32, #tpu.memory_space<hbm>> -> memref<1x2x80xi32, #tpu.memory_space<hbm>>
        %dma_start3A_441 = tpu.memref_squeeze %dma_start3A_440 : memref<1x2x80xi32, #tpu.memory_space<hbm>> -> memref<2x80xi32, #tpu.memory_space<hbm>>
        %dma_start3A_442 = arith.constant 0 : i32
        %dma_start3A_443 = arith.constant 0 : i32
        %dma_start3A_444 = tpu.memref_slice %arg3[%add3A_437, %dma_start3A_442, %dma_start3A_443] : memref<4096x2x80xi32, #tpu.memory_space<hbm>> -> memref<1x2x80xi32, #tpu.memory_space<hbm>>
        %dma_start3A_445 = tpu.memref_squeeze %dma_start3A_444 : memref<1x2x80xi32, #tpu.memory_space<hbm>> -> memref<2x80xi32, #tpu.memory_space<hbm>>
        tpu.enqueue_dma source(%dma_start3A_445 : memref<2x80xi32, #tpu.memory_space<hbm>>) target(%arg5 : memref<2x80xi32, #tpu.memory_space<vmem>>) target_semaphore(%arg23 : memref<!tpu.dma_semaphore, #tpu.memory_space<semaphore_mem>>)
      } else {
      }
      %add3A_357 = arith.addi %mul3A_13, %mul3A_66 : i32
      %add3A_358 = arith.constant 5 : i32
      %add3A_359 = arith.addi %add3A_357, %add3A_358 : i32
      %add3A_360 = arith.constant 2 : i32
      %add3A_361 = arith.addi %add3A_359, %add3A_360 : i32
      %dma_wait3A_362 = arith.constant 0 : i32
      %dma_wait3A_363 = arith.constant 0 : i32
      %dma_wait3A_364 = tpu.memref_slice %arg3[%add3A_361, %dma_wait3A_362, %dma_wait3A_363] : memref<4096x2x80xi32, #tpu.memory_space<hbm>> -> memref<1x2x80xi32, #tpu.memory_space<hbm>>
      %dma_wait3A_365 = tpu.memref_squeeze %dma_wait3A_364 : memref<1x2x80xi32, #tpu.memory_space<hbm>> -> memref<2x80xi32, #tpu.memory_space<hbm>>
      %dma_wait3A_366 = arith.constant 0 : i32
      %dma_wait3A_367 = arith.constant 0 : i32
      %dma_wait3A_368 = tpu.memref_slice %arg3[%add3A_361, %dma_wait3A_366, %dma_wait3A_367] : memref<4096x2x80xi32, #tpu.memory_space<hbm>> -> memref<1x2x80xi32, #tpu.memory_space<hbm>>
      %dma_wait3A_369 = tpu.memref_squeeze %dma_wait3A_368 : memref<1x2x80xi32, #tpu.memory_space<hbm>> -> memref<2x80xi32, #tpu.memory_space<hbm>>
      tpu.wait_dma2 semaphore(%arg23 : memref<!tpu.dma_semaphore, #tpu.memory_space<semaphore_mem>>) src(%dma_wait3A_369 : memref<2x80xi32, #tpu.memory_space<hbm>>) dst(%arg12 : memref<2x80xi32, #tpu.memory_space<vmem>>)
      %dma_start3A_370 = arith.constant 0 : i32
      %dma_start3A_371 = arith.constant 0 : i32
      %dma_start3A_372 = tpu.memref_slice %arg12[%dma_start3A_370, %dma_start3A_371] : memref<2x80xi32, #tpu.memory_space<vmem>> -> memref<1x80xi32, #tpu.memory_space<vmem>>
      %dma_start3A_373 = tpu.memref_squeeze %dma_start3A_372 : memref<1x80xi32, #tpu.memory_space<vmem>> -> memref<80xi32, #tpu.memory_space<vmem>>
      %dma_start3A_374 = arith.constant 0 : i32
      %dma_start3A_375 = arith.constant 0 : i32
      %dma_start3A_376 = tpu.memref_slice %arg2[%dma_start3A_374, %dma_start3A_375] : memref<10112x128xf32, #tpu.memory_space<hbm>> -> memref<10112x128xf32, #tpu.memory_space<hbm>>
      tpu.enqueue_indirect_dma source(%dma_start3A_376 : memref<10112x128xf32, #tpu.memory_space<hbm>>) target(%arg16 : memref<80x128xf32, #tpu.memory_space<vmem>>) offsets(%dma_start3A_373 : memref<80xi32, #tpu.memory_space<vmem>>) semaphore(%arg20 : memref<!tpu.dma_semaphore, #tpu.memory_space<semaphore_mem>>)
      %dma_wait3A_377 = arith.constant 0 : i32
      %dma_wait3A_378 = arith.constant 0 : i32
      %dma_wait3A_379 = tpu.memref_slice %arg11[%dma_wait3A_377, %dma_wait3A_378] : memref<2x80xi32, #tpu.memory_space<vmem>> -> memref<1x80xi32, #tpu.memory_space<vmem>>
      %dma_wait3A_380 = tpu.memref_squeeze %dma_wait3A_379 : memref<1x80xi32, #tpu.memory_space<vmem>> -> memref<80xi32, #tpu.memory_space<vmem>>
      %dma_wait3A_381 = arith.constant 0 : i32
      %dma_wait3A_382 = arith.constant 0 : i32
      %dma_wait3A_383 = tpu.memref_slice %arg2[%dma_wait3A_381, %dma_wait3A_382] : memref<10112x128xf32, #tpu.memory_space<hbm>> -> memref<10112x128xf32, #tpu.memory_space<hbm>>
      tpu.wait_indirect_dma semaphore(%arg19 : memref<!tpu.dma_semaphore, #tpu.memory_space<semaphore_mem>>) src(%dma_wait3A_383 : memref<10112x128xf32, #tpu.memory_space<hbm>>) dst(%arg15 : memref<80x128xf32, #tpu.memory_space<vmem>>)
      %dma_wait3A_384 = arith.constant 1 : i32
      %dma_wait3A_385 = arith.constant 0 : i32
      %dma_wait3A_386 = tpu.memref_slice %arg9[%dma_wait3A_384, %dma_wait3A_385] : memref<2x80xi32, #tpu.memory_space<vmem>> -> memref<1x80xi32, #tpu.memory_space<vmem>>
      %dma_wait3A_387 = tpu.memref_squeeze %dma_wait3A_386 : memref<1x80xi32, #tpu.memory_space<vmem>> -> memref<80xi32, #tpu.memory_space<vmem>>
      %dma_wait3A_388 = arith.constant 0 : i32
      %dma_wait3A_389 = arith.constant 0 : i32
      %dma_wait3A_390 = tpu.memref_slice %arg18[%dma_wait3A_388, %dma_wait3A_389] : memref<10112x128xf32, #tpu.memory_space<vmem_shared>> -> memref<10112x128xf32, #tpu.memory_space<vmem_shared>>
      tpu.wait_indirect_dma semaphore(%arg21 : memref<!tpu.dma_semaphore, #tpu.memory_space<semaphore_mem>>) src(%arg13 : memref<80x128xf32, #tpu.memory_space<vmem>>) dst(%dma_wait3A_390 : memref<10112x128xf32, #tpu.memory_space<vmem_shared>>)
      %dma_start3A_391 = arith.constant 1 : i32
      %dma_start3A_392 = arith.constant 0 : i32
      %dma_start3A_393 = tpu.memref_slice %arg11[%dma_start3A_391, %dma_start3A_392] : memref<2x80xi32, #tpu.memory_space<vmem>> -> memref<1x80xi32, #tpu.memory_space<vmem>>
      %dma_start3A_394 = tpu.memref_squeeze %dma_start3A_393 : memref<1x80xi32, #tpu.memory_space<vmem>> -> memref<80xi32, #tpu.memory_space<vmem>>
      %dma_start3A_395 = arith.constant 0 : i32
      %dma_start3A_396 = arith.constant 0 : i32
      %dma_start3A_397 = tpu.memref_slice %arg18[%dma_start3A_395, %dma_start3A_396] : memref<10112x128xf32, #tpu.memory_space<vmem_shared>> -> memref<10112x128xf32, #tpu.memory_space<vmem_shared>>
      tpu.enqueue_indirect_dma source(%arg15 : memref<80x128xf32, #tpu.memory_space<vmem>>) target(%dma_start3A_397 : memref<10112x128xf32, #tpu.memory_space<vmem_shared>>) offsets(%dma_start3A_394 : memref<80xi32, #tpu.memory_space<vmem>>) semaphore(%arg21 : memref<!tpu.dma_semaphore, #tpu.memory_space<semaphore_mem>>) {add = true}
      %add3A_398 = arith.constant 1 : i32
      %add3A_399 = arith.addi %add3A_64, %add3A_398 : i32
      %lt3A_400 = arith.constant 16 : i32
      %lt3A_401 = arith.cmpi slt, %add3A_399, %lt3A_400 : i32
      %convert_element_type3A_402 = arith.extui %lt3A_401 : i1 to i32
      %cond3A_403 = arith.constant 0 : i32
      %cond3A_404 = arith.cmpi ne, %convert_element_type3A_402, %cond3A_403 : i32
      scf.if %cond3A_404 {
        %add3A_433 = arith.addi %mul3A_13, %mul3A_66 : i32
        %add3A_434 = arith.constant 6 : i32
        %add3A_435 = arith.addi %add3A_433, %add3A_434 : i32
        %add3A_436 = arith.constant 2 : i32
        %add3A_437 = arith.addi %add3A_435, %add3A_436 : i32
        %dma_wait3A_438 = arith.constant 0 : i32
        %dma_wait3A_439 = arith.constant 0 : i32
        %dma_wait3A_440 = tpu.memref_slice %arg3[%add3A_437, %dma_wait3A_438, %dma_wait3A_439] : memref<4096x2x80xi32, #tpu.memory_space<hbm>> -> memref<1x2x80xi32, #tpu.memory_space<hbm>>
        %dma_wait3A_441 = tpu.memref_squeeze %dma_wait3A_440 : memref<1x2x80xi32, #tpu.memory_space<hbm>> -> memref<2x80xi32, #tpu.memory_space<hbm>>
        %dma_wait3A_442 = arith.constant 0 : i32
        %dma_wait3A_443 = arith.constant 0 : i32
        %dma_wait3A_444 = tpu.memref_slice %arg3[%add3A_437, %dma_wait3A_442, %dma_wait3A_443] : memref<4096x2x80xi32, #tpu.memory_space<hbm>> -> memref<1x2x80xi32, #tpu.memory_space<hbm>>
        %dma_wait3A_445 = tpu.memref_squeeze %dma_wait3A_444 : memref<1x2x80xi32, #tpu.memory_space<hbm>> -> memref<2x80xi32, #tpu.memory_space<hbm>>
        tpu.wait_dma2 semaphore(%arg23 : memref<!tpu.dma_semaphore, #tpu.memory_space<semaphore_mem>>) src(%dma_wait3A_445 : memref<2x80xi32, #tpu.memory_space<hbm>>) dst(%arg5 : memref<2x80xi32, #tpu.memory_space<vmem>>)
        %dma_start3A_446 = arith.constant 0 : i32
        %dma_start3A_447 = arith.constant 0 : i32
        %dma_start3A_448 = tpu.memref_slice %arg5[%dma_start3A_446, %dma_start3A_447] : memref<2x80xi32, #tpu.memory_space<vmem>> -> memref<1x80xi32, #tpu.memory_space<vmem>>
        %dma_start3A_449 = tpu.memref_squeeze %dma_start3A_448 : memref<1x80xi32, #tpu.memory_space<vmem>> -> memref<80xi32, #tpu.memory_space<vmem>>
        %dma_start3A_450 = arith.constant 0 : i32
        %dma_start3A_451 = arith.constant 0 : i32
        %dma_start3A_452 = tpu.memref_slice %arg2[%dma_start3A_450, %dma_start3A_451] : memref<10112x128xf32, #tpu.memory_space<hbm>> -> memref<10112x128xf32, #tpu.memory_space<hbm>>
        tpu.enqueue_indirect_dma source(%dma_start3A_452 : memref<10112x128xf32, #tpu.memory_space<hbm>>) target(%arg13 : memref<80x128xf32, #tpu.memory_space<vmem>>) offsets(%dma_start3A_449 : memref<80xi32, #tpu.memory_space<vmem>>) semaphore(%arg19 : memref<!tpu.dma_semaphore, #tpu.memory_space<semaphore_mem>>)
        %add3A_453 = arith.addi %mul3A_13, %mul3A_66 : i32
        %add3A_454 = arith.constant 6 : i32
        %add3A_455 = arith.addi %add3A_453, %add3A_454 : i32
        %add3A_456 = arith.constant 3 : i32
        %add3A_457 = arith.addi %add3A_455, %add3A_456 : i32
        %dma_start3A_458 = arith.constant 0 : i32
        %dma_start3A_459 = arith.constant 0 : i32
        %dma_start3A_460 = tpu.memref_slice %arg3[%add3A_457, %dma_start3A_458, %dma_start3A_459] : memref<4096x2x80xi32, #tpu.memory_space<hbm>> -> memref<1x2x80xi32, #tpu.memory_space<hbm>>
        %dma_start3A_461 = tpu.memref_squeeze %dma_start3A_460 : memref<1x2x80xi32, #tpu.memory_space<hbm>> -> memref<2x80xi32, #tpu.memory_space<hbm>>
        %dma_start3A_462 = arith.constant 0 : i32
        %dma_start3A_463 = arith.constant 0 : i32
        %dma_start3A_464 = tpu.memref_slice %arg3[%add3A_457, %dma_start3A_462, %dma_start3A_463] : memref<4096x2x80xi32, #tpu.memory_space<hbm>> -> memref<1x2x80xi32, #tpu.memory_space<hbm>>
        %dma_start3A_465 = tpu.memref_squeeze %dma_start3A_464 : memref<1x2x80xi32, #tpu.memory_space<hbm>> -> memref<2x80xi32, #tpu.memory_space<hbm>>
        tpu.enqueue_dma source(%dma_start3A_465 : memref<2x80xi32, #tpu.memory_space<hbm>>) target(%arg6 : memref<2x80xi32, #tpu.memory_space<vmem>>) target_semaphore(%arg23 : memref<!tpu.dma_semaphore, #tpu.memory_space<semaphore_mem>>)
      } else {
      }
      %dma_wait3A_405 = arith.constant 0 : i32
      %dma_wait3A_406 = arith.constant 0 : i32
      %dma_wait3A_407 = tpu.memref_slice %arg12[%dma_wait3A_405, %dma_wait3A_406] : memref<2x80xi32, #tpu.memory_space<vmem>> -> memref<1x80xi32, #tpu.memory_space<vmem>>
      %dma_wait3A_408 = tpu.memref_squeeze %dma_wait3A_407 : memref<1x80xi32, #tpu.memory_space<vmem>> -> memref<80xi32, #tpu.memory_space<vmem>>
      %dma_wait3A_409 = arith.constant 0 : i32
      %dma_wait3A_410 = arith.constant 0 : i32
      %dma_wait3A_411 = tpu.memref_slice %arg2[%dma_wait3A_409, %dma_wait3A_410] : memref<10112x128xf32, #tpu.memory_space<hbm>> -> memref<10112x128xf32, #tpu.memory_space<hbm>>
      tpu.wait_indirect_dma semaphore(%arg20 : memref<!tpu.dma_semaphore, #tpu.memory_space<semaphore_mem>>) src(%dma_wait3A_411 : memref<10112x128xf32, #tpu.memory_space<hbm>>) dst(%arg16 : memref<80x128xf32, #tpu.memory_space<vmem>>)
      %dma_wait3A_412 = arith.constant 1 : i32
      %dma_wait3A_413 = arith.constant 0 : i32
      %dma_wait3A_414 = tpu.memref_slice %arg10[%dma_wait3A_412, %dma_wait3A_413] : memref<2x80xi32, #tpu.memory_space<vmem>> -> memref<1x80xi32, #tpu.memory_space<vmem>>
      %dma_wait3A_415 = tpu.memref_squeeze %dma_wait3A_414 : memref<1x80xi32, #tpu.memory_space<vmem>> -> memref<80xi32, #tpu.memory_space<vmem>>
      %dma_wait3A_416 = arith.constant 0 : i32
      %dma_wait3A_417 = arith.constant 0 : i32
      %dma_wait3A_418 = tpu.memref_slice %arg18[%dma_wait3A_416, %dma_wait3A_417] : memref<10112x128xf32, #tpu.memory_space<vmem_shared>> -> memref<10112x128xf32, #tpu.memory_space<vmem_shared>>
      tpu.wait_indirect_dma semaphore(%arg22 : memref<!tpu.dma_semaphore, #tpu.memory_space<semaphore_mem>>) src(%arg14 : memref<80x128xf32, #tpu.memory_space<vmem>>) dst(%dma_wait3A_418 : memref<10112x128xf32, #tpu.memory_space<vmem_shared>>)
      %dma_start3A_419 = arith.constant 1 : i32
      %dma_start3A_420 = arith.constant 0 : i32
      %dma_start3A_421 = tpu.memref_slice %arg12[%dma_start3A_419, %dma_start3A_420] : memref<2x80xi32, #tpu.memory_space<vmem>> -> memref<1x80xi32, #tpu.memory_space<vmem>>
      %dma_start3A_422 = tpu.memref_squeeze %dma_start3A_421 : memref<1x80xi32, #tpu.memory_space<vmem>> -> memref<80xi32, #tpu.memory_space<vmem>>
      %dma_start3A_423 = arith.constant 0 : i32
      %dma_start3A_424 = arith.constant 0 : i32
      %dma_start3A_425 = tpu.memref_slice %arg18[%dma_start3A_423, %dma_start3A_424] : memref<10112x128xf32, #tpu.memory_space<vmem_shared>> -> memref<10112x128xf32, #tpu.memory_space<vmem_shared>>
      tpu.enqueue_indirect_dma source(%arg16 : memref<80x128xf32, #tpu.memory_space<vmem>>) target(%dma_start3A_425 : memref<10112x128xf32, #tpu.memory_space<vmem_shared>>) offsets(%dma_start3A_422 : memref<80xi32, #tpu.memory_space<vmem>>) semaphore(%arg22 : memref<!tpu.dma_semaphore, #tpu.memory_space<semaphore_mem>>) {add = true}
      %add3A_426 = arith.constant 1 : i32
      %add3A_427 = arith.addi %add3A_64, %add3A_426 : i32
      %lt3A_428 = arith.constant 16 : i32
      %lt3A_429 = arith.cmpi slt, %add3A_427, %lt3A_428 : i32
      %convert_element_type3A_430 = arith.extui %lt3A_429 : i1 to i32
      %cond3A_431 = arith.constant 0 : i32
      %cond3A_432 = arith.cmpi ne, %convert_element_type3A_430, %cond3A_431 : i32
      scf.if %cond3A_432 {
        %add3A_433 = arith.addi %mul3A_13, %mul3A_66 : i32
        %add3A_434 = arith.constant 7 : i32
        %add3A_435 = arith.addi %add3A_433, %add3A_434 : i32
        %add3A_436 = arith.constant 2 : i32
        %add3A_437 = arith.addi %add3A_435, %add3A_436 : i32
        %dma_wait3A_438 = arith.constant 0 : i32
        %dma_wait3A_439 = arith.constant 0 : i32
        %dma_wait3A_440 = tpu.memref_slice %arg3[%add3A_437, %dma_wait3A_438, %dma_wait3A_439] : memref<4096x2x80xi32, #tpu.memory_space<hbm>> -> memref<1x2x80xi32, #tpu.memory_space<hbm>>
        %dma_wait3A_441 = tpu.memref_squeeze %dma_wait3A_440 : memref<1x2x80xi32, #tpu.memory_space<hbm>> -> memref<2x80xi32, #tpu.memory_space<hbm>>
        %dma_wait3A_442 = arith.constant 0 : i32
        %dma_wait3A_443 = arith.constant 0 : i32
        %dma_wait3A_444 = tpu.memref_slice %arg3[%add3A_437, %dma_wait3A_442, %dma_wait3A_443] : memref<4096x2x80xi32, #tpu.memory_space<hbm>> -> memref<1x2x80xi32, #tpu.memory_space<hbm>>
        %dma_wait3A_445 = tpu.memref_squeeze %dma_wait3A_444 : memref<1x2x80xi32, #tpu.memory_space<hbm>> -> memref<2x80xi32, #tpu.memory_space<hbm>>
        tpu.wait_dma2 semaphore(%arg23 : memref<!tpu.dma_semaphore, #tpu.memory_space<semaphore_mem>>) src(%dma_wait3A_445 : memref<2x80xi32, #tpu.memory_space<hbm>>) dst(%arg6 : memref<2x80xi32, #tpu.memory_space<vmem>>)
        %dma_start3A_446 = arith.constant 0 : i32
        %dma_start3A_447 = arith.constant 0 : i32
        %dma_start3A_448 = tpu.memref_slice %arg6[%dma_start3A_446, %dma_start3A_447] : memref<2x80xi32, #tpu.memory_space<vmem>> -> memref<1x80xi32, #tpu.memory_space<vmem>>
        %dma_start3A_449 = tpu.memref_squeeze %dma_start3A_448 : memref<1x80xi32, #tpu.memory_space<vmem>> -> memref<80xi32, #tpu.memory_space<vmem>>
        %dma_start3A_450 = arith.constant 0 : i32
        %dma_start3A_451 = arith.constant 0 : i32
        %dma_start3A_452 = tpu.memref_slice %arg2[%dma_start3A_450, %dma_start3A_451] : memref<10112x128xf32, #tpu.memory_space<hbm>> -> memref<10112x128xf32, #tpu.memory_space<hbm>>
        tpu.enqueue_indirect_dma source(%dma_start3A_452 : memref<10112x128xf32, #tpu.memory_space<hbm>>) target(%arg14 : memref<80x128xf32, #tpu.memory_space<vmem>>) offsets(%dma_start3A_449 : memref<80xi32, #tpu.memory_space<vmem>>) semaphore(%arg20 : memref<!tpu.dma_semaphore, #tpu.memory_space<semaphore_mem>>)
        %add3A_453 = arith.addi %mul3A_13, %mul3A_66 : i32
        %add3A_454 = arith.constant 7 : i32
        %add3A_455 = arith.addi %add3A_453, %add3A_454 : i32
        %add3A_456 = arith.constant 3 : i32
        %add3A_457 = arith.addi %add3A_455, %add3A_456 : i32
        %dma_start3A_458 = arith.constant 0 : i32
        %dma_start3A_459 = arith.constant 0 : i32
        %dma_start3A_460 = tpu.memref_slice %arg3[%add3A_457, %dma_start3A_458, %dma_start3A_459] : memref<4096x2x80xi32, #tpu.memory_space<hbm>> -> memref<1x2x80xi32, #tpu.memory_space<hbm>>
        %dma_start3A_461 = tpu.memref_squeeze %dma_start3A_460 : memref<1x2x80xi32, #tpu.memory_space<hbm>> -> memref<2x80xi32, #tpu.memory_space<hbm>>
        %dma_start3A_462 = arith.constant 0 : i32
        %dma_start3A_463 = arith.constant 0 : i32
        %dma_start3A_464 = tpu.memref_slice %arg3[%add3A_457, %dma_start3A_462, %dma_start3A_463] : memref<4096x2x80xi32, #tpu.memory_space<hbm>> -> memref<1x2x80xi32, #tpu.memory_space<hbm>>
        %dma_start3A_465 = tpu.memref_squeeze %dma_start3A_464 : memref<1x2x80xi32, #tpu.memory_space<hbm>> -> memref<2x80xi32, #tpu.memory_space<hbm>>
        tpu.enqueue_dma source(%dma_start3A_465 : memref<2x80xi32, #tpu.memory_space<hbm>>) target(%arg7 : memref<2x80xi32, #tpu.memory_space<vmem>>) target_semaphore(%arg23 : memref<!tpu.dma_semaphore, #tpu.memory_space<semaphore_mem>>)
      } else {
      }
    }
    %scan3A_45 = arith.constant 16 : i32
    %dma_wait3A = arith.constant 1 : i32
    %dma_wait3A_46 = arith.constant 0 : i32
    %dma_wait3A_47 = tpu.memref_slice %arg11[%dma_wait3A, %dma_wait3A_46] : memref<2x80xi32, #tpu.memory_space<vmem>> -> memref<1x80xi32, #tpu.memory_space<vmem>>
    %dma_wait3A_48 = tpu.memref_squeeze %dma_wait3A_47 : memref<1x80xi32, #tpu.memory_space<vmem>> -> memref<80xi32, #tpu.memory_space<vmem>>
    %dma_wait3A_49 = arith.constant 0 : i32
    %dma_wait3A_50 = arith.constant 0 : i32
    %dma_wait3A_51 = tpu.memref_slice %arg18[%dma_wait3A_49, %dma_wait3A_50] : memref<10112x128xf32, #tpu.memory_space<vmem_shared>> -> memref<10112x128xf32, #tpu.memory_space<vmem_shared>>
    tpu.wait_indirect_dma semaphore(%arg21 : memref<!tpu.dma_semaphore, #tpu.memory_space<semaphore_mem>>) src(%arg15 : memref<80x128xf32, #tpu.memory_space<vmem>>) dst(%dma_wait3A_51 : memref<10112x128xf32, #tpu.memory_space<vmem_shared>>)
    %dma_wait3A_52 = arith.constant 1 : i32
    %dma_wait3A_53 = arith.constant 0 : i32
    %dma_wait3A_54 = tpu.memref_slice %arg12[%dma_wait3A_52, %dma_wait3A_53] : memref<2x80xi32, #tpu.memory_space<vmem>> -> memref<1x80xi32, #tpu.memory_space<vmem>>
    %dma_wait3A_55 = tpu.memref_squeeze %dma_wait3A_54 : memref<1x80xi32, #tpu.memory_space<vmem>> -> memref<80xi32, #tpu.memory_space<vmem>>
    %dma_wait3A_56 = arith.constant 0 : i32
    %dma_wait3A_57 = arith.constant 0 : i32
    %dma_wait3A_58 = tpu.memref_slice %arg18[%dma_wait3A_56, %dma_wait3A_57] : memref<10112x128xf32, #tpu.memory_space<vmem_shared>> -> memref<10112x128xf32, #tpu.memory_space<vmem_shared>>
    tpu.wait_indirect_dma semaphore(%arg22 : memref<!tpu.dma_semaphore, #tpu.memory_space<semaphore_mem>>) src(%arg16 : memref<80x128xf32, #tpu.memory_space<vmem>>) dst(%dma_wait3A_58 : memref<10112x128xf32, #tpu.memory_space<vmem_shared>>)
    %barrier3A_59 = arith.constant 0 : index
    tpu.barrier barrier_id(%barrier3A_59)
    "tpu.region"() ({
      %run_scoped3A = tpu.sem_alloc : memref<!tpu.dma_semaphore, #tpu.memory_space<semaphore_mem>>
      %dma_start3A_60 = arith.constant 0 : i32
      %dma_start3A_61 = tpu.memref_slice %arg4[%arg0, %mul3A_6, %dma_start3A_60] : memref<2x10112x128xf32, #tpu.memory_space<hbm>> -> memref<1x632x128xf32, #tpu.memory_space<hbm>>
      %dma_start3A_62 = tpu.memref_squeeze %dma_start3A_61 : memref<1x632x128xf32, #tpu.memory_space<hbm>> -> memref<632x128xf32, #tpu.memory_space<hbm>>
      %dma_start3A_63 = arith.constant 0 : i32
      %dma_start3A_64 = tpu.memref_slice %arg18[%mul3A_6, %dma_start3A_63] : memref<10112x128xf32, #tpu.memory_space<vmem_shared>> -> memref<632x128xf32, #tpu.memory_space<vmem_shared>>
      tpu.enqueue_dma source(%dma_start3A_64 : memref<632x128xf32, #tpu.memory_space<vmem_shared>>) target(%dma_start3A_62 : memref<632x128xf32, #tpu.memory_space<hbm>>) target_semaphore(%run_scoped3A : memref<!tpu.dma_semaphore, #tpu.memory_space<semaphore_mem>>)
      %dma_wait3A_65 = arith.constant 0 : i32
      %dma_wait3A_66 = tpu.memref_slice %arg4[%arg0, %mul3A_6, %dma_wait3A_65] : memref<2x10112x128xf32, #tpu.memory_space<hbm>> -> memref<1x632x128xf32, #tpu.memory_space<hbm>>
      %dma_wait3A_67 = tpu.memref_squeeze %dma_wait3A_66 : memref<1x632x128xf32, #tpu.memory_space<hbm>> -> memref<632x128xf32, #tpu.memory_space<hbm>>
      %dma_wait3A_68 = arith.constant 0 : i32
      %dma_wait3A_69 = tpu.memref_slice %arg18[%mul3A_6, %dma_wait3A_68] : memref<10112x128xf32, #tpu.memory_space<vmem_shared>> -> memref<632x128xf32, #tpu.memory_space<vmem_shared>>
      tpu.wait_dma2 semaphore(%run_scoped3A : memref<!tpu.dma_semaphore, #tpu.memory_space<semaphore_mem>>) src(%dma_wait3A_69 : memref<632x128xf32, #tpu.memory_space<vmem_shared>>) dst(%dma_wait3A_67 : memref<632x128xf32, #tpu.memory_space<hbm>>)
      tpu.yield
    }) : () -> ()
    return
  }
}

#map = affine_map<(d0, d1) -> (0)>
#map1 = affine_map<(d0, d1) -> (0, 0)>
module attributes {stable_mosaic.version = 14 : i64} {
  func.func @k(%arg0: i32, %arg1: i32, %arg2: memref<327680xi32, #tpu.memory_space<hbm>>, %arg3: memref<32x10112xf32, #tpu.memory_space<hbm>>, %arg4: memref<10112xf32, #tpu.memory_space<vmem>>, %arg5: memref<10240xi32, #tpu.memory_space<vmem>>) attributes {dimension_semantics = [#tpu.dimension_semantics<core_parallel>, #tpu.dimension_semantics<subcore_parallel>], iteration_bounds = array<i64: 2, 16>, scalar_prefetch = 0 : i64, scratch_operands = 2 : i64, tpu.core_type = #tpu.core_type<sc_vector_subcore>, window_params = [{transform_indices = #map}, {transform_indices = #map1}]} {
    %mul3A = arith.constant 16 : i32
    %mul3A_0 = arith.muli %arg0, %mul3A : i32
    %add3A = arith.addi %mul3A_0, %arg1 : i32
    %scan3A = arith.constant 0 : i32
    %scan3A_1 = arith.constant 632 : i32
    %scan3A_2 = arith.addi %scan3A, %scan3A_1 : i32
    %scan3A_3 = arith.constant 1 : i32
    scf.for %scan3A_13 = %scan3A to %scan3A_2 step %scan3A_3  : i32 {
      %mul3A_14 = arith.constant 1 : i32
      %mul3A_15 = arith.muli %scan3A_13, %mul3A_14 : i32
      %add3A_16 = arith.constant 0 : i32
      %add3A_17 = arith.addi %add3A_16, %mul3A_15 : i32
      %broadcast_in_dim3A_18 = arith.constant 0.000000e+00 : f32
      %broadcast_in_dim3A_19 = vector.broadcast %broadcast_in_dim3A_18 : f32 to vector<16xf32>
      %mul3A_20 = arith.constant 16 : i32
      %mul3A_21 = arith.muli %add3A_17, %mul3A_20 : i32
      %swap3A = arith.index_cast %mul3A_21 : i32 to index
      %swap3A_22 = tpu.vector_load %arg4[%swap3A] {strides = array<i32>} : memref<10112xf32, #tpu.memory_space<vmem>>, vector<16xf32>,
      tpu.vector_store %arg4[%swap3A], %broadcast_in_dim3A_19 {strides = array<i32>} : memref<10112xf32, #tpu.memory_space<vmem>>, vector<16xf32>,
    }
    %scan3A_4 = arith.constant 632 : i32
    %mul3A_5 = arith.constant 10240 : i32
    %mul3A_6 = arith.muli %add3A, %mul3A_5 : i32
    "tpu.region"() ({
      %run_scoped3A = tpu.sem_alloc : memref<!tpu.dma_semaphore, #tpu.memory_space<semaphore_mem>>
      %dma_start3A = tpu.memref_slice %arg2[%mul3A_6] : memref<327680xi32, #tpu.memory_space<hbm>> -> memref<10240xi32, #tpu.memory_space<hbm>>
      %dma_start3A_13 = tpu.memref_slice %arg2[%mul3A_6] : memref<327680xi32, #tpu.memory_space<hbm>> -> memref<10240xi32, #tpu.memory_space<hbm>>
      tpu.enqueue_dma source(%dma_start3A_13 : memref<10240xi32, #tpu.memory_space<hbm>>) target(%arg5 : memref<10240xi32, #tpu.memory_space<vmem>>) target_semaphore(%run_scoped3A : memref<!tpu.dma_semaphore, #tpu.memory_space<semaphore_mem>>)
      %dma_wait3A = tpu.memref_slice %arg2[%mul3A_6] : memref<327680xi32, #tpu.memory_space<hbm>> -> memref<10240xi32, #tpu.memory_space<hbm>>
      %dma_wait3A_14 = tpu.memref_slice %arg2[%mul3A_6] : memref<327680xi32, #tpu.memory_space<hbm>> -> memref<10240xi32, #tpu.memory_space<hbm>>
      tpu.wait_dma2 semaphore(%run_scoped3A : memref<!tpu.dma_semaphore, #tpu.memory_space<semaphore_mem>>) src(%dma_wait3A_14 : memref<10240xi32, #tpu.memory_space<hbm>>) dst(%arg5 : memref<10240xi32, #tpu.memory_space<vmem>>)
      tpu.yield
    }) : () -> ()
    %broadcast_in_dim3A = arith.constant 1.000000e+00 : f32
    %broadcast_in_dim3A_7 = vector.broadcast %broadcast_in_dim3A : f32 to vector<16xf32>
    %scan3A_8 = arith.constant 0 : i32
    %scan3A_9 = arith.constant 640 : i32
    %scan3A_10 = arith.addi %scan3A_8, %scan3A_9 : i32
    %scan3A_11 = arith.constant 1 : i32
    scf.for %scan3A_13 = %scan3A_8 to %scan3A_10 step %scan3A_11  : i32 {
      %mul3A_14 = arith.constant 1 : i32
      %mul3A_15 = arith.muli %scan3A_13, %mul3A_14 : i32
      %add3A_16 = arith.constant 0 : i32
      %add3A_17 = arith.addi %add3A_16, %mul3A_15 : i32
      %mul3A_18 = arith.constant 16 : i32
      %mul3A_19 = arith.muli %add3A_17, %mul3A_18 : i32
      %get3A = arith.index_cast %mul3A_19 : i32 to index
      %get3A_20 = tpu.vector_load %arg5[%get3A] {strides = array<i32>} : memref<10240xi32, #tpu.memory_space<vmem>>, vector<16xi32>,
      tpu.vector_store_idx %arg4[%get3A_20], %broadcast_in_dim3A_7 {add = true} : memref<10112xf32, #tpu.memory_space<vmem>>[vector<16xi32>], vector<16xf32>,
    }
    %scan3A_12 = arith.constant 640 : i32
    "tpu.region"() ({
      %run_scoped3A = tpu.sem_alloc : memref<!tpu.dma_semaphore, #tpu.memory_space<semaphore_mem>>
      %dma_start3A = arith.constant 0 : i32
      %dma_start3A_13 = tpu.memref_slice %arg3[%add3A, %dma_start3A] : memref<32x10112xf32, #tpu.memory_space<hbm>> -> memref<1x10112xf32, #tpu.memory_space<hbm>>
      %dma_start3A_14 = tpu.memref_squeeze %dma_start3A_13 : memref<1x10112xf32, #tpu.memory_space<hbm>> -> memref<10112xf32, #tpu.memory_space<hbm>>
      %dma_start3A_15 = arith.constant 0 : i32
      %dma_start3A_16 = tpu.memref_slice %arg3[%add3A, %dma_start3A_15] : memref<32x10112xf32, #tpu.memory_space<hbm>> -> memref<1x10112xf32, #tpu.memory_space<hbm>>
      %dma_start3A_17 = tpu.memref_squeeze %dma_start3A_16 : memref<1x10112xf32, #tpu.memory_space<hbm>> -> memref<10112xf32, #tpu.memory_space<hbm>>
      tpu.enqueue_dma source(%arg4 : memref<10112xf32, #tpu.memory_space<vmem>>) target(%dma_start3A_17 : memref<10112xf32, #tpu.memory_space<hbm>>) target_semaphore(%run_scoped3A : memref<!tpu.dma_semaphore, #tpu.memory_space<semaphore_mem>>)
      %dma_wait3A = arith.constant 0 : i32
      %dma_wait3A_18 = tpu.memref_slice %arg3[%add3A, %dma_wait3A] : memref<32x10112xf32, #tpu.memory_space<hbm>> -> memref<1x10112xf32, #tpu.memory_space<hbm>>
      %dma_wait3A_19 = tpu.memref_squeeze %dma_wait3A_18 : memref<1x10112xf32, #tpu.memory_space<hbm>> -> memref<10112xf32, #tpu.memory_space<hbm>>
      %dma_wait3A_20 = arith.constant 0 : i32
      %dma_wait3A_21 = tpu.memref_slice %arg3[%add3A, %dma_wait3A_20] : memref<32x10112xf32, #tpu.memory_space<hbm>> -> memref<1x10112xf32, #tpu.memory_space<hbm>>
      %dma_wait3A_22 = tpu.memref_squeeze %dma_wait3A_21 : memref<1x10112xf32, #tpu.memory_space<hbm>> -> memref<10112xf32, #tpu.memory_space<hbm>>
      tpu.wait_dma2 semaphore(%run_scoped3A : memref<!tpu.dma_semaphore, #tpu.memory_space<semaphore_mem>>) src(%arg4 : memref<10112xf32, #tpu.memory_space<vmem>>) dst(%dma_wait3A_22 : memref<10112xf32, #tpu.memory_space<hbm>>)
      tpu.yield
    }) : () -> ()
    return
  }
}

module attributes {stable_mosaic.version = 14 : i64} {
  func.func @_stage1_body(%arg0: i32, %arg1: memref<632x128xf32, #tpu.memory_space<vmem>>, %arg2: memref<128x128xf32, #tpu.memory_space<vmem>>, %arg3: memref<1x32x632xf32, #tpu.memory_space<vmem>>, %arg4: memref<632x128xf32, #tpu.memory_space<vmem>>) attributes {dimension_semantics = [#tpu.dimension_semantics<arbitrary>], iteration_bounds = array<i64: 16>, scalar_prefetch = 0 : i64, scratch_operands = 0 : i64, tpu.core_type = #tpu.core_type<tc>, window_params = [{transform_indices = @transform_0, window_bounds = array<i64: 632, 128>}, {pipeline_mode = #tpu.pipeline_mode<synchronous>, transform_indices = @transform_1, window_bounds = array<i64: 128, 128>}, {transform_indices = @transform_2, window_bounds = array<i64: 1, 32, 632>}, {transform_indices = @transform_3, window_bounds = array<i64: 632, 128>}]} {
    %get3A = arith.constant 0 : index
    %get3A_0 = arith.constant 0 : index
    %get3A_1 = arith.constant 0 : index
    %get3A_2 = vector.load %arg3[%get3A, %get3A_0, %get3A_1] : memref<1x32x632xf32, #tpu.memory_space<vmem>>, vector<1x32x632xf32>
    %get3A_3 = vector.shape_cast %get3A_2 : vector<1x32x632xf32> to vector<32x632xf32>
    %reduce_sum3A = arith.constant dense<0.000000e+00> : vector<632xf32>
    %reduce_sum3A_4 = vector.multi_reduction <add>, %get3A_3, %reduce_sum3A [0] : vector<32x632xf32> to vector<632xf32>
    %add3A = arith.constant 1.000000e+00 : f32
    %add3A_5 = vector.broadcast %add3A : f32 to vector<632xf32>
    %add3A_6 = arith.addf %reduce_sum3A_4, %add3A_5 : vector<632xf32>
    %rsqrt3A = math.rsqrt %add3A_6 : vector<632xf32>
    %reshape3A = vector.shape_cast %rsqrt3A : vector<632xf32> to vector<632x1xf32>
    %get3A_7 = arith.constant 0 : index
    %get3A_8 = arith.constant 0 : index
    %get3A_9 = vector.load %arg1[%get3A_7, %get3A_8] : memref<632x128xf32, #tpu.memory_space<vmem>>, vector<632x128xf32>
    %get3A_10 = arith.constant 0 : index
    %get3A_11 = arith.constant 0 : index
    %get3A_12 = vector.load %arg2[%get3A_10, %get3A_11] : memref<128x128xf32, #tpu.memory_space<vmem>>, vector<128x128xf32>
    %dot_general3A = arith.constant dense<0.000000e+00> : vector<632x128xf32>
    %dot_general3A_13 = tpu.matmul %get3A_9, %get3A_12, %dot_general3A {dimension_numbers = #tpu.dot_dimension_numbers<[1], [0], [0], [1], [0, 0, 1, 1], [], []>, transpose_lhs_hint = false} : vector<632x128xf32>, vector<128x128xf32>, vector<632x128xf32> -> vector<632x128xf32>
    %mul3A = vector.broadcast %reshape3A : vector<632x1xf32> to vector<632x128xf32>
    %mul3A_14 = arith.mulf %dot_general3A_13, %mul3A : vector<632x128xf32>
    %swap3A = arith.constant 0 : index
    %swap3A_15 = arith.constant 0 : index
    %swap3A_16 = vector.load %arg4[%swap3A, %swap3A_15] : memref<632x128xf32, #tpu.memory_space<vmem>>, vector<632x128xf32>
    tpu.vector_store %arg4[%swap3A, %swap3A_15], %mul3A_14 {strides = array<i32>} : memref<632x128xf32, #tpu.memory_space<vmem>>, vector<632x128xf32>,
    return
  }
  func.func @transform_0(%arg0: i32) -> (i32, i32) {
    %c0_i32 = arith.constant 0 : i32
    %c0_i32_0 = arith.constant 0 : i32
    return %arg0, %c0_i32 : i32, i32
  }
  func.func @transform_1(%arg0: i32) -> (i32, i32) {
    %c0_i32 = arith.constant 0 : i32
    %c0_i32_0 = arith.constant 0 : i32
    %c0_i32_1 = arith.constant 0 : i32
    return %c0_i32, %c0_i32_0 : i32, i32
  }
  func.func @transform_2(%arg0: i32) -> (i32, i32, i32) {
    %c0_i32 = arith.constant 0 : i32
    %c0_i32_0 = arith.constant 0 : i32
    %c0_i32_1 = arith.constant 0 : i32
    return %arg0, %c0_i32, %c0_i32_0 : i32, i32, i32
  }
  func.func @transform_3(%arg0: i32) -> (i32, i32) {
    %c0_i32 = arith.constant 0 : i32
    %c0_i32_0 = arith.constant 0 : i32
    return %arg0, %c0_i32 : i32, i32
  }
}

module attributes {stable_mosaic.version = 14 : i64} {
  func.func @_stage2_body(%arg0: i32, %arg1: memref<2x632x128xf32, #tpu.memory_space<vmem>>, %arg2: memref<632x128xf32, #tpu.memory_space<vmem>>, %arg3: memref<1x32x632xf32, #tpu.memory_space<vmem>>, %arg4: memref<1x128xf32, #tpu.memory_space<vmem>>, %arg5: memref<632x128xf32, #tpu.memory_space<vmem>>, %arg6: memref<632x128xf32, #tpu.memory_space<vmem>>) attributes {dimension_semantics = [#tpu.dimension_semantics<arbitrary>], iteration_bounds = array<i64: 16>, scalar_prefetch = 0 : i64, scratch_operands = 0 : i64, tpu.core_type = #tpu.core_type<tc>, window_params = [{transform_indices = @transform_0, window_bounds = array<i64: 2, 632, 128>}, {transform_indices = @transform_1, window_bounds = array<i64: 632, 128>}, {transform_indices = @transform_2, window_bounds = array<i64: 1, 32, 632>}, {pipeline_mode = #tpu.pipeline_mode<synchronous>, transform_indices = @transform_3, window_bounds = array<i64: 1, 128>}, {transform_indices = @transform_4, window_bounds = array<i64: 632, 128>}, {transform_indices = @transform_5, window_bounds = array<i64: 632, 128>}]} {
    %get3A = arith.constant 0 : index
    %get3A_0 = arith.constant 0 : index
    %get3A_1 = arith.constant 0 : index
    %get3A_2 = vector.load %arg3[%get3A, %get3A_0, %get3A_1] : memref<1x32x632xf32, #tpu.memory_space<vmem>>, vector<1x32x632xf32>
    %get3A_3 = vector.shape_cast %get3A_2 : vector<1x32x632xf32> to vector<32x632xf32>
    %reduce_sum3A = arith.constant dense<0.000000e+00> : vector<632xf32>
    %reduce_sum3A_4 = vector.multi_reduction <add>, %get3A_3, %reduce_sum3A [0] : vector<32x632xf32> to vector<632xf32>
    %add3A = arith.constant 1.000000e+00 : f32
    %add3A_5 = vector.broadcast %add3A : f32 to vector<632xf32>
    %add3A_6 = arith.addf %reduce_sum3A_4, %add3A_5 : vector<632xf32>
    %rsqrt3A = math.rsqrt %add3A_6 : vector<632xf32>
    %reshape3A = vector.shape_cast %rsqrt3A : vector<632xf32> to vector<632x1xf32>
    %get3A_7 = arith.constant 0 : index
    %get3A_8 = arith.constant 0 : index
    %get3A_9 = arith.constant 0 : index
    %get3A_10 = vector.load %arg1[%get3A_7, %get3A_8, %get3A_9] : memref<2x632x128xf32, #tpu.memory_space<vmem>>, vector<1x632x128xf32>
    %get3A_11 = vector.shape_cast %get3A_10 : vector<1x632x128xf32> to vector<632x128xf32>
    %get3A_12 = arith.constant 1 : index
    %get3A_13 = arith.constant 0 : index
    %get3A_14 = arith.constant 0 : index
    %get3A_15 = vector.load %arg1[%get3A_12, %get3A_13, %get3A_14] : memref<2x632x128xf32, #tpu.memory_space<vmem>>, vector<1x632x128xf32>
    %get3A_16 = vector.shape_cast %get3A_15 : vector<1x632x128xf32> to vector<632x128xf32>
    %add3A_17 = arith.addf %get3A_11, %get3A_16 : vector<632x128xf32>
    %get3A_18 = arith.constant 0 : index
    %get3A_19 = arith.constant 0 : index
    %get3A_20 = vector.load %arg2[%get3A_18, %get3A_19] : memref<632x128xf32, #tpu.memory_space<vmem>>, vector<632x128xf32>
    %add3A_21 = arith.addf %add3A_17, %get3A_20 : vector<632x128xf32>
    %mul3A = vector.broadcast %reshape3A : vector<632x1xf32> to vector<632x128xf32>
    %mul3A_22 = arith.mulf %add3A_21, %mul3A : vector<632x128xf32>
    %get3A_23 = arith.constant 0 : index
    %get3A_24 = arith.constant 0 : index
    %get3A_25 = vector.load %arg4[%get3A_23, %get3A_24] : memref<1x128xf32, #tpu.memory_space<vmem>>, vector<1x128xf32>
    %add3A_26 = vector.broadcast %get3A_25 : vector<1x128xf32> to vector<632x128xf32>
    %add3A_27 = arith.addf %mul3A_22, %add3A_26 : vector<632x128xf32>
    %swap3A = arith.constant 0 : index
    %swap3A_28 = arith.constant 0 : index
    %swap3A_29 = vector.load %arg5[%swap3A, %swap3A_28] : memref<632x128xf32, #tpu.memory_space<vmem>>, vector<632x128xf32>
    tpu.vector_store %arg5[%swap3A, %swap3A_28], %add3A_27 {strides = array<i32>} : memref<632x128xf32, #tpu.memory_space<vmem>>, vector<632x128xf32>,
    %max3A = arith.constant 0.000000e+00 : f32
    %max3A_30 = vector.broadcast %max3A : f32 to vector<632x128xf32>
    %max3A_31 = arith.maximumf %add3A_27, %max3A_30 : vector<632x128xf32>
    %mul3A_32 = vector.broadcast %reshape3A : vector<632x1xf32> to vector<632x128xf32>
    %mul3A_33 = arith.mulf %max3A_31, %mul3A_32 : vector<632x128xf32>
    %swap3A_34 = arith.constant 0 : index
    %swap3A_35 = arith.constant 0 : index
    %swap3A_36 = vector.load %arg6[%swap3A_34, %swap3A_35] : memref<632x128xf32, #tpu.memory_space<vmem>>, vector<632x128xf32>
    tpu.vector_store %arg6[%swap3A_34, %swap3A_35], %mul3A_33 {strides = array<i32>} : memref<632x128xf32, #tpu.memory_space<vmem>>, vector<632x128xf32>,
    return
  }
  func.func @transform_0(%arg0: i32) -> (i32, i32, i32) {
    %c0_i32 = arith.constant 0 : i32
    %c0_i32_0 = arith.constant 0 : i32
    %c0_i32_1 = arith.constant 0 : i32
    return %c0_i32, %arg0, %c0_i32_0 : i32, i32, i32
  }
  func.func @transform_1(%arg0: i32) -> (i32, i32) {
    %c0_i32 = arith.constant 0 : i32
    %c0_i32_0 = arith.constant 0 : i32
    return %arg0, %c0_i32 : i32, i32
  }
  func.func @transform_2(%arg0: i32) -> (i32, i32, i32) {
    %c0_i32 = arith.constant 0 : i32
    %c0_i32_0 = arith.constant 0 : i32
    %c0_i32_1 = arith.constant 0 : i32
    return %arg0, %c0_i32, %c0_i32_0 : i32, i32, i32
  }
  func.func @transform_3(%arg0: i32) -> (i32, i32) {
    %c0_i32 = arith.constant 0 : i32
    %c0_i32_0 = arith.constant 0 : i32
    %c0_i32_1 = arith.constant 0 : i32
    return %c0_i32, %c0_i32_0 : i32, i32
  }
  func.func @transform_4(%arg0: i32) -> (i32, i32) {
    %c0_i32 = arith.constant 0 : i32
    %c0_i32_0 = arith.constant 0 : i32
    return %arg0, %c0_i32 : i32, i32
  }
  func.func @transform_5(%arg0: i32) -> (i32, i32) {
    %c0_i32 = arith.constant 0 : i32
    %c0_i32_0 = arith.constant 0 : i32
    return %arg0, %c0_i32 : i32, i32
  }
}

module attributes {stable_mosaic.version = 14 : i64} {
  func.func @_stage3_body(%arg0: i32, %arg1: memref<2x632x128xf32, #tpu.memory_space<vmem>>, %arg2: memref<632x128xf32, #tpu.memory_space<vmem>>, %arg3: memref<1x32x632xf32, #tpu.memory_space<vmem>>, %arg4: memref<632x128xf32, #tpu.memory_space<vmem>>, %arg5: memref<128x40xf32, #tpu.memory_space<vmem>>, %arg6: memref<128x40xf32, #tpu.memory_space<vmem>>, %arg7: memref<40x40xf32, #tpu.memory_space<vmem>>, %arg8: memref<1x40xf32, #tpu.memory_space<vmem>>, %arg9: memref<1x40xf32, #tpu.memory_space<vmem>>, %arg10: memref<632x40xf32, #tpu.memory_space<vmem>>) attributes {dimension_semantics = [#tpu.dimension_semantics<arbitrary>], iteration_bounds = array<i64: 16>, scalar_prefetch = 0 : i64, scratch_operands = 0 : i64, tpu.core_type = #tpu.core_type<tc>, window_params = [{transform_indices = @transform_0, window_bounds = array<i64: 2, 632, 128>}, {transform_indices = @transform_1, window_bounds = array<i64: 632, 128>}, {transform_indices = @transform_2, window_bounds = array<i64: 1, 32, 632>}, {transform_indices = @transform_3, window_bounds = array<i64: 632, 128>}, {pipeline_mode = #tpu.pipeline_mode<synchronous>, transform_indices = @transform_4, window_bounds = array<i64: 128, 40>}, {pipeline_mode = #tpu.pipeline_mode<synchronous>, transform_indices = @transform_5, window_bounds = array<i64: 128, 40>}, {pipeline_mode = #tpu.pipeline_mode<synchronous>, transform_indices = @transform_6, window_bounds = array<i64: 40, 40>}, {pipeline_mode = #tpu.pipeline_mode<synchronous>, transform_indices = @transform_7, window_bounds = array<i64: 1, 40>}, {pipeline_mode = #tpu.pipeline_mode<synchronous>, transform_indices = @transform_8, window_bounds = array<i64: 1, 40>}, {transform_indices = @transform_9, window_bounds = array<i64: 632, 40>}]} {
    %get3A = arith.constant 0 : index
    %get3A_0 = arith.constant 0 : index
    %get3A_1 = arith.constant 0 : index
    %get3A_2 = vector.load %arg3[%get3A, %get3A_0, %get3A_1] : memref<1x32x632xf32, #tpu.memory_space<vmem>>, vector<1x32x632xf32>
    %get3A_3 = vector.shape_cast %get3A_2 : vector<1x32x632xf32> to vector<32x632xf32>
    %reduce_sum3A = arith.constant dense<0.000000e+00> : vector<632xf32>
    %reduce_sum3A_4 = vector.multi_reduction <add>, %get3A_3, %reduce_sum3A [0] : vector<32x632xf32> to vector<632xf32>
    %add3A = arith.constant 1.000000e+00 : f32
    %add3A_5 = vector.broadcast %add3A : f32 to vector<632xf32>
    %add3A_6 = arith.addf %reduce_sum3A_4, %add3A_5 : vector<632xf32>
    %rsqrt3A = math.rsqrt %add3A_6 : vector<632xf32>
    %reshape3A = vector.shape_cast %rsqrt3A : vector<632xf32> to vector<632x1xf32>
    %get3A_7 = arith.constant 0 : index
    %get3A_8 = arith.constant 0 : index
    %get3A_9 = arith.constant 0 : index
    %get3A_10 = vector.load %arg1[%get3A_7, %get3A_8, %get3A_9] : memref<2x632x128xf32, #tpu.memory_space<vmem>>, vector<1x632x128xf32>
    %get3A_11 = vector.shape_cast %get3A_10 : vector<1x632x128xf32> to vector<632x128xf32>
    %get3A_12 = arith.constant 1 : index
    %get3A_13 = arith.constant 0 : index
    %get3A_14 = arith.constant 0 : index
    %get3A_15 = vector.load %arg1[%get3A_12, %get3A_13, %get3A_14] : memref<2x632x128xf32, #tpu.memory_space<vmem>>, vector<1x632x128xf32>
    %get3A_16 = vector.shape_cast %get3A_15 : vector<1x632x128xf32> to vector<632x128xf32>
    %add3A_17 = arith.addf %get3A_11, %get3A_16 : vector<632x128xf32>
    %get3A_18 = arith.constant 0 : index
    %get3A_19 = arith.constant 0 : index
    %get3A_20 = vector.load %arg2[%get3A_18, %get3A_19] : memref<632x128xf32, #tpu.memory_space<vmem>>, vector<632x128xf32>
    %add3A_21 = arith.addf %add3A_17, %get3A_20 : vector<632x128xf32>
    %mul3A = vector.broadcast %reshape3A : vector<632x1xf32> to vector<632x128xf32>
    %mul3A_22 = arith.mulf %add3A_21, %mul3A : vector<632x128xf32>
    %get3A_23 = arith.constant 0 : index
    %get3A_24 = arith.constant 0 : index
    %get3A_25 = vector.load %arg5[%get3A_23, %get3A_24] : memref<128x40xf32, #tpu.memory_space<vmem>>, vector<128x40xf32>
    %dot_general3A = arith.constant dense<0.000000e+00> : vector<632x40xf32>
    %dot_general3A_26 = tpu.matmul %mul3A_22, %get3A_25, %dot_general3A {dimension_numbers = #tpu.dot_dimension_numbers<[1], [0], [0], [1], [0, 0, 1, 1], [], []>, transpose_lhs_hint = false} : vector<632x128xf32>, vector<128x40xf32>, vector<632x40xf32> -> vector<632x40xf32>
    %get3A_27 = arith.constant 0 : index
    %get3A_28 = arith.constant 0 : index
    %get3A_29 = vector.load %arg8[%get3A_27, %get3A_28] : memref<1x40xf32, #tpu.memory_space<vmem>>, vector<1x40xf32>
    %add3A_30 = vector.broadcast %get3A_29 : vector<1x40xf32> to vector<632x40xf32>
    %add3A_31 = arith.addf %dot_general3A_26, %add3A_30 : vector<632x40xf32>
    %get3A_32 = arith.constant 0 : index
    %get3A_33 = arith.constant 0 : index
    %get3A_34 = vector.load %arg4[%get3A_32, %get3A_33] : memref<632x128xf32, #tpu.memory_space<vmem>>, vector<632x128xf32>
    %get3A_35 = arith.constant 0 : index
    %get3A_36 = arith.constant 0 : index
    %get3A_37 = vector.load %arg6[%get3A_35, %get3A_36] : memref<128x40xf32, #tpu.memory_space<vmem>>, vector<128x40xf32>
    %dot_general3A_38 = arith.constant dense<0.000000e+00> : vector<632x40xf32>
    %dot_general3A_39 = tpu.matmul %get3A_34, %get3A_37, %dot_general3A_38 {dimension_numbers = #tpu.dot_dimension_numbers<[1], [0], [0], [1], [0, 0, 1, 1], [], []>, transpose_lhs_hint = false} : vector<632x128xf32>, vector<128x40xf32>, vector<632x40xf32> -> vector<632x40xf32>
    %get3A_40 = arith.constant 0 : index
    %get3A_41 = arith.constant 0 : index
    %get3A_42 = vector.load %arg7[%get3A_40, %get3A_41] : memref<40x40xf32, #tpu.memory_space<vmem>>, vector<40x40xf32>
    %dot_general3A_43 = arith.constant dense<0.000000e+00> : vector<632x40xf32>
    %dot_general3A_44 = tpu.matmul %add3A_31, %get3A_42, %dot_general3A_43 {dimension_numbers = #tpu.dot_dimension_numbers<[1], [0], [0], [1], [0, 0, 1, 1], [], []>, transpose_lhs_hint = false} : vector<632x40xf32>, vector<40x40xf32>, vector<632x40xf32> -> vector<632x40xf32>
    %add3A_45 = arith.addf %dot_general3A_39, %dot_general3A_44 : vector<632x40xf32>
    %get3A_46 = arith.constant 0 : index
    %get3A_47 = arith.constant 0 : index
    %get3A_48 = vector.load %arg9[%get3A_46, %get3A_47] : memref<1x40xf32, #tpu.memory_space<vmem>>, vector<1x40xf32>
    %add3A_49 = vector.broadcast %get3A_48 : vector<1x40xf32> to vector<632x40xf32>
    %add3A_50 = arith.addf %add3A_45, %add3A_49 : vector<632x40xf32>
    %reduce_max3A = arith.constant dense<0xFF800000> : vector<632xf32>
    %reduce_max3A_51 = vector.multi_reduction <maximumf>, %add3A_50, %reduce_max3A [1] : vector<632x40xf32> to vector<632xf32>
    %broadcast_in_dim3A = vector.shape_cast %reduce_max3A_51 : vector<632xf32> to vector<632x1xf32>
    %sub3A = vector.broadcast %broadcast_in_dim3A : vector<632x1xf32> to vector<632x40xf32>
    %sub3A_52 = arith.subf %add3A_50, %sub3A : vector<632x40xf32>
    %exp3A = math.exp %sub3A_52 : vector<632x40xf32>
    %reduce_sum3A_53 = arith.constant dense<0.000000e+00> : vector<632xf32>
    %reduce_sum3A_54 = vector.multi_reduction <add>, %exp3A, %reduce_sum3A_53 [1] : vector<632x40xf32> to vector<632xf32>
    %broadcast_in_dim3A_55 = vector.shape_cast %reduce_sum3A_54 : vector<632xf32> to vector<632x1xf32>
    %log3A = math.log %broadcast_in_dim3A_55 : vector<632x1xf32>
    %sub3A_56 = vector.broadcast %broadcast_in_dim3A : vector<632x1xf32> to vector<632x40xf32>
    %sub3A_57 = arith.subf %add3A_50, %sub3A_56 : vector<632x40xf32>
    %sub3A_58 = vector.broadcast %log3A : vector<632x1xf32> to vector<632x40xf32>
    %sub3A_59 = arith.subf %sub3A_57, %sub3A_58 : vector<632x40xf32>
    %swap3A = arith.constant 0 : index
    %swap3A_60 = arith.constant 0 : index
    %swap3A_61 = vector.load %arg10[%swap3A, %swap3A_60] : memref<632x40xf32, #tpu.memory_space<vmem>>, vector<632x40xf32>
    tpu.vector_store %arg10[%swap3A, %swap3A_60], %sub3A_59 {strides = array<i32>} : memref<632x40xf32, #tpu.memory_space<vmem>>, vector<632x40xf32>,
    return
  }
  func.func @transform_0(%arg0: i32) -> (i32, i32, i32) {
    %c0_i32 = arith.constant 0 : i32
    %c0_i32_0 = arith.constant 0 : i32
    %c0_i32_1 = arith.constant 0 : i32
    return %c0_i32, %arg0, %c0_i32_0 : i32, i32, i32
  }
  func.func @transform_1(%arg0: i32) -> (i32, i32) {
    %c0_i32 = arith.constant 0 : i32
    %c0_i32_0 = arith.constant 0 : i32
    return %arg0, %c0_i32 : i32, i32
  }
  func.func @transform_2(%arg0: i32) -> (i32, i32, i32) {
    %c0_i32 = arith.constant 0 : i32
    %c0_i32_0 = arith.constant 0 : i32
    %c0_i32_1 = arith.constant 0 : i32
    return %arg0, %c0_i32, %c0_i32_0 : i32, i32, i32
  }
  func.func @transform_3(%arg0: i32) -> (i32, i32) {
    %c0_i32 = arith.constant 0 : i32
    %c0_i32_0 = arith.constant 0 : i32
    return %arg0, %c0_i32 : i32, i32
  }
  func.func @transform_4(%arg0: i32) -> (i32, i32) {
    %c0_i32 = arith.constant 0 : i32
    %c0_i32_0 = arith.constant 0 : i32
    %c0_i32_1 = arith.constant 0 : i32
    return %c0_i32, %c0_i32_0 : i32, i32
  }
  func.func @transform_5(%arg0: i32) -> (i32, i32) {
    %c0_i32 = arith.constant 0 : i32
    %c0_i32_0 = arith.constant 0 : i32
    %c0_i32_1 = arith.constant 0 : i32
    return %c0_i32, %c0_i32_0 : i32, i32
  }
  func.func @transform_6(%arg0: i32) -> (i32, i32) {
    %c0_i32 = arith.constant 0 : i32
    %c0_i32_0 = arith.constant 0 : i32
    %c0_i32_1 = arith.constant 0 : i32
    return %c0_i32, %c0_i32_0 : i32, i32
  }
  func.func @transform_7(%arg0: i32) -> (i32, i32) {
    %c0_i32 = arith.constant 0 : i32
    %c0_i32_0 = arith.constant 0 : i32
    %c0_i32_1 = arith.constant 0 : i32
    return %c0_i32, %c0_i32_0 : i32, i32
  }
  func.func @transform_8(%arg0: i32) -> (i32, i32) {
    %c0_i32 = arith.constant 0 : i32
    %c0_i32_0 = arith.constant 0 : i32
    %c0_i32_1 = arith.constant 0 : i32
    return %c0_i32, %c0_i32_0 : i32, i32
  }
  func.func @transform_9(%arg0: i32) -> (i32, i32) {
    %c0_i32 = arith.constant 0 : i32
    %c0_i32_0 = arith.constant 0 : i32
    return %arg0, %c0_i32 : i32, i32
  }
}

</mosaic_0001>

<sc_bundles>
// kernel: kernel.11.cloned.1.call-start
scs
__scs_entry_jumppad:
0x0: {  	(pc) =	sbr.rel $0x88, $3  }
0x1: {  	(tag) =	ssettag $0x0;
	lr =	simm.s32 $0x1  }
0x2: {  	[smem:$0x3F99] =	sst lr;
	_ =	strace $0xD0000000  }
0x3: {  	_ = 	snop  }
0x4: {  	_ = 	snop  }
0x5: {  	_ = 	snop  }
0x6: {  	_ = 	snop  }
0x7: {  	_ = 	snop  }
__scs_overlays_trampoline_lowered:
0x8: {  	[smem:$0x3FA8] =	sst s0  }
0x9: {  	[smem:$0x3FA9] =	sst s1  }
0xa: {  	[smem:$0x3FAA] =	sst s2  }
0xb: {  	[smem:$0x3FAB] =	sst s3  }
0xc: {  	[smem:$0x3FAC] =	sst s4  }
0xd: {  	[smem:$0x3FAD] =	sst s5  }
0xe: {  	[smem:$0x3FAE] =	sst s6  }
0xf: {  	[smem:$0x3FAF] =	sst s7  }
0x10: {  	[smem:$0x3FB0] =	sst s8  }
0x11: {  	[smem:$0x3FB1] =	sst s9;
	s0 =	simm.s32 @!p0 $0x0  }
0x12: {  	s1 =	sld [smem:$0x3F97];
	s0 =	simm.s32 @p0 $0x1  }
0x13: {  	[smem:$0x3FB2] =	sst s0;
	s0 =	simm.s32 @!p1 $0x0  }
0x14: {  	s2 =	sld [smem:$0x3F96];
	s0 =	simm.s32 @p1 $0x1  }
0x15: {  	[smem:$0x3FB3] =	sst s0;
	s0 =	simm.s32 @!p2 $0x0  }
0x16: {  	s3 =	sld [smem:$0x3FDB];
	s0 =	simm.s32 @p2 $0x1  }
0x17: {  	s4 =	simm.s32 $0x1BF5;
	[smem:$0x3FB5] =	sst s0  }
0x18: {  	s0 =	sld [smem:$0x3F98];
	_ =	swait.ge [sflag:s4], $0x0  }
0x19: {  	s7 =	sld [smem:$0x3F99]  }
0x1a: {  	s8 =	sadd.s32 $0xFFFFE003, lr  }
0x1b: {  	s9 =	sadd.s32 $0xFFFFFEF7, lr;
	s5 =	simm.s32 $0xFFFFFFFF;
	p2 =	slt.u32 s8, $0xFFFFF086  }
0x1c: {  	p1 =	slt.u32 s9, $0xF7A;
	s5 =	simm.s32 @!p2 $0x0  }
0x1d: {  	s5 =	simm.s32 @p1 $0x1;
	p0 =	seq.s32 s7, s2  }
0x1e: {  	s7 =	smul.u32 @!p0 $0xF7A, s2;
	p2 =	seq.s32 @!p0 s5, $0x0  }
0x1f: {  	s9 =	smul.u32 $0xF7A, s1;
	s8 =	simm.s32 @!p0 $0x1BF5;
	p2 =	por !p2, p0  }
0x20: {  	[sflag:s8] =	ssyncset.s32 @!p0 $0xFFFFF086;
	s6 =	sadd.s32 @!p0 s3, s7;
	s7 =	simm.s32 @!p0 $0x108  }
0x21: {  	s3 =	sadd.s32 s3, s9;
	s6 =	sadd.s32 @!p0 $0x88, s6;
	s7 =	simm.s32 @p2 $0x1082  }
0x22: {  	[simem:s7], [sflag:s8] =	dma.local @!p0 [hbm:s6], $0xF7A  }
0x23: {  	s9 =	sor.u32 $0xD0000000, s2;
	s6 =	simm.s32 $0x108;
	_ =	swait.ge @!p0 [sflag:s8], $0x0  }
0x24: {  	s3 =	sadd.s32 $0x88, s3;
	s6 =	simm.s32 @!p1 $0x1082;
	[sflag:s4] =	ssyncset.s32 $0xFFFFF086  }
0x25: {  	[simem:s6], [sflag:s4] =	dma.local [hbm:s3], $0xF7A  }
0x26: {  	[smem:$0x3F99] =	sst s1;
	(tag) =	ssettag s2;
	_ =	strace s9  }
0x27: {  	s1 =	sld [smem:$0x3FA9]  }
0x28: {  	s2 =	sld [smem:$0x3FAA]  }
0x29: {  	s4 =	sld [smem:$0x3FAC]  }
0x2a: {  	p0 =	seq.s32 s5, $0x0;
	s5 =	sld [smem:$0x3FAD]  }
0x2b: {  	s6 =	sld [smem:$0x3FAE]  }
0x2c: {  	s7 =	sld [smem:$0x3FAF]  }
0x2d: {  	s3 =	simm.s32 $0x108;
	s8 =	sld [smem:$0x3FB0]  }
0x2e: {  	s3 =	simm.s32 @!p0 $0x1082;
	s9 =	sld [smem:$0x3FB1]  }
0x2f: {  	lr =	sadd.s32 s0, s3;
	s0 =	sld [smem:$0x3FA8]  }
0x30: {  	s3 =	sld [smem:$0x3FAB]  }
0x31: {  	[smem:$0x3FB4] =	sst s10  }
0x32: {  	s10 =	sld [smem:$0x3FB2];
	_ =	sdelay $0x3  }
0x33: {  	p0 =	seq.s32 s10, $0x1;
	s10 =	sld [smem:$0x3FB4];
	_ =	sdelay $0x3  }
0x34: {  	[smem:$0x3FB4] =	sst s10  }
0x35: {  	s10 =	sld [smem:$0x3FB3];
	_ =	sdelay $0x3  }
0x36: {  	p1 =	seq.s32 s10, $0x1;
	s10 =	sld [smem:$0x3FB4];
	_ =	sdelay $0x3  }
0x37: {  	[smem:$0x3FB4] =	sst s10  }
0x38: {  	s10 =	sld [smem:$0x3FB5]  }
0x39: {  	_ = 	snop;
	(pc) =	sbr.ind lr, $3  }
0x3a: {  	_ = 	snop  }
0x3b: {  	_ = 	snop  }
0x3c: {  	p2 =	seq.s32 s10, $0x1;
	s10 =	sld [smem:$0x3FB4]  }
0x3d: {  	_ =	shalt  }
0x3e: {  	_ =	shalt  }
0x3f: {  	_ =	shalt  }
0x40: {  	_ =	shalt  }
0x41: {  	_ =	shalt  }
0x42: {  	_ =	shalt  }
0x43: {  	_ =	shalt  }
0x44: {  	_ =	shalt  }
0x45: {  	_ =	shalt  }
0x46: {  	_ =	shalt  }
0x47: {  	_ =	shalt  }
0x48: {  	_ =	shalt  }
0x49: {  	_ =	shalt  }
0x4a: {  	_ =	shalt  }
0x4b: {  	_ =	shalt  }
0x4c: {  	_ =	shalt  }
0x4d: {  	_ =	shalt  }
0x4e: {  	_ =	shalt  }
0x4f: {  	_ =	shalt  }
0x50: {  	_ =	shalt  }
0x51: {  	_ =	shalt  }
0x52: {  	_ =	shalt  }
0x53: {  	_ =	shalt  }
0x54: {  	_ =	shalt  }
0x55: {  	_ =	shalt  }
0x56: {  	_ =	shalt  }
0x57: {  	_ =	shalt  }
0x58: {  	_ =	shalt  }
0x59: {  	_ =	shalt  }
0x5a: {  	_ =	shalt  }
0x5b: {  	_ =	shalt  }
0x5c: {  	_ =	shalt  }
0x5d: {  	_ =	shalt  }
0x5e: {  	_ =	shalt  }
0x5f: {  	_ =	shalt  }
0x60: {  	_ =	shalt  }
0x61: {  	_ =	shalt  }
0x62: {  	_ =	shalt  }
0x63: {  	_ =	shalt  }
0x64: {  	_ =	shalt  }
0x65: {  	_ =	shalt  }
0x66: {  	_ =	shalt  }
0x67: {  	_ =	shalt  }
0x68: {  	_ =	shalt  }
0x69: {  	_ =	shalt  }
0x6a: {  	_ =	shalt  }
0x6b: {  	_ =	shalt  }
0x6c: {  	_ =	shalt  }
0x6d: {  	_ =	shalt  }
0x6e: {  	_ =	shalt  }
0x6f: {  	_ =	shalt  }
0x70: {  	_ =	shalt  }
0x71: {  	_ =	shalt  }
0x72: {  	_ =	shalt  }
0x73: {  	_ =	shalt  }
0x74: {  	_ =	shalt  }
0x75: {  	_ =	shalt  }
0x76: {  	_ =	shalt  }
0x77: {  	_ =	shalt  }
0x78: {  	_ =	shalt  }
0x79: {  	_ =	shalt  }
0x7a: {  	_ =	shalt  }
0x7b: {  	_ =	shalt  }
0x7c: {  	_ =	shalt  }
0x7d: {  	_ =	shalt  }
0x7e: {  	_ =	shalt  }
0x7f: {  	_ =	shalt  }
0x80: {  	_ =	shalt  }
0x81: {  	_ =	shalt  }
0x82: {  	_ =	shalt  }
0x83: {  	_ =	shalt  }
0x84: {  	_ =	shalt  }
0x85: {  	_ =	shalt  }
0x86: {  	_ =	shalt  }
0x87: {  	_ =	shalt  }
.Lfunc_end0:
.L_simem_size_0:
called_computation.1_lowered:
.L_overlay_start_0:
0x88: {  	s2 =	sld [smem:$0x3FD9]  }
0x89: {  	s3 =	sld [smem:$0x3FFE];
	_ =	sdelay $0x1  }
0x8a: {  	s1 =	srdreg.scid  }
0x8b: {  	s0 =	sand.u32 $0x1, s1  }
0x8c: {  	s16 =	sshll.u32 s0, $0xA;
	s2 =	sadd.s32 s3, s2  }
0x8d: {  	s2 =	sadd.s32 s2, s16  }
0x8e: {  	[smem:$0x3FC0] =	sst s2  }
0x8f: {  	_ = 	snop  }
0x90: {  	(tm) =	ssettm $0x1  }
0x91: {  	s17 =	sld [smem:$0x3FFB];
	_ =	sdelay $0x3  }
0x92: {  	_ =	strace s17  }
0x93: {  	s2 =	sld [smem:$0x3FFC];
	_ =	sdelay $0x3  }
0x94: {  	_ =	strace s2  }
0x95: {  	s2 =	sld [smem:$0x3FFD];
	_ =	sdelay $0x3  }
0x96: {  	_ =	strace s2  }
0x97: {  	_ =	strace $0x8FFFFFFF  }
0x98: {  	s18 =	sld [smem:$0x3FDB];
	_ =	sdelay $0x1  }
0x99: {  	s19 =	simm.s32 $_scs_section_size  }
0x9a: {  	s4 =	simm.s32 $_size__tile_overlayer_lowered;
	s5 =	simm.s32 $_tile_overlayer_lowered  }
0x9b: {  	s22 =	simm.s32 $0x1BFF;
	s21 =	sshll.u32 s5, $0x1;
	s2 =	sadd.s32 s19, s18  }
0x9c: {  	s6 =	simm.s32 $0x0;
	s20 =	sshll.u32 s4, $0x1;
	s4 =	sadd.s32 s21, s2  }
0x9d: {  	[timem:s6], [sflag:s22] =	dma.local [hbm:s4], s20  }
0x9e: {  	_ =	swait.ge [sflag:s22], s20  }
0x9f: {  	s3 =	ssub.s32 $0x0, s20;
	[sflag:s22] =	ssyncset.done $0x0  }
0xa0: {  	[sflag:s22] =	ssyncadd.s32 s3;
	_ =	sdelay $0x1  }
0xa1: {  	s23 =	simm.s32 $0x1B8B  }
0xa2: {  	_ =	swait.ge [sflag:s23], $0x1  }
0xa3: {  	[sflag:s23] =	ssyncset.done $0x0  }
0xa4: {  	s25 =	simm.s32 $0x1B8E;
	s24 =	sld [smem:$0x3FFE];
	[sflag:s23] =	ssyncadd.s32 $0xFFFFFFFF  }
0xa5: {  	s26 =	simm.s32 $execute0_lowered;
	[smem:$0x3FD2] =	sst s25  }
0xa6: {  	s4 =	sshll.u32 s26, $0x1;
	_ =	strace $0x80000049;
	[dreg:$0x1] =	wrdreg $0xFFFFFFFF  }
0xa7: {  	s28 =	simm.s32 $_size_execute0_lowered;
	s2 =	sadd.s32 s2, s4;
	[dreg:$0x0] =	wrdreg $0x0  }
0xa8: {  	s4 =	sshll.u32 s28, $0x1;
	[dreg:$0x2] =	wrdreg s2  }
0xa9: {  	[dreg:$0x3] =	wrdreg s4  }
0xaa: {  	[dreg:$0x4] =	wrdreg $0xC0  }
0xab: {  	_ =	task [dreg:s6], $0x5FFFF  }
0xac: {  	[dreg:$0x1] =	wrdreg $0xFFFFFFFF  }
0xad: {  	[dreg:$0x0] =	wrdreg $0x60  }
0xae: {  	[dreg:$0x2] =	wrdreg s24  }
0xaf: {  	[dreg:$0x3] =	wrdreg $0xAC000  }
0xb0: {  	[dreg:$0x4] =	wrdreg $0x9  }
0xb1: {  	_ =	task.clear_ibuf [dreg:s6], $0x5FFFF;
	_ =	strace $0x90000049  }
0xb2: {  	s29 =	simm.s32 $0x9;
	_ =	strace $0x8000004B  }
0xb3: {  	_ =	swait.ge [sflag:s29], $0x1  }
0xb4: {  	[sflag:s29] =	ssyncadd.s32 $0xFFFFFFFF  }
0xb5: {  	_ =	strace $0x9000004B  }
0xb6: {  	_ =	sfence  }
0xb7: {  	s30 =	sld [smem:$0x0];
	_ =	sdelay $0x2  }
0xb8: {  	s31 =	sshll.u32 s1, $0xD;
	s1 =	sshrl.u32 s1, $0x2  }
0xb9: {  	s3 =	sand.u32 $0x4000, s31;
	s1 =	sadd.s32 s1, s30  }
0xba: {  	s0 =	sor.u32 s3, s0;
	s1 =	sshll.u32 s1, $0x11  }
0xbb: {  	s0 =	sor.u32 s1, s0  }
0xbc: {  	s0 =	sadd.s32 $0x8F2B, s0  }
0xbd: {  	[sflag:s0] =	ssyncadd.remote.s32 $0x1  }
0xbe: {  	_ =	sfence.sel $0xFFFF  }
0xbf: {  	[dreg:$0x0] =	wrdreg $0xFFFFFFFF;
	(pc) =	sbr.abs _section_cstart, $3  }
0xc0: {  	[dreg:$0x1] =	wrdreg $0xFFFFFFFF  }
0xc1: {  	_ =	task.clear_ibuf [dreg:s6], $0x2FFFF;
	_ =	strace $0x9FFFFFFF  }
0xc2: {  	(tm) =	ssettm $0x7FFFFFFF  }
0xc3: {  	_ =	shalt  }
tec
execute0_lowered:
.L_overlay_start_1:
0x0: {  	(tag) =	ssettag $0x1  }
0x1: {  	s0 =	rddreg [dreg:$0x0]  }
0x2: {  	s1 =	srdreg.scid;
	s2 =	rddreg [dreg:$0x1]  }
0x3: {  	s9 =	stileid.u32;
	s3 =	simm.s32 $0x0;
	s12 =	simm.s32 $0xA800  }
0x4: {  	s13 =	simm.s32 $0x6;
	s14 =	simm.s32 $0x50;
	s15 =	simm.s32 $0x800  }
0x5: {  	s16 =	simm.s32 $0x100;
	s17 =	simm.s32 $0x3000;
	s18 =	simm.s32 $0x200  }
0x6: {  	s19 =	simm.s32 $0x1;
	s21 =	simm.s32 $0x5;
	s22 =	simm.s32 $0x5800  }
0x7: {  	s23 =	simm.s32 $0x300;
	s24 =	simm.s32 $0x2;
	s28 =	simm.s32 $0x400  }
0x8: {  	s29 =	simm.s32 $0x3;
	s31 =	simm.s32 $0x500;
	s20 =	simm.s32 $0x780  }
0x9: {  	s1 =	sand.u32 $0x1, s1;
	s5 =	smul.u32 $0x13C00, s9;
	[smem:$0x7FF] =	sst s3  }
0xa: {  	s7 =	sadd.s32 $0xDA00, s0;
	s6 =	smul.u32 $0x4F000, s9;
	s9 =	sshll.u32 s9, $0xC  }
0xb: {  	s4 =	smul.u32 $0x13C000, s1;
	s8 =	sshll.u32 s1, $0x10;
	s1 =	ssub.s32 $0x2, s1  }
0xc: {  	_ =	strace $0x8000004A;
	s25 =	sor.u32 s9, s8;
	s10 =	sshrl.u32 s1, $0x1  }
0xd: {  	s6 =	sshrl.u32 s6, $0x2;
	s30 =	sadd.s32 s8, s7;
	s8 =	simm.s32 $0x0  }
0xe: {  	s5 =	sadd.s32 s5, s4;
	s4 =	sadd.s32 $0x2DA00, s0;
	s1 =	ssub.s32 s1, s10  }
0xf: {  	s6 =	sadd.s32 s6, s2;
	s5 =	sshrl.u32 s5, $0x3;
	s1 =	smax.u32 s1, $0x1  }
0x10: {  	s0 =	sadd.s32 s5, s0;
	s5 =	sadd.s32 s7, s25;
	[dreg:$0x7] =	wrdreg s1  }
.Ltmp0:
0x11: {  	s26 =	sadd.s32 $0x20, s5;
	[dreg:$0x3] =	wrdreg s5;
	(pc) =	sbr.rel .LBB2_1-.Ltmp0, $4  }
0x12: {  	s11 =	sadd.s32 s9, s30;
	s5 =	sadd.s32 $0x40, s5;
	[dreg:$0x4] =	wrdreg s26  }
0x13: {  	s9 =	simm.s32 $0x700;
	s0 =	sadd.s32 $0x55200, s0;
	[dreg:$0x5] =	wrdreg s5  }
0x14: {  	s10 =	simm.s32 $0x580;
	s7 =	simm.s32 $0x600;
	[dreg:$0x6] =	wrdreg s0  }
0x15: {  	v0 =	vimm.f32 $0.0e+00;
	s26 =	simm.s32 $0x8000;
	s0 =	simm.s32 $0x4;
	s5 =	simm.s32 $0x680  }
.LBB2_5:
0x16: {  	_ =	swait.ge [sflag:s24], $0x2800  }
0x17: {  	[sflag:s24] =	ssyncset.done $0x0  }
0x18: {  	[sflag:s24] =	ssyncadd.s32 $0xFFFFD800  }
0x19: {  	_ =	swait.ge [sflag:s0], $0x2800  }
0x1a: {  	[sflag:s0] =	ssyncset.done $0x0  }
0x1b: {  	[sflag:s0] =	ssyncadd.s32 $0xFFFFD800  }
0x1c: {  	[spmem:s2] =	stream.indirect.scatter.add.f32 [tilespmem:s26], [sflag:$0x4], $0x80, s20, s14, $0xb8;
	[tilespmem:$0x1E800] =	vst v63  }
.LBB2_7:
0x1d: {  	_ =	swait.ge [sflag:s29], $0x2800  }
0x1e: {  	[sflag:s29] =	ssyncset.done $0x0  }
0x1f: {  	[sflag:s29] =	ssyncadd.s32 $0xFFFFD800  }
0x20: {  	_ =	swait.ge [sflag:s0], $0x2800  }
0x21: {  	[sflag:s0] =	ssyncset.done $0x0  }
0x22: {  	s1 =	stileid.u32;
	[sflag:s0] =	ssyncadd.s32 $0xFFFFD800  }
0x23: {  	s1 =	sshll.u32 s1, $0x6;
	[bflag:$0x0] =	sbarrier.arrive $0xFFFF  }
0x24: {  	s8 =	sshrl.u32 s6, $0x3;
	s1 =	sor.u32 $0x1C06, s1;
	s25 =	rddreg [dreg:$0x6]  }
0x25: {  	[hbm:s25], [sflag:s1] =	dma.local [spmem:s8], $0x2780  }
0x26: {  	_ =	swait.ge [sflag:s13], $0x2780  }
0x27: {  	s25 =	rddreg [dreg:$0x8]  }
0x28: {  	s30 =	rddreg [dreg:$0x7];
	s8 =	sadd.s32 $0x1, s25  }
0x29: {  	p0 =	sne.s32 s8, s30  }
.Ltmp1:
0x2a: {  	_ = 	snop;
	(pc) =	sbr.rel @!p0 .LBB2_8-.Ltmp1, $3  }
0x2b: {  	_ =	sdelay $0x1  }
0x2c: {  	[sflag:s13] =	ssyncset.done $0x0  }
0x2d: {  	[sflag:s13] =	ssyncadd.s32 $0xFFFFD880  }
.LBB2_1:
0x2e: {  	[tilespmem:$0xA800] =	vst v0  }
0x2f: {  	[tilespmem:$0xA810] =	vst v0  }
0x30: {  	[tilespmem:$0xA820] =	vst v0  }
0x31: {  	[tilespmem:$0xA830] =	vst v0  }
0x32: {  	[tilespmem:$0xA840] =	vst v0  }
0x33: {  	[tilespmem:$0xA850] =	vst v0  }
0x34: {  	[tilespmem:$0xA860] =	vst v0  }
0x35: {  	[tilespmem:$0xA870] =	vst v0  }
0x36: {  	[tilespmem:$0xA880] =	vst v0  }
0x37: {  	[tilespmem:$0xA890] =	vst v0  }
0x38: {  	[tilespmem:$0xA8A0] =	vst v0  }
0x39: {  	[tilespmem:$0xA8B0] =	vst v0  }
0x3a: {  	[tilespmem:$0xA8C0] =	vst v0  }
0x3b: {  	[tilespmem:$0xA8D0] =	vst v0  }
0x3c: {  	[tilespmem:$0xA8E0] =	vst v0  }
0x3d: {  	[tilespmem:$0xA8F0] =	vst v0  }
0x3e: {  	[tilespmem:$0xA900] =	vst v0  }
0x3f: {  	[tilespmem:$0xA910] =	vst v0  }
0x40: {  	[tilespmem:$0xA920] =	vst v0  }
0x41: {  	[tilespmem:$0xA930] =	vst v0  }
0x42: {  	[tilespmem:$0xA940] =	vst v0  }
0x43: {  	[tilespmem:$0xA950] =	vst v0  }
0x44: {  	[tilespmem:$0xA960] =	vst v0  }
0x45: {  	[tilespmem:$0xA970] =	vst v0  }
0x46: {  	[tilespmem:$0xA980] =	vst v0  }
0x47: {  	[tilespmem:$0xA990] =	vst v0  }
0x48: {  	[tilespmem:$0xA9A0] =	vst v0  }
0x49: {  	[tilespmem:$0xA9B0] =	vst v0  }
0x4a: {  	[tilespmem:$0xA9C0] =	vst v0  }
0x4b: {  	[tilespmem:$0xA9D0] =	vst v0  }
0x4c: {  	[tilespmem:$0xA9E0] =	vst v0  }
0x4d: {  	[tilespmem:$0xA9F0] =	vst v0  }
0x4e: {  	[tilespmem:$0xAA00] =	vst v0  }
0x4f: {  	[tilespmem:$0xAA10] =	vst v0  }
0x50: {  	[tilespmem:$0xAA20] =	vst v0  }
0x51: {  	[tilespmem:$0xAA30] =	vst v0  }
0x52: {  	[tilespmem:$0xAA40] =	vst v0  }
0x53: {  	[tilespmem:$0xAA50] =	vst v0  }
0x54: {  	[tilespmem:$0xAA60] =	vst v0  }
0x55: {  	[tilespmem:$0xAA70] =	vst v0  }
0x56: {  	[tilespmem:$0xAA80] =	vst v0  }
0x57: {  	[tilespmem:$0xAA90] =	vst v0  }
0x58: {  	[tilespmem:$0xAAA0] =	vst v0  }
0x59: {  	[tilespmem:$0xAAB0] =	vst v0  }
0x5a: {  	[tilespmem:$0xAAC0] =	vst v0  }
0x5b: {  	[tilespmem:$0xAAD0] =	vst v0  }
0x5c: {  	[tilespmem:$0xAAE0] =	vst v0  }
0x5d: {  	[tilespmem:$0xAAF0] =	vst v0  }
0x5e: {  	[tilespmem:$0xAB00] =	vst v0  }
0x5f: {  	[tilespmem:$0xAB10] =	vst v0  }
0x60: {  	[tilespmem:$0xAB20] =	vst v0  }
0x61: {  	[tilespmem:$0xAB30] =	vst v0  }
0x62: {  	[tilespmem:$0xAB40] =	vst v0  }
0x63: {  	[tilespmem:$0xAB50] =	vst v0  }
0x64: {  	[tilespmem:$0xAB60] =	vst v0  }
0x65: {  	[tilespmem:$0xAB70] =	vst v0  }
0x66: {  	[tilespmem:$0xAB80] =	vst v0  }
0x67: {  	[tilespmem:$0xAB90] =	vst v0  }
0x68: {  	[tilespmem:$0xABA0] =	vst v0  }
0x69: {  	[tilespmem:$0xABB0] =	vst v0  }
0x6a: {  	[tilespmem:$0xABC0] =	vst v0  }
0x6b: {  	[tilespmem:$0xABD0] =	vst v0  }
0x6c: {  	[tilespmem:$0xABE0] =	vst v0  }
0x6d: {  	[tilespmem:$0xABF0] =	vst v0;
	s25 =	sadd.s32 $0x0, s6  }
0x6e: {  	[spmem:s25] =	stream.linear.scatter [tilespmem:s12], [sflag:$0x6], $0x400, $0x38;
	[tilespmem:$0x1E800] =	vst v63  }
0x6f: {  	s25 =	simm.s32 $0x1000;
	_ =	swait.ge [sflag:s13], $0x400  }
.LBB2_2:
0x70: {  	s30 =	sshra.s32 s25, $0x2;
	[sflag:s13] =	ssyncset.done $0x0;
	p0 =	sne.s32 s25, $0x4E000  }
.Ltmp2:
0x71: {  	s30 =	sadd.s32 s30, s6;
	[sflag:s13] =	ssyncadd.s32 $0xFFFFFC00;
	(pc) =	sbr.rel @p0 .LBB2_2-.Ltmp2, $3  }
0x72: {  	[spmem:s30] =	stream.linear.scatter [tilespmem:s12], [sflag:$0x6], $0x400, $0x38;
	[tilespmem:$0x1E800] =	vst v63  }
0x73: {  	s25 =	sadd.s32 $0x1000, s25;
	_ =	sdelay $0x1  }
0x74: {  	_ =	swait.ge [sflag:s13], $0x400  }
0x75: {  	[sflag:s13] =	ssyncset.done $0x0  }
0x76: {  	[dreg:$0x8] =	wrdreg s8;
	[sflag:s13] =	ssyncadd.s32 $0xFFFFFC00  }
0x77: {  	[bflag:$0x0] =	sbarrier.arrive $0xFFFF  }
0x78: {  	s25 =	simm.s32 $0x0;
	s1 =	rddreg [dreg:$0x3]  }
0x79: {  	[tilespmem:s25], [sflag:$0x6] =	stream.linear.gather [hbm4b:s1+s25], $0x100, $0x38;
	[tilespmem:$0x1E800] =	vst v63  }
0x7a: {  	_ =	swait.ge [sflag:s13], $0x100  }
0x7b: {  	[sflag:s13] =	ssyncset.done $0x0  }
0x7c: {  	[sflag:s13] =	ssyncadd.s32 $0xFFFFFF00  }
0x7d: {  	[tilespmem:s15], [sflag:$0x1] =	stream.indirect.gather [hbm4b:s4+s14], $0x80, s25, s14, $0xb8;
	[tilespmem:$0x1E800] =	vst v63  }
0x7e: {  	s8 =	rddreg [dreg:$0x4]  }
0x7f: {  	[tilespmem:s16], [sflag:$0x6] =	stream.linear.gather [hbm4b:s8+s25], $0x100, $0x38;
	[tilespmem:$0x1E800] =	vst v63  }
0x80: {  	_ =	swait.ge [sflag:s13], $0x100  }
0x81: {  	[sflag:s13] =	ssyncset.done $0x0  }
0x82: {  	[sflag:s13] =	ssyncadd.s32 $0xFFFFFF00  }
0x83: {  	[tilespmem:s17], [sflag:$0x2] =	stream.indirect.gather [hbm4b:s4+s14], $0x80, s16, s14, $0xb8;
	[tilespmem:$0x1E800] =	vst v63  }
0x84: {  	s30 =	rddreg [dreg:$0x5]  }
0x85: {  	[tilespmem:s18], [sflag:$0x5] =	stream.linear.gather [hbm4b:s30+s25], $0x100, $0x38;
	[tilespmem:$0x1E800] =	vst v63  }
.LBB2_4:
0x86: {  	_ =	swait.ge [sflag:s19], $0x2800  }
0x87: {  	p0 =	seq.s32 s25, $0x0;
	[sflag:s19] =	ssyncset.done $0x0  }
0x88: {  	s30 =	simm.s32 @!p0 $0x3;
	[sflag:s19] =	ssyncadd.s32 $0xFFFFD800  }
0x89: {  	_ =	swait.ge @!p0 [sflag:s30], $0x2800  }
0x8a: {  	[sflag:s30] =	ssyncset.done @!p0 $0x0  }
0x8b: {  	s1 =	simm.s32 $0x80;
	[sflag:s30] =	ssyncadd.s32 @!p0 $0xFFFFD800  }
0x8c: {  	[spmem:s2] =	stream.indirect.scatter.add.f32 [tilespmem:s15], [sflag:$0x3], $0x80, s1, s14, $0xb8;
	[tilespmem:$0x1E800] =	vst v63  }
0x8d: {  	_ =	swait.ge [sflag:s21], $0x100  }
0x8e: {  	[sflag:s21] =	ssyncset.done $0x0  }
0x8f: {  	s30 =	sadd.s32 s25, s11;
	[sflag:s21] =	ssyncadd.s32 $0xFFFFFF00  }
0x90: {  	[tilespmem:s22], [sflag:$0x1] =	stream.indirect.gather [hbm4b:s4+s14], $0x80, s18, s14, $0xb8;
	[tilespmem:$0x1E800] =	vst v63  }
0x91: {  	s8 =	sadd.s32 $0x60, s30  }
0x92: {  	[tilespmem:s23], [sflag:$0x5] =	stream.linear.gather [hbm4b:s8+s3], $0x100, $0x38;
	[tilespmem:$0x1E800] =	vst v63  }
0x93: {  	_ =	swait.ge [sflag:s24], $0x2800  }
0x94: {  	[sflag:s24] =	ssyncset.done $0x0  }
0x95: {  	s1 =	simm.s32 @!p0 $0x4;
	[sflag:s24] =	ssyncadd.s32 $0xFFFFD800  }
0x96: {  	_ =	swait.ge @!p0 [sflag:s1], $0x2800  }
0x97: {  	[sflag:s1] =	ssyncset.done @!p0 $0x0  }
0x98: {  	s8 =	simm.s32 $0x180;
	[sflag:s1] =	ssyncadd.s32 @!p0 $0xFFFFD800  }
0x99: {  	[spmem:s2] =	stream.indirect.scatter.add.f32 [tilespmem:s17], [sflag:$0x4], $0x80, s8, s14, $0xb8;
	[tilespmem:$0x1E800] =	vst v63  }
0x9a: {  	_ =	swait.ge [sflag:s21], $0x100  }
0x9b: {  	[sflag:s21] =	ssyncset.done $0x0  }
0x9c: {  	[sflag:s21] =	ssyncadd.s32 $0xFFFFFF00  }
0x9d: {  	[tilespmem:s26], [sflag:$0x2] =	stream.indirect.gather [hbm4b:s4+s14], $0x80, s23, s14, $0xb8;
	[tilespmem:$0x1E800] =	vst v63  }
0x9e: {  	s8 =	sadd.s32 $0x80, s30  }
0x9f: {  	[tilespmem:s28], [sflag:$0x5] =	stream.linear.gather [hbm4b:s8+s3], $0x100, $0x38;
	[tilespmem:$0x1E800] =	vst v63  }
0xa0: {  	_ =	swait.ge [sflag:s19], $0x2800  }
0xa1: {  	[sflag:s19] =	ssyncset.done $0x0  }
0xa2: {  	[sflag:s19] =	ssyncadd.s32 $0xFFFFD800  }
0xa3: {  	_ =	swait.ge [sflag:s29], $0x2800  }
0xa4: {  	[sflag:s29] =	ssyncset.done $0x0  }
0xa5: {  	s8 =	simm.s32 $0x280;
	[sflag:s29] =	ssyncadd.s32 $0xFFFFD800  }
0xa6: {  	[spmem:s2] =	stream.indirect.scatter.add.f32 [tilespmem:s22], [sflag:$0x3], $0x80, s8, s14, $0xb8;
	[tilespmem:$0x1E800] =	vst v63  }
0xa7: {  	_ =	swait.ge [sflag:s21], $0x100  }
0xa8: {  	[sflag:s21] =	ssyncset.done $0x0  }
0xa9: {  	[sflag:s21] =	ssyncadd.s32 $0xFFFFFF00  }
0xaa: {  	[tilespmem:s15], [sflag:$0x1] =	stream.indirect.gather [hbm4b:s4+s14], $0x80, s28, s14, $0xb8;
	[tilespmem:$0x1E800] =	vst v63  }
0xab: {  	s8 =	sadd.s32 $0xA0, s30  }
0xac: {  	[tilespmem:s31], [sflag:$0x5] =	stream.linear.gather [hbm4b:s8+s3], $0x100, $0x38;
	[tilespmem:$0x1E800] =	vst v63  }
0xad: {  	_ =	swait.ge [sflag:s24], $0x2800  }
0xae: {  	[sflag:s24] =	ssyncset.done $0x0  }
0xaf: {  	[sflag:s24] =	ssyncadd.s32 $0xFFFFD800  }
0xb0: {  	_ =	swait.ge [sflag:s0], $0x2800  }
0xb1: {  	[sflag:s0] =	ssyncset.done $0x0  }
0xb2: {  	s8 =	simm.s32 $0x380;
	[sflag:s0] =	ssyncadd.s32 $0xFFFFD800  }
0xb3: {  	[spmem:s2] =	stream.indirect.scatter.add.f32 [tilespmem:s26], [sflag:$0x4], $0x80, s8, s14, $0xb8;
	[tilespmem:$0x1E800] =	vst v63  }
0xb4: {  	_ =	swait.ge [sflag:s21], $0x100  }
0xb5: {  	[sflag:s21] =	ssyncset.done $0x0  }
0xb6: {  	[sflag:s21] =	ssyncadd.s32 $0xFFFFFF00  }
0xb7: {  	[tilespmem:s17], [sflag:$0x2] =	stream.indirect.gather [hbm4b:s4+s14], $0x80, s31, s14, $0xb8;
	[tilespmem:$0x1E800] =	vst v63  }
0xb8: {  	s8 =	sadd.s32 $0xC0, s30  }
0xb9: {  	[tilespmem:s7], [sflag:$0x5] =	stream.linear.gather [hbm4b:s8+s3], $0x100, $0x38;
	[tilespmem:$0x1E800] =	vst v63  }
0xba: {  	_ =	swait.ge [sflag:s19], $0x2800  }
0xbb: {  	[sflag:s19] =	ssyncset.done $0x0  }
0xbc: {  	[sflag:s19] =	ssyncadd.s32 $0xFFFFD800  }
0xbd: {  	_ =	swait.ge [sflag:s29], $0x2800  }
0xbe: {  	[sflag:s29] =	ssyncset.done $0x0  }
0xbf: {  	s8 =	simm.s32 $0x480;
	[sflag:s29] =	ssyncadd.s32 $0xFFFFD800  }
0xc0: {  	[spmem:s2] =	stream.indirect.scatter.add.f32 [tilespmem:s15], [sflag:$0x3], $0x80, s8, s14, $0xb8;
	[tilespmem:$0x1E800] =	vst v63  }
0xc1: {  	_ =	swait.ge [sflag:s21], $0x100  }
0xc2: {  	[sflag:s21] =	ssyncset.done $0x0  }
0xc3: {  	[sflag:s21] =	ssyncadd.s32 $0xFFFFFF00  }
0xc4: {  	[tilespmem:s22], [sflag:$0x1] =	stream.indirect.gather [hbm4b:s4+s14], $0x80, s7, s14, $0xb8;
	[tilespmem:$0x1E800] =	vst v63  }
0xc5: {  	s8 =	sadd.s32 $0xE0, s30  }
0xc6: {  	[tilespmem:s9], [sflag:$0x5] =	stream.linear.gather [hbm4b:s8+s3], $0x100, $0x38;
	[tilespmem:$0x1E800] =	vst v63  }
0xc7: {  	_ =	swait.ge [sflag:s24], $0x2800  }
0xc8: {  	[sflag:s24] =	ssyncset.done $0x0  }
0xc9: {  	[sflag:s24] =	ssyncadd.s32 $0xFFFFD800  }
0xca: {  	_ =	swait.ge [sflag:s0], $0x2800  }
0xcb: {  	p0 =	seq.s32 s25, $0xF00;
	[sflag:s0] =	ssyncset.done $0x0  }
0xcc: {  	s1 =	sadd.s32 @!p0 s25, s11;
	[sflag:s0] =	ssyncadd.s32 $0xFFFFD800  }
0xcd: {  	[spmem:s2] =	stream.indirect.scatter.add.f32 [tilespmem:s17], [sflag:$0x4], $0x80, s10, s14, $0xb8;
	[tilespmem:$0x1E800] =	vst v63  }
0xce: {  	s1 =	sadd.s32 @!p0 $0x100, s1;
	s8 =	simm.s32 @!p0 $0x0  }
0xcf: {  	[tilespmem:s8], [sflag:$0x5] =	stream.linear.gather @!p0 [hbm4b:s1+s8], $0x100, $0x38;
	[tilespmem:$0x1E800] =	vst v63  }
0xd0: {  	_ =	swait.ge [sflag:s21], $0x100  }
0xd1: {  	[sflag:s21] =	ssyncset.done $0x0  }
0xd2: {  	[sflag:s21] =	ssyncadd.s32 $0xFFFFFF00  }
0xd3: {  	[tilespmem:s26], [sflag:$0x2] =	stream.indirect.gather [hbm4b:s4+s14], $0x80, s9, s14, $0xb8;
	[tilespmem:$0x1E800] =	vst v63  }
0xd4: {  	_ =	swait.ge [sflag:s19], $0x2800  }
0xd5: {  	p0 =	sne.s32 s25, $0xF00;
	[sflag:s19] =	ssyncset.done $0x0  }
.Ltmp3:
0xd6: {  	[sflag:s19] =	ssyncadd.s32 $0xFFFFD800;
	(pc) =	sbr.rel @!p0 .LBB2_5-.Ltmp3, $4  }
0xd7: {  	_ =	swait.ge [sflag:s29], $0x2800  }
0xd8: {  	[sflag:s29] =	ssyncset.done $0x0  }
0xd9: {  	[sflag:s29] =	ssyncadd.s32 $0xFFFFD800  }
0xda: {  	[spmem:s2] =	stream.indirect.scatter.add.f32 [tilespmem:s22], [sflag:$0x3], $0x80, s5, s14, $0xb8;
	[tilespmem:$0x1E800] =	vst v63  }
0xdb: {  	_ =	swait.ge [sflag:s21], $0x100  }
0xdc: {  	[sflag:s21] =	ssyncset.done $0x0  }
0xdd: {  	[sflag:s21] =	ssyncadd.s32 $0xFFFFFF00  }
0xde: {  	[tilespmem:s15], [sflag:$0x1] =	stream.indirect.gather [hbm4b:s4+s14], $0x80, s3, s14, $0xb8;
	[tilespmem:$0x1E800] =	vst v63  }
0xdf: {  	s1 =	sadd.s32 $0x120, s30  }
0xe0: {  	[tilespmem:s16], [sflag:$0x5] =	stream.linear.gather [hbm4b:s1+s3], $0x100, $0x38;
	[tilespmem:$0x1E800] =	vst v63  }
0xe1: {  	_ =	swait.ge [sflag:s24], $0x2800  }
0xe2: {  	[sflag:s24] =	ssyncset.done $0x0  }
0xe3: {  	[sflag:s24] =	ssyncadd.s32 $0xFFFFD800  }
0xe4: {  	_ =	swait.ge [sflag:s0], $0x2800  }
0xe5: {  	[sflag:s0] =	ssyncset.done $0x0  }
0xe6: {  	s25 =	sadd.s32 $0x100, s25;
	[sflag:s0] =	ssyncadd.s32 $0xFFFFD800  }
0xe7: {  	[spmem:s2] =	stream.indirect.scatter.add.f32 [tilespmem:s26], [sflag:$0x4], $0x80, s20, s14, $0xb8;
	[tilespmem:$0x1E800] =	vst v63  }
0xe8: {  	p0 =	sne.s32 s25, $0x1000;
	_ =	swait.ge [sflag:s21], $0x100  }
.Ltmp4:
0xe9: {  	[sflag:s21] =	ssyncset.done $0x0;
	(pc) =	sbr.rel @p0 .LBB2_4-.Ltmp4, $4  }
.Ltmp5:
0xea: {  	[sflag:s21] =	ssyncadd.s32 $0xFFFFFF00;
	(pc) =	sbr.rel @!p0 .LBB2_7-.Ltmp5, $4  }
0xeb: {  	[tilespmem:s17], [sflag:$0x2] =	stream.indirect.gather [hbm4b:s4+s14], $0x80, s16, s14, $0xb8;
	[tilespmem:$0x1E800] =	vst v63  }
0xec: {  	s30 =	sadd.s32 $0x140, s30  }
0xed: {  	[tilespmem:s18], [sflag:$0x5] =	stream.linear.gather [hbm4b:s30+s3], $0x100, $0x38;
	[tilespmem:$0x1E800] =	vst v63  }
0xee: {  	_ = 	snop  }
.LBB2_8:
0xef: {  	_ =	sfence.sel $0x180000  }
0xf0: {  	[bflag:$0x0] =	sbarrier.arrive $0xFFFF  }
0xf1: {  	_ =	strace $0x9000004A  }
0xf2: {  	s0 =	stileid.u32;
	[bflag:$0x2] =	sbarrier.arrive $0xFFFF  }
0xf3: {  	p0 =	sne.s32 s0, $0x0;
	s0 =	rddreg [dreg:$0x2]  }
0xf4: {  	s0 =	sadd.s32 @!p0 $0x100000, s0  }
0xf5: {  	[sflag:s0] =	ssyncadd.tile.s32 @!p0 $0x1;
	_ =	shalt  }
.Lfunc_end2:
_tile_overlayer_lowered:
.L_overlay_start_2:
0xf6: {  	(tag) =	ssettag $0x2  }
0xf7: {  	s0 =	rddreg [dreg:$0x0];
	s2 =	stileid.u32  }
0xf8: {  	s1 =	rddreg [dreg:$0x1];
	p0 =	sne.s32 s2, $0x0  }
0xf9: {  	s3 =	rddreg [dreg:$0x2];
	[bflag:$0x3] =	sbarrier.arrive $0xFFFF;
	s2 =	simm.s32 @!p0 $0x1C06  }
0xfa: {  	[timem:s3], [sflag:s2] =	dma.local @!p0 [hbm:s0], s1  }
0xfb: {  	s0 =	simm.s32 @!p0 $0x6  }
0xfc: {  	_ =	swait.ge @!p0 [sflag:s0], s1  }
0xfd: {  	s1 =	ssub.s32 @!p0 $0x0, s1;
	[sflag:s0] =	ssyncset.done @!p0 $0x0  }
0xfe: {  	[sflag:s0] =	ssyncadd.s32 @!p0 s1  }
0xff: {  	[bflag:$0x3] =	sbarrier.arrive $0xFFFF  }
0x100: {  	_ =	shalt  }

// kernel: kernel.14.cloned.1.call-start
scs
__scs_entry_jumppad:
0x0: {  	(pc) =	sbr.rel $0x88, $3  }
0x1: {  	(tag) =	ssettag $0x0;
	lr =	simm.s32 $0x1  }
0x2: {  	[smem:$0x3F99] =	sst lr;
	_ =	strace $0xD0000000  }
0x3: {  	_ = 	snop  }
0x4: {  	_ = 	snop  }
0x5: {  	_ = 	snop  }
0x6: {  	_ = 	snop  }
0x7: {  	_ = 	snop  }
__scs_overlays_trampoline_lowered:
0x8: {  	[smem:$0x3FA8] =	sst s0  }
0x9: {  	[smem:$0x3FA9] =	sst s1  }
0xa: {  	[smem:$0x3FAA] =	sst s2  }
0xb: {  	[smem:$0x3FAB] =	sst s3  }
0xc: {  	[smem:$0x3FAC] =	sst s4  }
0xd: {  	[smem:$0x3FAD] =	sst s5  }
0xe: {  	[smem:$0x3FAE] =	sst s6  }
0xf: {  	[smem:$0x3FAF] =	sst s7  }
0x10: {  	[smem:$0x3FB0] =	sst s8  }
0x11: {  	[smem:$0x3FB1] =	sst s9;
	s0 =	simm.s32 @!p0 $0x0  }
0x12: {  	s1 =	sld [smem:$0x3F97];
	s0 =	simm.s32 @p0 $0x1  }
0x13: {  	[smem:$0x3FB2] =	sst s0;
	s0 =	simm.s32 @!p1 $0x0  }
0x14: {  	s2 =	sld [smem:$0x3F96];
	s0 =	simm.s32 @p1 $0x1  }
0x15: {  	[smem:$0x3FB3] =	sst s0;
	s0 =	simm.s32 @!p2 $0x0  }
0x16: {  	s3 =	sld [smem:$0x3FDB];
	s0 =	simm.s32 @p2 $0x1  }
0x17: {  	s4 =	simm.s32 $0x1BF5;
	[smem:$0x3FB5] =	sst s0  }
0x18: {  	s0 =	sld [smem:$0x3F98];
	_ =	swait.ge [sflag:s4], $0x0  }
0x19: {  	s7 =	sld [smem:$0x3F99]  }
0x1a: {  	s8 =	sadd.s32 $0xFFFFE003, lr  }
0x1b: {  	s9 =	sadd.s32 $0xFFFFFEF7, lr;
	s5 =	simm.s32 $0xFFFFFFFF;
	p2 =	slt.u32 s8, $0xFFFFF086  }
0x1c: {  	p1 =	slt.u32 s9, $0xF7A;
	s5 =	simm.s32 @!p2 $0x0  }
0x1d: {  	s5 =	simm.s32 @p1 $0x1;
	p0 =	seq.s32 s7, s2  }
0x1e: {  	s7 =	smul.u32 @!p0 $0xF7A, s2;
	p2 =	seq.s32 @!p0 s5, $0x0  }
0x1f: {  	s9 =	smul.u32 $0xF7A, s1;
	s8 =	simm.s32 @!p0 $0x1BF5;
	p2 =	por !p2, p0  }
0x20: {  	[sflag:s8] =	ssyncset.s32 @!p0 $0xFFFFF086;
	s6 =	sadd.s32 @!p0 s3, s7;
	s7 =	simm.s32 @!p0 $0x108  }
0x21: {  	s3 =	sadd.s32 s3, s9;
	s6 =	sadd.s32 @!p0 $0x88, s6;
	s7 =	simm.s32 @p2 $0x1082  }
0x22: {  	[simem:s7], [sflag:s8] =	dma.local @!p0 [hbm:s6], $0xF7A  }
0x23: {  	s9 =	sor.u32 $0xD0000000, s2;
	s6 =	simm.s32 $0x108;
	_ =	swait.ge @!p0 [sflag:s8], $0x0  }
0x24: {  	s3 =	sadd.s32 $0x88, s3;
	s6 =	simm.s32 @!p1 $0x1082;
	[sflag:s4] =	ssyncset.s32 $0xFFFFF086  }
0x25: {  	[simem:s6], [sflag:s4] =	dma.local [hbm:s3], $0xF7A  }
0x26: {  	[smem:$0x3F99] =	sst s1;
	(tag) =	ssettag s2;
	_ =	strace s9  }
0x27: {  	s1 =	sld [smem:$0x3FA9]  }
0x28: {  	s2 =	sld [smem:$0x3FAA]  }
0x29: {  	s4 =	sld [smem:$0x3FAC]  }
0x2a: {  	p0 =	seq.s32 s5, $0x0;
	s5 =	sld [smem:$0x3FAD]  }
0x2b: {  	s6 =	sld [smem:$0x3FAE]  }
0x2c: {  	s7 =	sld [smem:$0x3FAF]  }
0x2d: {  	s3 =	simm.s32 $0x108;
	s8 =	sld [smem:$0x3FB0]  }
0x2e: {  	s3 =	simm.s32 @!p0 $0x1082;
	s9 =	sld [smem:$0x3FB1]  }
0x2f: {  	lr =	sadd.s32 s0, s3;
	s0 =	sld [smem:$0x3FA8]  }
0x30: {  	s3 =	sld [smem:$0x3FAB]  }
0x31: {  	[smem:$0x3FB4] =	sst s10  }
0x32: {  	s10 =	sld [smem:$0x3FB2];
	_ =	sdelay $0x3  }
0x33: {  	p0 =	seq.s32 s10, $0x1;
	s10 =	sld [smem:$0x3FB4];
	_ =	sdelay $0x3  }
0x34: {  	[smem:$0x3FB4] =	sst s10  }
0x35: {  	s10 =	sld [smem:$0x3FB3];
	_ =	sdelay $0x3  }
0x36: {  	p1 =	seq.s32 s10, $0x1;
	s10 =	sld [smem:$0x3FB4];
	_ =	sdelay $0x3  }
0x37: {  	[smem:$0x3FB4] =	sst s10  }
0x38: {  	s10 =	sld [smem:$0x3FB5]  }
0x39: {  	_ = 	snop;
	(pc) =	sbr.ind lr, $3  }
0x3a: {  	_ = 	snop  }
0x3b: {  	_ = 	snop  }
0x3c: {  	p2 =	seq.s32 s10, $0x1;
	s10 =	sld [smem:$0x3FB4]  }
0x3d: {  	_ =	shalt  }
0x3e: {  	_ =	shalt  }
0x3f: {  	_ =	shalt  }
0x40: {  	_ =	shalt  }
0x41: {  	_ =	shalt  }
0x42: {  	_ =	shalt  }
0x43: {  	_ =	shalt  }
0x44: {  	_ =	shalt  }
0x45: {  	_ =	shalt  }
0x46: {  	_ =	shalt  }
0x47: {  	_ =	shalt  }
0x48: {  	_ =	shalt  }
0x49: {  	_ =	shalt  }
0x4a: {  	_ =	shalt  }
0x4b: {  	_ =	shalt  }
0x4c: {  	_ =	shalt  }
0x4d: {  	_ =	shalt  }
0x4e: {  	_ =	shalt  }
0x4f: {  	_ =	shalt  }
0x50: {  	_ =	shalt  }
0x51: {  	_ =	shalt  }
0x52: {  	_ =	shalt  }
0x53: {  	_ =	shalt  }
0x54: {  	_ =	shalt  }
0x55: {  	_ =	shalt  }
0x56: {  	_ =	shalt  }
0x57: {  	_ =	shalt  }
0x58: {  	_ =	shalt  }
0x59: {  	_ =	shalt  }
0x5a: {  	_ =	shalt  }
0x5b: {  	_ =	shalt  }
0x5c: {  	_ =	shalt  }
0x5d: {  	_ =	shalt  }
0x5e: {  	_ =	shalt  }
0x5f: {  	_ =	shalt  }
0x60: {  	_ =	shalt  }
0x61: {  	_ =	shalt  }
0x62: {  	_ =	shalt  }
0x63: {  	_ =	shalt  }
0x64: {  	_ =	shalt  }
0x65: {  	_ =	shalt  }
0x66: {  	_ =	shalt  }
0x67: {  	_ =	shalt  }
0x68: {  	_ =	shalt  }
0x69: {  	_ =	shalt  }
0x6a: {  	_ =	shalt  }
0x6b: {  	_ =	shalt  }
0x6c: {  	_ =	shalt  }
0x6d: {  	_ =	shalt  }
0x6e: {  	_ =	shalt  }
0x6f: {  	_ =	shalt  }
0x70: {  	_ =	shalt  }
0x71: {  	_ =	shalt  }
0x72: {  	_ =	shalt  }
0x73: {  	_ =	shalt  }
0x74: {  	_ =	shalt  }
0x75: {  	_ =	shalt  }
0x76: {  	_ =	shalt  }
0x77: {  	_ =	shalt  }
0x78: {  	_ =	shalt  }
0x79: {  	_ =	shalt  }
0x7a: {  	_ =	shalt  }
0x7b: {  	_ =	shalt  }
0x7c: {  	_ =	shalt  }
0x7d: {  	_ =	shalt  }
0x7e: {  	_ =	shalt  }
0x7f: {  	_ =	shalt  }
0x80: {  	_ =	shalt  }
0x81: {  	_ =	shalt  }
0x82: {  	_ =	shalt  }
0x83: {  	_ =	shalt  }
0x84: {  	_ =	shalt  }
0x85: {  	_ =	shalt  }
0x86: {  	_ =	shalt  }
0x87: {  	_ =	shalt  }
.Lfunc_end0:
.L_simem_size_0:
called_computation.2_lowered:
.L_overlay_start_0:
0x88: {  	s2 =	sld [smem:$0x3FD9]  }
0x89: {  	s3 =	sld [smem:$0x3FFE];
	_ =	sdelay $0x1  }
0x8a: {  	s1 =	srdreg.scid  }
0x8b: {  	s0 =	sand.u32 $0x1, s1  }
0x8c: {  	s16 =	sshll.u32 s0, $0xA;
	s2 =	sadd.s32 s3, s2  }
0x8d: {  	s2 =	sadd.s32 s2, s16  }
0x8e: {  	[smem:$0x3FC0] =	sst s2  }
0x8f: {  	_ = 	snop  }
0x90: {  	(tm) =	ssettm $0x1  }
0x91: {  	s17 =	sld [smem:$0x3FFB];
	_ =	sdelay $0x3  }
0x92: {  	_ =	strace s17  }
0x93: {  	s2 =	sld [smem:$0x3FFC];
	_ =	sdelay $0x3  }
0x94: {  	_ =	strace s2  }
0x95: {  	s2 =	sld [smem:$0x3FFD];
	_ =	sdelay $0x3  }
0x96: {  	_ =	strace s2  }
0x97: {  	_ =	strace $0x8FFFFFFF  }
0x98: {  	s18 =	sld [smem:$0x3FDB];
	_ =	sdelay $0x1  }
0x99: {  	s19 =	simm.s32 $_scs_section_size  }
0x9a: {  	s4 =	simm.s32 $_size__tile_overlayer_lowered;
	s5 =	simm.s32 $_tile_overlayer_lowered  }
0x9b: {  	s22 =	simm.s32 $0x1BFF;
	s21 =	sshll.u32 s5, $0x1;
	s2 =	sadd.s32 s19, s18  }
0x9c: {  	s6 =	simm.s32 $0x0;
	s20 =	sshll.u32 s4, $0x1;
	s4 =	sadd.s32 s21, s2  }
0x9d: {  	[timem:s6], [sflag:s22] =	dma.local [hbm:s4], s20  }
0x9e: {  	_ =	swait.ge [sflag:s22], s20  }
0x9f: {  	s3 =	ssub.s32 $0x0, s20;
	[sflag:s22] =	ssyncset.done $0x0  }
0xa0: {  	[sflag:s22] =	ssyncadd.s32 s3;
	_ =	sdelay $0x1  }
0xa1: {  	s23 =	simm.s32 $0x1B8B  }
0xa2: {  	_ =	swait.ge [sflag:s23], $0x1  }
0xa3: {  	[sflag:s23] =	ssyncset.done $0x0  }
0xa4: {  	s25 =	simm.s32 $0x1B8E;
	s24 =	sld [smem:$0x3FFE];
	[sflag:s23] =	ssyncadd.s32 $0xFFFFFFFF  }
0xa5: {  	s26 =	simm.s32 $execute0_lowered;
	[smem:$0x3FD2] =	sst s25  }
0xa6: {  	s4 =	sshll.u32 s26, $0x1;
	_ =	strace $0x8000004C;
	[dreg:$0x1] =	wrdreg $0xFFFFFFFF  }
0xa7: {  	s28 =	simm.s32 $_size_execute0_lowered;
	s2 =	sadd.s32 s2, s4;
	[dreg:$0x0] =	wrdreg $0x0  }
0xa8: {  	s4 =	sshll.u32 s28, $0x1;
	[dreg:$0x2] =	wrdreg s2  }
0xa9: {  	[dreg:$0x3] =	wrdreg s4  }
0xaa: {  	[dreg:$0x4] =	wrdreg $0xC0  }
0xab: {  	_ =	task [dreg:s6], $0x5FFFF  }
0xac: {  	[dreg:$0x1] =	wrdreg $0xFFFFFFFF  }
0xad: {  	[dreg:$0x0] =	wrdreg $0x60  }
0xae: {  	[dreg:$0x2] =	wrdreg s24  }
0xaf: {  	[dreg:$0x3] =	wrdreg $0xAC000  }
0xb0: {  	[dreg:$0x4] =	wrdreg $0x9  }
0xb1: {  	_ =	task.clear_ibuf [dreg:s6], $0x5FFFF;
	_ =	strace $0x9000004C  }
0xb2: {  	s29 =	simm.s32 $0x9;
	_ =	strace $0x8000004E  }
0xb3: {  	_ =	swait.ge [sflag:s29], $0x1  }
0xb4: {  	[sflag:s29] =	ssyncadd.s32 $0xFFFFFFFF  }
0xb5: {  	_ =	strace $0x9000004E  }
0xb6: {  	_ =	sfence  }
0xb7: {  	s30 =	sld [smem:$0x0];
	_ =	sdelay $0x2  }
0xb8: {  	s31 =	sshll.u32 s1, $0xD;
	s1 =	sshrl.u32 s1, $0x2  }
0xb9: {  	s3 =	sand.u32 $0x4000, s31;
	s1 =	sadd.s32 s1, s30  }
0xba: {  	s0 =	sor.u32 s3, s0;
	s1 =	sshll.u32 s1, $0x11  }
0xbb: {  	s0 =	sor.u32 s1, s0  }
0xbc: {  	s0 =	sadd.s32 $0x8F2B, s0  }
0xbd: {  	[sflag:s0] =	ssyncadd.remote.s32 $0x1  }
0xbe: {  	_ =	sfence.sel $0xFFFF  }
0xbf: {  	[dreg:$0x0] =	wrdreg $0xFFFFFFFF;
	(pc) =	sbr.abs _section_cstart, $3  }
0xc0: {  	[dreg:$0x1] =	wrdreg $0xFFFFFFFF  }
0xc1: {  	_ =	task.clear_ibuf [dreg:s6], $0x2FFFF;
	_ =	strace $0x9FFFFFFF  }
0xc2: {  	(tm) =	ssettm $0x7FFFFFFF  }
0xc3: {  	_ =	shalt  }
tec
execute0_lowered:
.L_overlay_start_1:
0x0: {  	(tag) =	ssettag $0x1  }
0x1: {  	s0 =	rddreg [dreg:$0x0]  }
0x2: {  	s1 =	srdreg.scid;
	s2 =	rddreg [dreg:$0x1]  }
0x3: {  	s9 =	stileid.u32;
	s3 =	simm.s32 $0x0;
	s12 =	simm.s32 $0xA800  }
0x4: {  	s13 =	simm.s32 $0x6;
	s14 =	simm.s32 $0x50;
	s15 =	simm.s32 $0x800  }
0x5: {  	s16 =	simm.s32 $0x100;
	s17 =	simm.s32 $0x3000;
	s18 =	simm.s32 $0x200  }
0x6: {  	s19 =	simm.s32 $0x1;
	s21 =	simm.s32 $0x5;
	s22 =	simm.s32 $0x5800  }
0x7: {  	s23 =	simm.s32 $0x300;
	s24 =	simm.s32 $0x2;
	s28 =	simm.s32 $0x400  }
0x8: {  	s29 =	simm.s32 $0x3;
	s31 =	simm.s32 $0x500;
	s20 =	simm.s32 $0x780  }
0x9: {  	s1 =	sand.u32 $0x1, s1;
	s5 =	smul.u32 $0x13C00, s9;
	[smem:$0x7FF] =	sst s3  }
0xa: {  	s7 =	sadd.s32 $0xDA00, s0;
	s6 =	smul.u32 $0x4F000, s9;
	s9 =	sshll.u32 s9, $0xC  }
0xb: {  	s4 =	smul.u32 $0x13C000, s1;
	s8 =	sshll.u32 s1, $0x10;
	s1 =	ssub.s32 $0x2, s1  }
0xc: {  	_ =	strace $0x8000004D;
	s25 =	sor.u32 s9, s8;
	s10 =	sshrl.u32 s1, $0x1  }
0xd: {  	s6 =	sshrl.u32 s6, $0x2;
	s30 =	sadd.s32 s8, s7;
	s8 =	simm.s32 $0x0  }
0xe: {  	s5 =	sadd.s32 s5, s4;
	s4 =	sadd.s32 $0x2DA00, s0;
	s1 =	ssub.s32 s1, s10  }
0xf: {  	s6 =	sadd.s32 s6, s2;
	s5 =	sshrl.u32 s5, $0x3;
	s1 =	smax.u32 s1, $0x1  }
0x10: {  	s0 =	sadd.s32 s5, s0;
	s5 =	sadd.s32 s7, s25;
	[dreg:$0x7] =	wrdreg s1  }
.Ltmp0:
0x11: {  	s26 =	sadd.s32 $0x20, s5;
	[dreg:$0x3] =	wrdreg s5;
	(pc) =	sbr.rel .LBB2_1-.Ltmp0, $4  }
0x12: {  	s11 =	sadd.s32 s9, s30;
	s5 =	sadd.s32 $0x40, s5;
	[dreg:$0x4] =	wrdreg s26  }
0x13: {  	s9 =	simm.s32 $0x700;
	s0 =	sadd.s32 $0x55200, s0;
	[dreg:$0x5] =	wrdreg s5  }
0x14: {  	s10 =	simm.s32 $0x580;
	s7 =	simm.s32 $0x600;
	[dreg:$0x6] =	wrdreg s0  }
0x15: {  	v0 =	vimm.f32 $0.0e+00;
	s26 =	simm.s32 $0x8000;
	s0 =	simm.s32 $0x4;
	s5 =	simm.s32 $0x680  }
.LBB2_5:
0x16: {  	_ =	swait.ge [sflag:s24], $0x2800  }
0x17: {  	[sflag:s24] =	ssyncset.done $0x0  }
0x18: {  	[sflag:s24] =	ssyncadd.s32 $0xFFFFD800  }
0x19: {  	_ =	swait.ge [sflag:s0], $0x2800  }
0x1a: {  	[sflag:s0] =	ssyncset.done $0x0  }
0x1b: {  	[sflag:s0] =	ssyncadd.s32 $0xFFFFD800  }
0x1c: {  	[spmem:s2] =	stream.indirect.scatter.add.f32 [tilespmem:s26], [sflag:$0x4], $0x80, s20, s14, $0xb8;
	[tilespmem:$0x1E800] =	vst v63  }
.LBB2_7:
0x1d: {  	_ =	swait.ge [sflag:s29], $0x2800  }
0x1e: {  	[sflag:s29] =	ssyncset.done $0x0  }
0x1f: {  	[sflag:s29] =	ssyncadd.s32 $0xFFFFD800  }
0x20: {  	_ =	swait.ge [sflag:s0], $0x2800  }
0x21: {  	[sflag:s0] =	ssyncset.done $0x0  }
0x22: {  	s1 =	stileid.u32;
	[sflag:s0] =	ssyncadd.s32 $0xFFFFD800  }
0x23: {  	s1 =	sshll.u32 s1, $0x6;
	[bflag:$0x0] =	sbarrier.arrive $0xFFFF  }
0x24: {  	s8 =	sshrl.u32 s6, $0x3;
	s1 =	sor.u32 $0x1C06, s1;
	s25 =	rddreg [dreg:$0x6]  }
0x25: {  	[hbm:s25], [sflag:s1] =	dma.local [spmem:s8], $0x2780  }
0x26: {  	_ =	swait.ge [sflag:s13], $0x2780  }
0x27: {  	s25 =	rddreg [dreg:$0x8]  }
0x28: {  	s30 =	rddreg [dreg:$0x7];
	s8 =	sadd.s32 $0x1, s25  }
0x29: {  	p0 =	sne.s32 s8, s30  }
.Ltmp1:
0x2a: {  	_ = 	snop;
	(pc) =	sbr.rel @!p0 .LBB2_8-.Ltmp1, $3  }
0x2b: {  	_ =	sdelay $0x1  }
0x2c: {  	[sflag:s13] =	ssyncset.done $0x0  }
0x2d: {  	[sflag:s13] =	ssyncadd.s32 $0xFFFFD880  }
.LBB2_1:
0x2e: {  	[tilespmem:$0xA800] =	vst v0  }
0x2f: {  	[tilespmem:$0xA810] =	vst v0  }
0x30: {  	[tilespmem:$0xA820] =	vst v0  }
0x31: {  	[tilespmem:$0xA830] =	vst v0  }
0x32: {  	[tilespmem:$0xA840] =	vst v0  }
0x33: {  	[tilespmem:$0xA850] =	vst v0  }
0x34: {  	[tilespmem:$0xA860] =	vst v0  }
0x35: {  	[tilespmem:$0xA870] =	vst v0  }
0x36: {  	[tilespmem:$0xA880] =	vst v0  }
0x37: {  	[tilespmem:$0xA890] =	vst v0  }
0x38: {  	[tilespmem:$0xA8A0] =	vst v0  }
0x39: {  	[tilespmem:$0xA8B0] =	vst v0  }
0x3a: {  	[tilespmem:$0xA8C0] =	vst v0  }
0x3b: {  	[tilespmem:$0xA8D0] =	vst v0  }
0x3c: {  	[tilespmem:$0xA8E0] =	vst v0  }
0x3d: {  	[tilespmem:$0xA8F0] =	vst v0  }
0x3e: {  	[tilespmem:$0xA900] =	vst v0  }
0x3f: {  	[tilespmem:$0xA910] =	vst v0  }
0x40: {  	[tilespmem:$0xA920] =	vst v0  }
0x41: {  	[tilespmem:$0xA930] =	vst v0  }
0x42: {  	[tilespmem:$0xA940] =	vst v0  }
0x43: {  	[tilespmem:$0xA950] =	vst v0  }
0x44: {  	[tilespmem:$0xA960] =	vst v0  }
0x45: {  	[tilespmem:$0xA970] =	vst v0  }
0x46: {  	[tilespmem:$0xA980] =	vst v0  }
0x47: {  	[tilespmem:$0xA990] =	vst v0  }
0x48: {  	[tilespmem:$0xA9A0] =	vst v0  }
0x49: {  	[tilespmem:$0xA9B0] =	vst v0  }
0x4a: {  	[tilespmem:$0xA9C0] =	vst v0  }
0x4b: {  	[tilespmem:$0xA9D0] =	vst v0  }
0x4c: {  	[tilespmem:$0xA9E0] =	vst v0  }
0x4d: {  	[tilespmem:$0xA9F0] =	vst v0  }
0x4e: {  	[tilespmem:$0xAA00] =	vst v0  }
0x4f: {  	[tilespmem:$0xAA10] =	vst v0  }
0x50: {  	[tilespmem:$0xAA20] =	vst v0  }
0x51: {  	[tilespmem:$0xAA30] =	vst v0  }
0x52: {  	[tilespmem:$0xAA40] =	vst v0  }
0x53: {  	[tilespmem:$0xAA50] =	vst v0  }
0x54: {  	[tilespmem:$0xAA60] =	vst v0  }
0x55: {  	[tilespmem:$0xAA70] =	vst v0  }
0x56: {  	[tilespmem:$0xAA80] =	vst v0  }
0x57: {  	[tilespmem:$0xAA90] =	vst v0  }
0x58: {  	[tilespmem:$0xAAA0] =	vst v0  }
0x59: {  	[tilespmem:$0xAAB0] =	vst v0  }
0x5a: {  	[tilespmem:$0xAAC0] =	vst v0  }
0x5b: {  	[tilespmem:$0xAAD0] =	vst v0  }
0x5c: {  	[tilespmem:$0xAAE0] =	vst v0  }
0x5d: {  	[tilespmem:$0xAAF0] =	vst v0  }
0x5e: {  	[tilespmem:$0xAB00] =	vst v0  }
0x5f: {  	[tilespmem:$0xAB10] =	vst v0  }
0x60: {  	[tilespmem:$0xAB20] =	vst v0  }
0x61: {  	[tilespmem:$0xAB30] =	vst v0  }
0x62: {  	[tilespmem:$0xAB40] =	vst v0  }
0x63: {  	[tilespmem:$0xAB50] =	vst v0  }
0x64: {  	[tilespmem:$0xAB60] =	vst v0  }
0x65: {  	[tilespmem:$0xAB70] =	vst v0  }
0x66: {  	[tilespmem:$0xAB80] =	vst v0  }
0x67: {  	[tilespmem:$0xAB90] =	vst v0  }
0x68: {  	[tilespmem:$0xABA0] =	vst v0  }
0x69: {  	[tilespmem:$0xABB0] =	vst v0  }
0x6a: {  	[tilespmem:$0xABC0] =	vst v0  }
0x6b: {  	[tilespmem:$0xABD0] =	vst v0  }
0x6c: {  	[tilespmem:$0xABE0] =	vst v0  }
0x6d: {  	[tilespmem:$0xABF0] =	vst v0;
	s25 =	sadd.s32 $0x0, s6  }
0x6e: {  	[spmem:s25] =	stream.linear.scatter [tilespmem:s12], [sflag:$0x6], $0x400, $0x38;
	[tilespmem:$0x1E800] =	vst v63  }
0x6f: {  	s25 =	simm.s32 $0x1000;
	_ =	swait.ge [sflag:s13], $0x400  }
.LBB2_2:
0x70: {  	s30 =	sshra.s32 s25, $0x2;
	[sflag:s13] =	ssyncset.done $0x0;
	p0 =	sne.s32 s25, $0x4E000  }
.Ltmp2:
0x71: {  	s30 =	sadd.s32 s30, s6;
	[sflag:s13] =	ssyncadd.s32 $0xFFFFFC00;
	(pc) =	sbr.rel @p0 .LBB2_2-.Ltmp2, $3  }
0x72: {  	[spmem:s30] =	stream.linear.scatter [tilespmem:s12], [sflag:$0x6], $0x400, $0x38;
	[tilespmem:$0x1E800] =	vst v63  }
0x73: {  	s25 =	sadd.s32 $0x1000, s25;
	_ =	sdelay $0x1  }
0x74: {  	_ =	swait.ge [sflag:s13], $0x400  }
0x75: {  	[sflag:s13] =	ssyncset.done $0x0  }
0x76: {  	[dreg:$0x8] =	wrdreg s8;
	[sflag:s13] =	ssyncadd.s32 $0xFFFFFC00  }
0x77: {  	[bflag:$0x0] =	sbarrier.arrive $0xFFFF  }
0x78: {  	s25 =	simm.s32 $0x0;
	s1 =	rddreg [dreg:$0x3]  }
0x79: {  	[tilespmem:s25], [sflag:$0x6] =	stream.linear.gather [hbm4b:s1+s25], $0x100, $0x38;
	[tilespmem:$0x1E800] =	vst v63  }
0x7a: {  	_ =	swait.ge [sflag:s13], $0x100  }
0x7b: {  	[sflag:s13] =	ssyncset.done $0x0  }
0x7c: {  	[sflag:s13] =	ssyncadd.s32 $0xFFFFFF00  }
0x7d: {  	[tilespmem:s15], [sflag:$0x1] =	stream.indirect.gather [hbm4b:s4+s14], $0x80, s25, s14, $0xb8;
	[tilespmem:$0x1E800] =	vst v63  }
0x7e: {  	s8 =	rddreg [dreg:$0x4]  }
0x7f: {  	[tilespmem:s16], [sflag:$0x6] =	stream.linear.gather [hbm4b:s8+s25], $0x100, $0x38;
	[tilespmem:$0x1E800] =	vst v63  }
0x80: {  	_ =	swait.ge [sflag:s13], $0x100  }
0x81: {  	[sflag:s13] =	ssyncset.done $0x0  }
0x82: {  	[sflag:s13] =	ssyncadd.s32 $0xFFFFFF00  }
0x83: {  	[tilespmem:s17], [sflag:$0x2] =	stream.indirect.gather [hbm4b:s4+s14], $0x80, s16, s14, $0xb8;
	[tilespmem:$0x1E800] =	vst v63  }
0x84: {  	s30 =	rddreg [dreg:$0x5]  }
0x85: {  	[tilespmem:s18], [sflag:$0x5] =	stream.linear.gather [hbm4b:s30+s25], $0x100, $0x38;
	[tilespmem:$0x1E800] =	vst v63  }
.LBB2_4:
0x86: {  	_ =	swait.ge [sflag:s19], $0x2800  }
0x87: {  	p0 =	seq.s32 s25, $0x0;
	[sflag:s19] =	ssyncset.done $0x0  }
0x88: {  	s30 =	simm.s32 @!p0 $0x3;
	[sflag:s19] =	ssyncadd.s32 $0xFFFFD800  }
0x89: {  	_ =	swait.ge @!p0 [sflag:s30], $0x2800  }
0x8a: {  	[sflag:s30] =	ssyncset.done @!p0 $0x0  }
0x8b: {  	s1 =	simm.s32 $0x80;
	[sflag:s30] =	ssyncadd.s32 @!p0 $0xFFFFD800  }
0x8c: {  	[spmem:s2] =	stream.indirect.scatter.add.f32 [tilespmem:s15], [sflag:$0x3], $0x80, s1, s14, $0xb8;
	[tilespmem:$0x1E800] =	vst v63  }
0x8d: {  	_ =	swait.ge [sflag:s21], $0x100  }
0x8e: {  	[sflag:s21] =	ssyncset.done $0x0  }
0x8f: {  	s30 =	sadd.s32 s25, s11;
	[sflag:s21] =	ssyncadd.s32 $0xFFFFFF00  }
0x90: {  	[tilespmem:s22], [sflag:$0x1] =	stream.indirect.gather [hbm4b:s4+s14], $0x80, s18, s14, $0xb8;
	[tilespmem:$0x1E800] =	vst v63  }
0x91: {  	s8 =	sadd.s32 $0x60, s30  }
0x92: {  	[tilespmem:s23], [sflag:$0x5] =	stream.linear.gather [hbm4b:s8+s3], $0x100, $0x38;
	[tilespmem:$0x1E800] =	vst v63  }
0x93: {  	_ =	swait.ge [sflag:s24], $0x2800  }
0x94: {  	[sflag:s24] =	ssyncset.done $0x0  }
0x95: {  	s1 =	simm.s32 @!p0 $0x4;
	[sflag:s24] =	ssyncadd.s32 $0xFFFFD800  }
0x96: {  	_ =	swait.ge @!p0 [sflag:s1], $0x2800  }
0x97: {  	[sflag:s1] =	ssyncset.done @!p0 $0x0  }
0x98: {  	s8 =	simm.s32 $0x180;
	[sflag:s1] =	ssyncadd.s32 @!p0 $0xFFFFD800  }
0x99: {  	[spmem:s2] =	stream.indirect.scatter.add.f32 [tilespmem:s17], [sflag:$0x4], $0x80, s8, s14, $0xb8;
	[tilespmem:$0x1E800] =	vst v63  }
0x9a: {  	_ =	swait.ge [sflag:s21], $0x100  }
0x9b: {  	[sflag:s21] =	ssyncset.done $0x0  }
0x9c: {  	[sflag:s21] =	ssyncadd.s32 $0xFFFFFF00  }
0x9d: {  	[tilespmem:s26], [sflag:$0x2] =	stream.indirect.gather [hbm4b:s4+s14], $0x80, s23, s14, $0xb8;
	[tilespmem:$0x1E800] =	vst v63  }
0x9e: {  	s8 =	sadd.s32 $0x80, s30  }
0x9f: {  	[tilespmem:s28], [sflag:$0x5] =	stream.linear.gather [hbm4b:s8+s3], $0x100, $0x38;
	[tilespmem:$0x1E800] =	vst v63  }
0xa0: {  	_ =	swait.ge [sflag:s19], $0x2800  }
0xa1: {  	[sflag:s19] =	ssyncset.done $0x0  }
0xa2: {  	[sflag:s19] =	ssyncadd.s32 $0xFFFFD800  }
0xa3: {  	_ =	swait.ge [sflag:s29], $0x2800  }
0xa4: {  	[sflag:s29] =	ssyncset.done $0x0  }
0xa5: {  	s8 =	simm.s32 $0x280;
	[sflag:s29] =	ssyncadd.s32 $0xFFFFD800  }
0xa6: {  	[spmem:s2] =	stream.indirect.scatter.add.f32 [tilespmem:s22], [sflag:$0x3], $0x80, s8, s14, $0xb8;
	[tilespmem:$0x1E800] =	vst v63  }
0xa7: {  	_ =	swait.ge [sflag:s21], $0x100  }
0xa8: {  	[sflag:s21] =	ssyncset.done $0x0  }
0xa9: {  	[sflag:s21] =	ssyncadd.s32 $0xFFFFFF00  }
0xaa: {  	[tilespmem:s15], [sflag:$0x1] =	stream.indirect.gather [hbm4b:s4+s14], $0x80, s28, s14, $0xb8;
	[tilespmem:$0x1E800] =	vst v63  }
0xab: {  	s8 =	sadd.s32 $0xA0, s30  }
0xac: {  	[tilespmem:s31], [sflag:$0x5] =	stream.linear.gather [hbm4b:s8+s3], $0x100, $0x38;
	[tilespmem:$0x1E800] =	vst v63  }
0xad: {  	_ =	swait.ge [sflag:s24], $0x2800  }
0xae: {  	[sflag:s24] =	ssyncset.done $0x0  }
0xaf: {  	[sflag:s24] =	ssyncadd.s32 $0xFFFFD800  }
0xb0: {  	_ =	swait.ge [sflag:s0], $0x2800  }
0xb1: {  	[sflag:s0] =	ssyncset.done $0x0  }
0xb2: {  	s8 =	simm.s32 $0x380;
	[sflag:s0] =	ssyncadd.s32 $0xFFFFD800  }
0xb3: {  	[spmem:s2] =	stream.indirect.scatter.add.f32 [tilespmem:s26], [sflag:$0x4], $0x80, s8, s14, $0xb8;
	[tilespmem:$0x1E800] =	vst v63  }
0xb4: {  	_ =	swait.ge [sflag:s21], $0x100  }
0xb5: {  	[sflag:s21] =	ssyncset.done $0x0  }
0xb6: {  	[sflag:s21] =	ssyncadd.s32 $0xFFFFFF00  }
0xb7: {  	[tilespmem:s17], [sflag:$0x2] =	stream.indirect.gather [hbm4b:s4+s14], $0x80, s31, s14, $0xb8;
	[tilespmem:$0x1E800] =	vst v63  }
0xb8: {  	s8 =	sadd.s32 $0xC0, s30  }
0xb9: {  	[tilespmem:s7], [sflag:$0x5] =	stream.linear.gather [hbm4b:s8+s3], $0x100, $0x38;
	[tilespmem:$0x1E800] =	vst v63  }
0xba: {  	_ =	swait.ge [sflag:s19], $0x2800  }
0xbb: {  	[sflag:s19] =	ssyncset.done $0x0  }
0xbc: {  	[sflag:s19] =	ssyncadd.s32 $0xFFFFD800  }
0xbd: {  	_ =	swait.ge [sflag:s29], $0x2800  }
0xbe: {  	[sflag:s29] =	ssyncset.done $0x0  }
0xbf: {  	s8 =	simm.s32 $0x480;
	[sflag:s29] =	ssyncadd.s32 $0xFFFFD800  }
0xc0: {  	[spmem:s2] =	stream.indirect.scatter.add.f32 [tilespmem:s15], [sflag:$0x3], $0x80, s8, s14, $0xb8;
	[tilespmem:$0x1E800] =	vst v63  }
0xc1: {  	_ =	swait.ge [sflag:s21], $0x100  }
0xc2: {  	[sflag:s21] =	ssyncset.done $0x0  }
0xc3: {  	[sflag:s21] =	ssyncadd.s32 $0xFFFFFF00  }
0xc4: {  	[tilespmem:s22], [sflag:$0x1] =	stream.indirect.gather [hbm4b:s4+s14], $0x80, s7, s14, $0xb8;
	[tilespmem:$0x1E800] =	vst v63  }
0xc5: {  	s8 =	sadd.s32 $0xE0, s30  }
0xc6: {  	[tilespmem:s9], [sflag:$0x5] =	stream.linear.gather [hbm4b:s8+s3], $0x100, $0x38;
	[tilespmem:$0x1E800] =	vst v63  }
0xc7: {  	_ =	swait.ge [sflag:s24], $0x2800  }
0xc8: {  	[sflag:s24] =	ssyncset.done $0x0  }
0xc9: {  	[sflag:s24] =	ssyncadd.s32 $0xFFFFD800  }
0xca: {  	_ =	swait.ge [sflag:s0], $0x2800  }
0xcb: {  	p0 =	seq.s32 s25, $0xF00;
	[sflag:s0] =	ssyncset.done $0x0  }
0xcc: {  	s1 =	sadd.s32 @!p0 s25, s11;
	[sflag:s0] =	ssyncadd.s32 $0xFFFFD800  }
0xcd: {  	[spmem:s2] =	stream.indirect.scatter.add.f32 [tilespmem:s17], [sflag:$0x4], $0x80, s10, s14, $0xb8;
	[tilespmem:$0x1E800] =	vst v63  }
0xce: {  	s1 =	sadd.s32 @!p0 $0x100, s1;
	s8 =	simm.s32 @!p0 $0x0  }
0xcf: {  	[tilespmem:s8], [sflag:$0x5] =	stream.linear.gather @!p0 [hbm4b:s1+s8], $0x100, $0x38;
	[tilespmem:$0x1E800] =	vst v63  }
0xd0: {  	_ =	swait.ge [sflag:s21], $0x100  }
0xd1: {  	[sflag:s21] =	ssyncset.done $0x0  }
0xd2: {  	[sflag:s21] =	ssyncadd.s32 $0xFFFFFF00  }
0xd3: {  	[tilespmem:s26], [sflag:$0x2] =	stream.indirect.gather [hbm4b:s4+s14], $0x80, s9, s14, $0xb8;
	[tilespmem:$0x1E800] =	vst v63  }
0xd4: {  	_ =	swait.ge [sflag:s19], $0x2800  }
0xd5: {  	p0 =	sne.s32 s25, $0xF00;
	[sflag:s19] =	ssyncset.done $0x0  }
.Ltmp3:
0xd6: {  	[sflag:s19] =	ssyncadd.s32 $0xFFFFD800;
	(pc) =	sbr.rel @!p0 .LBB2_5-.Ltmp3, $4  }
0xd7: {  	_ =	swait.ge [sflag:s29], $0x2800  }
0xd8: {  	[sflag:s29] =	ssyncset.done $0x0  }
0xd9: {  	[sflag:s29] =	ssyncadd.s32 $0xFFFFD800  }
0xda: {  	[spmem:s2] =	stream.indirect.scatter.add.f32 [tilespmem:s22], [sflag:$0x3], $0x80, s5, s14, $0xb8;
	[tilespmem:$0x1E800] =	vst v63  }
0xdb: {  	_ =	swait.ge [sflag:s21], $0x100  }
0xdc: {  	[sflag:s21] =	ssyncset.done $0x0  }
0xdd: {  	[sflag:s21] =	ssyncadd.s32 $0xFFFFFF00  }
0xde: {  	[tilespmem:s15], [sflag:$0x1] =	stream.indirect.gather [hbm4b:s4+s14], $0x80, s3, s14, $0xb8;
	[tilespmem:$0x1E800] =	vst v63  }
0xdf: {  	s1 =	sadd.s32 $0x120, s30  }
0xe0: {  	[tilespmem:s16], [sflag:$0x5] =	stream.linear.gather [hbm4b:s1+s3], $0x100, $0x38;
	[tilespmem:$0x1E800] =	vst v63  }
0xe1: {  	_ =	swait.ge [sflag:s24], $0x2800  }
0xe2: {  	[sflag:s24] =	ssyncset.done $0x0  }
0xe3: {  	[sflag:s24] =	ssyncadd.s32 $0xFFFFD800  }
0xe4: {  	_ =	swait.ge [sflag:s0], $0x2800  }
0xe5: {  	[sflag:s0] =	ssyncset.done $0x0  }
0xe6: {  	s25 =	sadd.s32 $0x100, s25;
	[sflag:s0] =	ssyncadd.s32 $0xFFFFD800  }
0xe7: {  	[spmem:s2] =	stream.indirect.scatter.add.f32 [tilespmem:s26], [sflag:$0x4], $0x80, s20, s14, $0xb8;
	[tilespmem:$0x1E800] =	vst v63  }
0xe8: {  	p0 =	sne.s32 s25, $0x1000;
	_ =	swait.ge [sflag:s21], $0x100  }
.Ltmp4:
0xe9: {  	[sflag:s21] =	ssyncset.done $0x0;
	(pc) =	sbr.rel @p0 .LBB2_4-.Ltmp4, $4  }
.Ltmp5:
0xea: {  	[sflag:s21] =	ssyncadd.s32 $0xFFFFFF00;
	(pc) =	sbr.rel @!p0 .LBB2_7-.Ltmp5, $4  }
0xeb: {  	[tilespmem:s17], [sflag:$0x2] =	stream.indirect.gather [hbm4b:s4+s14], $0x80, s16, s14, $0xb8;
	[tilespmem:$0x1E800] =	vst v63  }
0xec: {  	s30 =	sadd.s32 $0x140, s30  }
0xed: {  	[tilespmem:s18], [sflag:$0x5] =	stream.linear.gather [hbm4b:s30+s3], $0x100, $0x38;
	[tilespmem:$0x1E800] =	vst v63  }
0xee: {  	_ = 	snop  }
.LBB2_8:
0xef: {  	_ =	sfence.sel $0x180000  }
0xf0: {  	[bflag:$0x0] =	sbarrier.arrive $0xFFFF  }
0xf1: {  	_ =	strace $0x9000004D  }
0xf2: {  	s0 =	stileid.u32;
	[bflag:$0x2] =	sbarrier.arrive $0xFFFF  }
0xf3: {  	p0 =	sne.s32 s0, $0x0;
	s0 =	rddreg [dreg:$0x2]  }
0xf4: {  	s0 =	sadd.s32 @!p0 $0x100000, s0  }
0xf5: {  	[sflag:s0] =	ssyncadd.tile.s32 @!p0 $0x1;
	_ =	shalt  }
.Lfunc_end2:
_tile_overlayer_lowered:
.L_overlay_start_2:
0xf6: {  	(tag) =	ssettag $0x2  }
0xf7: {  	s0 =	rddreg [dreg:$0x0];
	s2 =	stileid.u32  }
0xf8: {  	s1 =	rddreg [dreg:$0x1];
	p0 =	sne.s32 s2, $0x0  }
0xf9: {  	s3 =	rddreg [dreg:$0x2];
	[bflag:$0x3] =	sbarrier.arrive $0xFFFF;
	s2 =	simm.s32 @!p0 $0x1C06  }
0xfa: {  	[timem:s3], [sflag:s2] =	dma.local @!p0 [hbm:s0], s1  }
0xfb: {  	s0 =	simm.s32 @!p0 $0x6  }
0xfc: {  	_ =	swait.ge @!p0 [sflag:s0], s1  }
0xfd: {  	s1 =	ssub.s32 @!p0 $0x0, s1;
	[sflag:s0] =	ssyncset.done @!p0 $0x0  }
0xfe: {  	[sflag:s0] =	ssyncadd.s32 @!p0 s1  }
0xff: {  	[bflag:$0x3] =	sbarrier.arrive $0xFFFF  }
0x100: {  	_ =	shalt  }

// kernel: kernel.8.cloned.1.call-start
scs
__scs_entry_jumppad:
0x0: {  	(pc) =	sbr.rel $0x88, $3  }
0x1: {  	(tag) =	ssettag $0x0;
	lr =	simm.s32 $0x1  }
0x2: {  	[smem:$0x3F99] =	sst lr;
	_ =	strace $0xD0000000  }
0x3: {  	_ = 	snop  }
0x4: {  	_ = 	snop  }
0x5: {  	_ = 	snop  }
0x6: {  	_ = 	snop  }
0x7: {  	_ = 	snop  }
__scs_overlays_trampoline_lowered:
0x8: {  	[smem:$0x3FA8] =	sst s0  }
0x9: {  	[smem:$0x3FA9] =	sst s1  }
0xa: {  	[smem:$0x3FAA] =	sst s2  }
0xb: {  	[smem:$0x3FAB] =	sst s3  }
0xc: {  	[smem:$0x3FAC] =	sst s4  }
0xd: {  	[smem:$0x3FAD] =	sst s5  }
0xe: {  	[smem:$0x3FAE] =	sst s6  }
0xf: {  	[smem:$0x3FAF] =	sst s7  }
0x10: {  	[smem:$0x3FB0] =	sst s8  }
0x11: {  	[smem:$0x3FB1] =	sst s9;
	s0 =	simm.s32 @!p0 $0x0  }
0x12: {  	s1 =	sld [smem:$0x3F97];
	s0 =	simm.s32 @p0 $0x1  }
0x13: {  	[smem:$0x3FB2] =	sst s0;
	s0 =	simm.s32 @!p1 $0x0  }
0x14: {  	s2 =	sld [smem:$0x3F96];
	s0 =	simm.s32 @p1 $0x1  }
0x15: {  	[smem:$0x3FB3] =	sst s0;
	s0 =	simm.s32 @!p2 $0x0  }
0x16: {  	s3 =	sld [smem:$0x3FDB];
	s0 =	simm.s32 @p2 $0x1  }
0x17: {  	s4 =	simm.s32 $0x1BF5;
	[smem:$0x3FB5] =	sst s0  }
0x18: {  	s0 =	sld [smem:$0x3F98];
	_ =	swait.ge [sflag:s4], $0x0  }
0x19: {  	s7 =	sld [smem:$0x3F99]  }
0x1a: {  	s8 =	sadd.s32 $0xFFFFE003, lr  }
0x1b: {  	s9 =	sadd.s32 $0xFFFFFEF7, lr;
	s5 =	simm.s32 $0xFFFFFFFF;
	p2 =	slt.u32 s8, $0xFFFFF086  }
0x1c: {  	p1 =	slt.u32 s9, $0xF7A;
	s5 =	simm.s32 @!p2 $0x0  }
0x1d: {  	s5 =	simm.s32 @p1 $0x1;
	p0 =	seq.s32 s7, s2  }
0x1e: {  	s7 =	smul.u32 @!p0 $0xF7A, s2;
	p2 =	seq.s32 @!p0 s5, $0x0  }
0x1f: {  	s9 =	smul.u32 $0xF7A, s1;
	s8 =	simm.s32 @!p0 $0x1BF5;
	p2 =	por !p2, p0  }
0x20: {  	[sflag:s8] =	ssyncset.s32 @!p0 $0xFFFFF086;
	s6 =	sadd.s32 @!p0 s3, s7;
	s7 =	simm.s32 @!p0 $0x108  }
0x21: {  	s3 =	sadd.s32 s3, s9;
	s6 =	sadd.s32 @!p0 $0x88, s6;
	s7 =	simm.s32 @p2 $0x1082  }
0x22: {  	[simem:s7], [sflag:s8] =	dma.local @!p0 [hbm:s6], $0xF7A  }
0x23: {  	s9 =	sor.u32 $0xD0000000, s2;
	s6 =	simm.s32 $0x108;
	_ =	swait.ge @!p0 [sflag:s8], $0x0  }
0x24: {  	s3 =	sadd.s32 $0x88, s3;
	s6 =	simm.s32 @!p1 $0x1082;
	[sflag:s4] =	ssyncset.s32 $0xFFFFF086  }
0x25: {  	[simem:s6], [sflag:s4] =	dma.local [hbm:s3], $0xF7A  }
0x26: {  	[smem:$0x3F99] =	sst s1;
	(tag) =	ssettag s2;
	_ =	strace s9  }
0x27: {  	s1 =	sld [smem:$0x3FA9]  }
0x28: {  	s2 =	sld [smem:$0x3FAA]  }
0x29: {  	s4 =	sld [smem:$0x3FAC]  }
0x2a: {  	p0 =	seq.s32 s5, $0x0;
	s5 =	sld [smem:$0x3FAD]  }
0x2b: {  	s6 =	sld [smem:$0x3FAE]  }
0x2c: {  	s7 =	sld [smem:$0x3FAF]  }
0x2d: {  	s3 =	simm.s32 $0x108;
	s8 =	sld [smem:$0x3FB0]  }
0x2e: {  	s3 =	simm.s32 @!p0 $0x1082;
	s9 =	sld [smem:$0x3FB1]  }
0x2f: {  	lr =	sadd.s32 s0, s3;
	s0 =	sld [smem:$0x3FA8]  }
0x30: {  	s3 =	sld [smem:$0x3FAB]  }
0x31: {  	[smem:$0x3FB4] =	sst s10  }
0x32: {  	s10 =	sld [smem:$0x3FB2];
	_ =	sdelay $0x3  }
0x33: {  	p0 =	seq.s32 s10, $0x1;
	s10 =	sld [smem:$0x3FB4];
	_ =	sdelay $0x3  }
0x34: {  	[smem:$0x3FB4] =	sst s10  }
0x35: {  	s10 =	sld [smem:$0x3FB3];
	_ =	sdelay $0x3  }
0x36: {  	p1 =	seq.s32 s10, $0x1;
	s10 =	sld [smem:$0x3FB4];
	_ =	sdelay $0x3  }
0x37: {  	[smem:$0x3FB4] =	sst s10  }
0x38: {  	s10 =	sld [smem:$0x3FB5]  }
0x39: {  	_ = 	snop;
	(pc) =	sbr.ind lr, $3  }
0x3a: {  	_ = 	snop  }
0x3b: {  	_ = 	snop  }
0x3c: {  	p2 =	seq.s32 s10, $0x1;
	s10 =	sld [smem:$0x3FB4]  }
0x3d: {  	_ =	shalt  }
0x3e: {  	_ =	shalt  }
0x3f: {  	_ =	shalt  }
0x40: {  	_ =	shalt  }
0x41: {  	_ =	shalt  }
0x42: {  	_ =	shalt  }
0x43: {  	_ =	shalt  }
0x44: {  	_ =	shalt  }
0x45: {  	_ =	shalt  }
0x46: {  	_ =	shalt  }
0x47: {  	_ =	shalt  }
0x48: {  	_ =	shalt  }
0x49: {  	_ =	shalt  }
0x4a: {  	_ =	shalt  }
0x4b: {  	_ =	shalt  }
0x4c: {  	_ =	shalt  }
0x4d: {  	_ =	shalt  }
0x4e: {  	_ =	shalt  }
0x4f: {  	_ =	shalt  }
0x50: {  	_ =	shalt  }
0x51: {  	_ =	shalt  }
0x52: {  	_ =	shalt  }
0x53: {  	_ =	shalt  }
0x54: {  	_ =	shalt  }
0x55: {  	_ =	shalt  }
0x56: {  	_ =	shalt  }
0x57: {  	_ =	shalt  }
0x58: {  	_ =	shalt  }
0x59: {  	_ =	shalt  }
0x5a: {  	_ =	shalt  }
0x5b: {  	_ =	shalt  }
0x5c: {  	_ =	shalt  }
0x5d: {  	_ =	shalt  }
0x5e: {  	_ =	shalt  }
0x5f: {  	_ =	shalt  }
0x60: {  	_ =	shalt  }
0x61: {  	_ =	shalt  }
0x62: {  	_ =	shalt  }
0x63: {  	_ =	shalt  }
0x64: {  	_ =	shalt  }
0x65: {  	_ =	shalt  }
0x66: {  	_ =	shalt  }
0x67: {  	_ =	shalt  }
0x68: {  	_ =	shalt  }
0x69: {  	_ =	shalt  }
0x6a: {  	_ =	shalt  }
0x6b: {  	_ =	shalt  }
0x6c: {  	_ =	shalt  }
0x6d: {  	_ =	shalt  }
0x6e: {  	_ =	shalt  }
0x6f: {  	_ =	shalt  }
0x70: {  	_ =	shalt  }
0x71: {  	_ =	shalt  }
0x72: {  	_ =	shalt  }
0x73: {  	_ =	shalt  }
0x74: {  	_ =	shalt  }
0x75: {  	_ =	shalt  }
0x76: {  	_ =	shalt  }
0x77: {  	_ =	shalt  }
0x78: {  	_ =	shalt  }
0x79: {  	_ =	shalt  }
0x7a: {  	_ =	shalt  }
0x7b: {  	_ =	shalt  }
0x7c: {  	_ =	shalt  }
0x7d: {  	_ =	shalt  }
0x7e: {  	_ =	shalt  }
0x7f: {  	_ =	shalt  }
0x80: {  	_ =	shalt  }
0x81: {  	_ =	shalt  }
0x82: {  	_ =	shalt  }
0x83: {  	_ =	shalt  }
0x84: {  	_ =	shalt  }
0x85: {  	_ =	shalt  }
0x86: {  	_ =	shalt  }
0x87: {  	_ =	shalt  }
.Lfunc_end0:
.L_simem_size_0:
called_computation_lowered:
.L_overlay_start_0:
0x88: {  	s2 =	sld [smem:$0x3FD9]  }
0x89: {  	s3 =	sld [smem:$0x3FFE];
	_ =	sdelay $0x1  }
0x8a: {  	s1 =	srdreg.scid  }
0x8b: {  	s0 =	sand.u32 $0x1, s1  }
0x8c: {  	s17 =	sshll.u32 s0, $0xA;
	s2 =	sadd.s32 s3, s2  }
0x8d: {  	s2 =	sadd.s32 s2, s17  }
0x8e: {  	[smem:$0x3FC0] =	sst s2  }
0x8f: {  	_ = 	snop  }
0x90: {  	s2 =	sld [smem:$0x3FD0];
	(tm) =	ssettm $0x1  }
0x91: {  	s18 =	sld [smem:$0x3FFB];
	_ =	sdelay $0x3  }
0x92: {  	_ =	strace s18  }
0x93: {  	s3 =	sld [smem:$0x3FFC];
	_ =	sdelay $0x3  }
0x94: {  	_ =	strace s3  }
0x95: {  	s3 =	sld [smem:$0x3FFD];
	_ =	sdelay $0x3  }
0x96: {  	_ =	strace s3  }
0x97: {  	_ =	strace $0x8FFFFFFF  }
0x98: {  	s19 =	sld [smem:$0x3FDB];
	_ =	sdelay $0x1  }
0x99: {  	s4 =	simm.s32 $_scs_section_size  }
0x9a: {  	s5 =	simm.s32 $_size__tile_overlayer_lowered;
	s6 =	simm.s32 $_tile_overlayer_lowered  }
0x9b: {  	s22 =	simm.s32 $0x1BFF;
	s21 =	sshll.u32 s6, $0x1;
	s3 =	sadd.s32 s4, s19  }
0x9c: {  	s7 =	simm.s32 $0x0;
	s20 =	sshll.u32 s5, $0x1;
	s5 =	sadd.s32 s21, s3  }
0x9d: {  	[timem:s7], [sflag:s22] =	dma.local [hbm:s5], s20  }
0x9e: {  	_ =	swait.ge [sflag:s22], s20  }
0x9f: {  	s4 =	ssub.s32 $0x0, s20;
	[sflag:s22] =	ssyncset.done $0x0  }
0xa0: {  	[sflag:s22] =	ssyncadd.s32 s4;
	_ =	sdelay $0x1  }
0xa1: {  	s23 =	simm.s32 $0x1B8B  }
0xa2: {  	_ =	swait.ge [sflag:s23], $0x1  }
0xa3: {  	[sflag:s23] =	ssyncset.done $0x0  }
0xa4: {  	s25 =	simm.s32 $0x1B8E;
	s24 =	sld [smem:$0x3FFE];
	[sflag:s23] =	ssyncadd.s32 $0xFFFFFFFF  }
0xa5: {  	s26 =	simm.s32 $execute0_lowered;
	[smem:$0x3FD2] =	sst s25  }
0xa6: {  	s5 =	sshll.u32 s26, $0x1;
	_ =	strace $0x80000046;
	[dreg:$0x1] =	wrdreg $0xFFFFFFFF  }
0xa7: {  	s28 =	simm.s32 $_size_execute0_lowered;
	s3 =	sadd.s32 s3, s5;
	[dreg:$0x0] =	wrdreg $0x0  }
0xa8: {  	s5 =	sshll.u32 s28, $0x1;
	[dreg:$0x2] =	wrdreg s3  }
0xa9: {  	[dreg:$0x3] =	wrdreg s5  }
0xaa: {  	[dreg:$0x4] =	wrdreg $0xC0  }
0xab: {  	_ =	task [dreg:s7], $0x5FFFF  }
0xac: {  	[dreg:$0x1] =	wrdreg $0xFFFFFFFF  }
0xad: {  	[dreg:$0x0] =	wrdreg $0x60  }
0xae: {  	[dreg:$0x2] =	wrdreg s2  }
0xaf: {  	[dreg:$0x3] =	wrdreg s24  }
0xb0: {  	[dreg:$0x4] =	wrdreg $0x9  }
0xb1: {  	_ =	task.clear_ibuf [dreg:s7], $0x5FFFF;
	_ =	strace $0x90000046  }
0xb2: {  	s29 =	simm.s32 $0x9;
	_ =	strace $0x80000048  }
0xb3: {  	_ =	swait.ge [sflag:s29], $0x1  }
0xb4: {  	[sflag:s29] =	ssyncadd.s32 $0xFFFFFFFF  }
0xb5: {  	_ =	strace $0x90000048  }
0xb6: {  	_ =	sfence  }
0xb7: {  	s30 =	sld [smem:$0x0];
	_ =	sdelay $0x2  }
0xb8: {  	s31 =	sshll.u32 s1, $0xD;
	s1 =	sshrl.u32 s1, $0x2  }
0xb9: {  	s3 =	sand.u32 $0x4000, s31;
	s1 =	sadd.s32 s1, s30  }
0xba: {  	s0 =	sor.u32 s3, s0;
	s1 =	sshll.u32 s1, $0x11  }
0xbb: {  	s0 =	sor.u32 s1, s0  }
0xbc: {  	s0 =	sadd.s32 $0x8F2B, s0  }
0xbd: {  	[sflag:s0] =	ssyncadd.remote.s32 $0x1  }
0xbe: {  	_ =	sfence.sel $0xFFFF  }
0xbf: {  	[dreg:$0x0] =	wrdreg $0xFFFFFFFF;
	(pc) =	sbr.abs _section_cstart, $3  }
0xc0: {  	[dreg:$0x1] =	wrdreg $0xFFFFFFFF  }
0xc1: {  	_ =	task.clear_ibuf [dreg:s7], $0x2FFFF;
	_ =	strace $0x9FFFFFFF  }
0xc2: {  	(tm) =	ssettm $0x7FFFFFFF  }
0xc3: {  	_ =	shalt  }
tec
execute0_lowered:
.L_overlay_start_1:
0x0: {  	(tag) =	ssettag $0x1  }
0x1: {  	s0 =	srdreg.scid  }
0x2: {  	s3 =	sand.u32 $0x1, s0  }
0x3: {  	s0 =	stileid.u32;
	s1 =	sshll.u32 s3, $0x4  }
0x4: {  	s5 =	rddreg [dreg:$0x0];
	s4 =	sor.u32 s0, s1  }
0x5: {  	s6 =	rddreg [dreg:$0x1];
	s2 =	simm.s32 $0x0;
	s1 =	sshrl.u32 s4, $0x3  }
0x6: {  	s9 =	simm.s32 $0x400;
	s8 =	sshll.u32 s0, $0x7;
	s7 =	smul.u32 $0x13C00, s1  }
0x7: {  	s10 =	simm.s32 $0x0;
	s3 =	ssub.s32 $0x2, s3;
	s8 =	sand.u32 $0x380, s8  }
0x8: {  	[smem:$0x7FF] =	sst s2;
	s31 =	sshrl.u32 s3, $0x1;
	s7 =	sor.u32 s8, s7  }
0x9: {  	s4 =	smul.u32 $0x500, s4;
	s1 =	rddreg [dreg:$0x2];
	s7 =	sshrl.u32 s7, $0x3  }
0xa: {  	_ =	strace $0x80000047;
	s8 =	simm.s32 $0x80;
	s6 =	sadd.s32 s7, s6  }
0xb: {  	s7 =	ssub.s32 s3, s31;
	s3 =	sadd.s32 s5, s4;
	s4 =	sadd.s32 $0x3C00, s6  }
0xc: {  	v0 =	vimm.f32 $0.0e+00;
	v1 =	vimm.f32 $1.000000000e+00;
	s5 =	smax.u32 s7, $0x1;
	s6 =	simm.s32 $0x2780;
	s7 =	simm.s32 $0x1  }
.LBB2_1:
0xd: {  	s11 =	simm.s32 $0x40;
	s12 =	simm.s32 $0x0  }
.LBB2_2:
0xe: {  	p0 =	sne.s32 s11, $0x9DC0;
	[tilespmem:s12+$0x0] =	vst v0;
	s12 =	smov.u32 s11;
	s11 =	sadd.s32 $0x40, s11  }
.Ltmp0:
0xf: {  	(pc) =	sbr.rel @p0 .LBB2_2-.Ltmp0, $2  }
0x10: {  	_ =	sdelay $0x2  }
0x11: {  	s12 =	sshra.s32 s12, $0x2  }
0x12: {  	[tilespmem:s12+$0x0] =	vst v0;
	s11 =	simm.s32 $0x0  }
0x13: {  	[tilespmem:s6], [sflag:$0x1] =	stream.linear.gather [hbm4b:s3+s11], $0x2800, $0x38;
	[tilespmem:$0x4F80] =	vst v63  }
0x14: {  	_ =	swait.ge [sflag:s7], $0x2800  }
0x15: {  	[sflag:s7] =	ssyncset.done $0x0  }
0x16: {  	s12 =	simm.s32 $0x0;
	s11 =	simm.s32 $0x40;
	[sflag:s7] =	ssyncadd.s32 $0xFFFFD800  }
.LBB2_4:
0x17: {  	p0 =	sne.s32 s11, $0x9FC0;
	v2 =	vld [tilespmem:s12+$0x2780];
	_ =	sdelay $0x3  }
.Ltmp1:
0x18: {  	(pc) =	sbr.rel @p0 .LBB2_4-.Ltmp1, $2  }
0x19: {  	_ =	sdelay $0x2  }
0x1a: {  	s12 =	sshra.s32 s11, $0x2;
	s11 =	sadd.s32 $0x40, s11;
	[tilespmem:v2+s2+$0x0] =	vst.idx.add.f32.msk $0xffff, v1  }
0x1b: {  	v2 =	vld [tilespmem:s12+$0x2780];
	_ =	sdelay $0x5  }
0x1c: {  	s10 =	sadd.s32 $0x1, s10  }
0x1d: {  	p0 =	sne.s32 s10, s5  }
.Ltmp2:
0x1e: {  	[tilespmem:v2+s2+$0x0] =	vst.idx.add.f32.msk $0xffff, v1;
	(pc) =	sbr.rel @p0 .LBB2_1-.Ltmp2, $4  }
0x1f: {  	[hbm4b:s4+s8] =	stream.strided.scatter [tilespmem:s2], [sflag:$0x1], $0x2780, s9, s8, $0x38;
	[tilespmem:$0x4F80] =	vst v63  }
0x20: {  	_ =	swait.ge [sflag:s7], $0x2780  }
0x21: {  	[sflag:s7] =	ssyncset.done $0x0  }
0x22: {  	[sflag:s7] =	ssyncadd.s32 $0xFFFFD880  }
0x23: {  	_ =	sfence.sel $0x180000  }
0x24: {  	[bflag:$0x0] =	sbarrier.arrive $0xFFFF  }
0x25: {  	p0 =	sne.s32 s0, $0x0;
	_ =	strace $0x90000047  }
0x26: {  	s0 =	sadd.s32 @!p0 $0x100000, s1;
	[bflag:$0x2] =	sbarrier.arrive $0xFFFF  }
0x27: {  	[sflag:s0] =	ssyncadd.tile.s32 @!p0 $0x1;
	_ =	shalt  }
.Lfunc_end2:
_tile_overlayer_lowered:
.L_overlay_start_2:
0x28: {  	(tag) =	ssettag $0x2  }
0x29: {  	s0 =	rddreg [dreg:$0x0];
	s2 =	stileid.u32  }
0x2a: {  	s1 =	rddreg [dreg:$0x1];
	p0 =	sne.s32 s2, $0x0  }
0x2b: {  	s3 =	rddreg [dreg:$0x2];
	[bflag:$0x3] =	sbarrier.arrive $0xFFFF;
	s2 =	simm.s32 @!p0 $0x1C01  }
0x2c: {  	[timem:s3], [sflag:s2] =	dma.local @!p0 [hbm:s0], s1  }
0x2d: {  	s0 =	simm.s32 @!p0 $0x1  }
0x2e: {  	_ =	swait.ge @!p0 [sflag:s0], s1  }
0x2f: {  	s1 =	ssub.s32 @!p0 $0x0, s1;
	[sflag:s0] =	ssyncset.done @!p0 $0x0  }
0x30: {  	[sflag:s0] =	ssyncadd.s32 @!p0 s1  }
0x31: {  	[bflag:$0x3] =	sbarrier.arrive $0xFFFF  }
0x32: {  	_ =	shalt  }

</sc_bundles>
